<compile_context>
chip_gen: v7x
topology: tpu7x:2x2x1
jax: 0.10.2.dev20260603
libtpu: 0.0.44.dev20260713+nightly
codegen_flags: <defaults>
</compile_context>

<pallas_src>
import functools

import jax
import jax.numpy as jnp
from jax import lax
from jax.experimental import pallas as pl
from jax.experimental.pallas import tpu as pltpu
from jax.experimental.pallas import tpu_sc as plsc

N_NODES = 100000
D = 128
NSEG = 256
NC = 2
NS = 16
L = 16

COLS = D // NC
CHUNK = 512
NBUF = 2
ROWS_MAIN = 6256
ROWS_LAST = N_NODES - (NS - 1) * ROWS_MAIN
N_CHUNKS = -(-ROWS_MAIN // CHUNK)


@jax.jit
def _sum_nodes_sc(feat, sids):
    mesh = plsc.VectorSubcoreMesh(core_axis_name="c", subcore_axis_name="s")

    @functools.partial(
        pl.kernel,
        out_type=jax.ShapeDtypeStruct((NSEG, D), jnp.float32),
        mesh=mesh,
        compiler_params=pltpu.CompilerParams(
            use_tc_tiling_on_sc=False, needs_layout_passes=False),
        scratch_types=[
            pltpu.VMEM((NSEG, COLS), jnp.float32),
            pltpu.VMEM((NBUF, CHUNK, COLS), jnp.float32),
            pltpu.VMEM((NBUF, CHUNK), jnp.int32),
            pltpu.VMEM((L, COLS), jnp.float32),
            pltpu.VMEM((L, COLS), jnp.float32),
            pltpu.VMEM_SHARED((NS, NSEG, COLS), jnp.float32),
            pltpu.SemaphoreType.DMA((NBUF,)),
            pltpu.SemaphoreType.DMA((NBUF,)),
        ],
    )
    def k(feat_hbm, sid_hbm, out_hbm, acc, bufs, sbufs, tmp, racc, shared,
          semf, semi):
        c = lax.axis_index("c")
        s = lax.axis_index("s")
        col0 = c * COLS
        start = s * ROWS_MAIN
        rows = jnp.where(s == NS - 1, ROWS_LAST, ROWS_MAIN)

        def issue(kc, b):
            off = jnp.minimum(kc * CHUNK, rows - CHUNK)
            row0 = start + off
            pltpu.async_copy(
                feat_hbm.at[pl.ds(row0, CHUNK), pl.ds(col0, COLS)],
                bufs.at[b], semf.at[b])
            pltpu.async_copy(sid_hbm.at[pl.ds(row0, CHUNK)],
                             sbufs.at[b], semi.at[b])

        for n in range(NBUF - 1):
            issue(n, n)

        z = jnp.zeros((L,), jnp.float32)

        def zero_row(i, carry):
            for j in range(COLS // L):
                acc[i, pl.ds(j * L, L)] = z
            return carry

        lax.fori_loop(0, NSEG, zero_row, 0)

        col_idx = [j * L + lax.iota(jnp.int32, L) for j in range(COLS // L)]
        bcast_idx = [jnp.full((L, 1), i, dtype=jnp.int32) for i in range(L)]
        dnums = lax.GatherDimensionNumbers(
            offset_dims=(), collapsed_slice_dims=(0,), start_index_map=(0,))

        def bcast_lane(v, i):
            return lax.gather(
                v, bcast_idx[i], dnums, slice_sizes=(1,),
                mode=lax.GatherScatterMode.PROMISE_IN_BOUNDS)

        def chunk_body(kc, carry):
            b = lax.rem(kc, NBUF)
            pltpu.make_async_copy(
                feat_hbm.at[pl.ds(0, CHUNK), pl.ds(col0, COLS)],
                bufs.at[b], semf.at[b]).wait()
            pltpu.make_async_copy(
                sid_hbm.at[pl.ds(0, CHUNK)], sbufs.at[b], semi.at[b]).wait()

            nxt = kc + NBUF - 1

            @pl.when(nxt < N_CHUNKS)
            def _():
                issue(nxt, lax.rem(nxt, NBUF))

            g0 = jnp.maximum(0, (kc + 1) * CHUNK - rows) // L

            @plsc.parallel_loop(g0, CHUNK // L, unroll=2)
            def group_body(g):
                r0 = g * L
                segv = sbufs[b, pl.ds(r0, L)]
                segbs = [bcast_lane(segv, i) for i in range(L)]
                for j in range(COLS // L):
                    for i in range(L):
                        plsc.addupdate_scatter(
                            acc, [segbs[i], col_idx[j]],
                            bufs[b, r0 + i, pl.ds(j * L, L)])

            return carry

        lax.fori_loop(0, N_CHUNKS, chunk_body, 0)

        pltpu.sync_copy(acc, shared.at[s])
        plsc.subcore_barrier()

        pltpu.sync_copy(shared.at[0, pl.ds(s * L, L), :], racc)

        def red_body(kk, carry):
            pltpu.sync_copy(shared.at[kk, pl.ds(s * L, L), :], tmp)
            for i in range(L):
                for j in range(COLS // L):
                    plsc.addupdate(
                        racc.at[i, pl.ds(j * L, L)],
                        tmp[i, pl.ds(j * L, L)])
            return carry

        lax.fori_loop(1, NS, red_body, 0)

        pltpu.sync_copy(
            racc, out_hbm.at[pl.ds(s * L, L), pl.ds(col0, COLS)])

    return k(feat, sids)


def kernel(feat, segment_ids):
    return _sum_nodes_sc(feat, segment_ids.astype(jnp.int32))

# --- scband reference (transcript-rebuilt; emitter-appended) ---
"""Pipeline reference for scband-sum-nodes-38336878084696 (READ-ONLY COPY).

The authoritative reference and input builder live on the scoring server;
editing this copy changes nothing except your own understanding.
"""

import jax, jax.numpy as jnp
import numpy as np

N_NODES = 100000
D_FEAT = 128
NUM_SEGMENTS = 256

def setup_inputs(seed: int = 0) -> dict:
    key = jax.random.key(seed)
    k1, k2 = jax.random.split(key)
    feat = jax.random.normal(k1, (N_NODES, D_FEAT), dtype=jnp.float32)
    segment_ids = jnp.sort(jax.random.randint(k2, (N_NODES,), 0, NUM_SEGMENTS, dtype=jnp.int64))
    return {"feat": feat, "segment_ids": segment_ids}

def reference(feat, segment_ids):
    # dgl.sum_nodes: sum node features per graph in the batched graph.
    # Equivalent to a segment-sum over the graph-id of each node.
    out = jax.ops.segment_sum(feat, segment_ids, num_segments=NUM_SEGMENTS)
    return out

if __name__ == "__main__":
    import jax
    _d = setup_inputs()
    print(jax.jit(kernel)(*tuple(_d.values())))

</pallas_src>

<mosaic_0001>
#map = affine_map<(d0, d1) -> (0, 0)>
#map1 = affine_map<(d0, d1) -> (0)>
module attributes {stable_mosaic.version = 14 : i64} {
  func.func @k(%arg0: i32, %arg1: i32, %arg2: memref<100000x128xf32, #tpu.memory_space<hbm>>, %arg3: memref<100000xi32, #tpu.memory_space<hbm>>, %arg4: memref<256x128xf32, #tpu.memory_space<hbm>>, %arg5: memref<256x64xf32, #tpu.memory_space<vmem>>, %arg6: memref<2x512x64xf32, #tpu.memory_space<vmem>>, %arg7: memref<2x512xi32, #tpu.memory_space<vmem>>, %arg8: memref<16x64xf32, #tpu.memory_space<vmem>>, %arg9: memref<16x64xf32, #tpu.memory_space<vmem>>, %arg10: memref<16x256x64xf32, #tpu.memory_space<vmem_shared>>, %arg11: memref<2x!tpu.dma_semaphore, #tpu.memory_space<semaphore_mem>>, %arg12: memref<2x!tpu.dma_semaphore, #tpu.memory_space<semaphore_mem>>) attributes {dimension_semantics = [#tpu.dimension_semantics<core_parallel>, #tpu.dimension_semantics<subcore_parallel>], iteration_bounds = array<i64: 2, 16>, scalar_prefetch = 0 : i64, scratch_operands = 8 : i64, tpu.core_type = #tpu.core_type<sc_vector_subcore>, window_params = [{transform_indices = #map}, {transform_indices = #map1}, {transform_indices = #map}]} {
    %mul3A = arith.constant 64 : i32
    %mul3A_0 = arith.muli %arg0, %mul3A : i32
    %mul3A_1 = arith.constant 6256 : i32
    %mul3A_2 = arith.muli %arg1, %mul3A_1 : i32
    %eq3A = arith.constant 15 : i32
    %eq3A_3 = arith.cmpi eq, %arg1, %eq3A : i32
    %jit3A = arith.constant 6160 : i32
    %jit3A_4 = arith.constant 6256 : i32
    %select_n3A = arith.select %eq3A_3, %jit3A, %jit3A_4 : i32
    %sub3A = arith.constant 512 : i32
    %sub3A_5 = arith.subi %select_n3A, %sub3A : i32
    %min3A = arith.constant 0 : i32
    %min3A_6 = arith.minsi %min3A, %sub3A_5 : i32
    %add3A = arith.addi %mul3A_2, %min3A_6 : i32
    %dma_start3A = arith.constant 0 : i32
    %dma_start3A_7 = arith.constant 0 : i32
    %dma_start3A_8 = arith.constant 0 : i32
    %dma_start3A_9 = arith.constant 0 : i32
    %dma_start3A_10 = tpu.memref_slice %arg6[%dma_start3A, %dma_start3A_8, %dma_start3A_9] : memref<2x512x64xf32, #tpu.memory_space<vmem>> -> memref<1x512x64xf32, #tpu.memory_space<vmem>>
    %dma_start3A_11 = tpu.memref_squeeze %dma_start3A_10 : memref<1x512x64xf32, #tpu.memory_space<vmem>> -> memref<512x64xf32, #tpu.memory_space<vmem>>
    %dma_start3A_12 = tpu.memref_slice %arg2[%add3A, %mul3A_0] : memref<100000x128xf32, #tpu.memory_space<hbm>> -> memref<512x64xf32, #tpu.memory_space<hbm>>
    %dma_start3A_13 = tpu.memref_slice %arg11[%dma_start3A_7] : memref<2x!tpu.dma_semaphore, #tpu.memory_space<semaphore_mem>> -> memref<1x!tpu.dma_semaphore, #tpu.memory_space<semaphore_mem>>
    %dma_start3A_14 = tpu.memref_squeeze %dma_start3A_13 : memref<1x!tpu.dma_semaphore, #tpu.memory_space<semaphore_mem>> -> memref<!tpu.dma_semaphore, #tpu.memory_space<semaphore_mem>>
    %dma_start3A_15 = arith.constant 0 : i32
    %dma_start3A_16 = arith.constant 0 : i32
    %dma_start3A_17 = tpu.memref_slice %arg6[%dma_start3A, %dma_start3A_15, %dma_start3A_16] : memref<2x512x64xf32, #tpu.memory_space<vmem>> -> memref<1x512x64xf32, #tpu.memory_space<vmem>>
    %dma_start3A_18 = tpu.memref_squeeze %dma_start3A_17 : memref<1x512x64xf32, #tpu.memory_space<vmem>> -> memref<512x64xf32, #tpu.memory_space<vmem>>
    %dma_start3A_19 = tpu.memref_slice %arg2[%add3A, %mul3A_0] : memref<100000x128xf32, #tpu.memory_space<hbm>> -> memref<512x64xf32, #tpu.memory_space<hbm>>
    tpu.enqueue_dma source(%dma_start3A_19 : memref<512x64xf32, #tpu.memory_space<hbm>>) target(%dma_start3A_18 : memref<512x64xf32, #tpu.memory_space<vmem>>) target_semaphore(%dma_start3A_14 : memref<!tpu.dma_semaphore, #tpu.memory_space<semaphore_mem>>)
    %dma_start3A_20 = arith.constant 0 : i32
    %dma_start3A_21 = arith.constant 0 : i32
    %dma_start3A_22 = arith.constant 0 : i32
    %dma_start3A_23 = tpu.memref_slice %arg7[%dma_start3A_20, %dma_start3A_22] : memref<2x512xi32, #tpu.memory_space<vmem>> -> memref<1x512xi32, #tpu.memory_space<vmem>>
    %dma_start3A_24 = tpu.memref_squeeze %dma_start3A_23 : memref<1x512xi32, #tpu.memory_space<vmem>> -> memref<512xi32, #tpu.memory_space<vmem>>
    %dma_start3A_25 = tpu.memref_slice %arg3[%add3A] : memref<100000xi32, #tpu.memory_space<hbm>> -> memref<512xi32, #tpu.memory_space<hbm>>
    %dma_start3A_26 = tpu.memref_slice %arg12[%dma_start3A_21] : memref<2x!tpu.dma_semaphore, #tpu.memory_space<semaphore_mem>> -> memref<1x!tpu.dma_semaphore, #tpu.memory_space<semaphore_mem>>
    %dma_start3A_27 = tpu.memref_squeeze %dma_start3A_26 : memref<1x!tpu.dma_semaphore, #tpu.memory_space<semaphore_mem>> -> memref<!tpu.dma_semaphore, #tpu.memory_space<semaphore_mem>>
    %dma_start3A_28 = arith.constant 0 : i32
    %dma_start3A_29 = tpu.memref_slice %arg7[%dma_start3A_20, %dma_start3A_28] : memref<2x512xi32, #tpu.memory_space<vmem>> -> memref<1x512xi32, #tpu.memory_space<vmem>>
    %dma_start3A_30 = tpu.memref_squeeze %dma_start3A_29 : memref<1x512xi32, #tpu.memory_space<vmem>> -> memref<512xi32, #tpu.memory_space<vmem>>
    %dma_start3A_31 = tpu.memref_slice %arg3[%add3A] : memref<100000xi32, #tpu.memory_space<hbm>> -> memref<512xi32, #tpu.memory_space<hbm>>
    tpu.enqueue_dma source(%dma_start3A_31 : memref<512xi32, #tpu.memory_space<hbm>>) target(%dma_start3A_30 : memref<512xi32, #tpu.memory_space<vmem>>) target_semaphore(%dma_start3A_27 : memref<!tpu.dma_semaphore, #tpu.memory_space<semaphore_mem>>)
    %broadcast_in_dim3A = arith.constant 0.000000e+00 : f32
    %broadcast_in_dim3A_32 = vector.broadcast %broadcast_in_dim3A : f32 to vector<16xf32>
    %scan3A = arith.constant 0 : i32
    %scan3A_33 = arith.constant 0 : i32
    %scan3A_34 = arith.constant 256 : i32
    %scan3A_35 = arith.addi %scan3A_33, %scan3A_34 : i32
    %scan3A_36 = arith.constant 1 : i32
    scf.for %scan3A_101 = %scan3A_33 to %scan3A_35 step %scan3A_36  : i32 {
      %swap3A = arith.index_cast %scan3A_101 : i32 to index
      %swap3A_102 = arith.constant 0 : index
      %swap3A_103 = tpu.vector_load %arg5[%swap3A, %swap3A_102] {strides = array<i32>} : memref<256x64xf32, #tpu.memory_space<vmem>>, vector<16xf32>,
      tpu.vector_store %arg5[%swap3A, %swap3A_102], %broadcast_in_dim3A_32 {strides = array<i32>} : memref<256x64xf32, #tpu.memory_space<vmem>>, vector<16xf32>,
      %swap3A_104 = arith.index_cast %scan3A_101 : i32 to index
      %swap3A_105 = arith.constant 16 : index
      %swap3A_106 = tpu.vector_load %arg5[%swap3A_104, %swap3A_105] {strides = array<i32>} : memref<256x64xf32, #tpu.memory_space<vmem>>, vector<16xf32>,
      tpu.vector_store %arg5[%swap3A_104, %swap3A_105], %broadcast_in_dim3A_32 {strides = array<i32>} : memref<256x64xf32, #tpu.memory_space<vmem>>, vector<16xf32>,
      %swap3A_107 = arith.index_cast %scan3A_101 : i32 to index
      %swap3A_108 = arith.constant 32 : index
      %swap3A_109 = tpu.vector_load %arg5[%swap3A_107, %swap3A_108] {strides = array<i32>} : memref<256x64xf32, #tpu.memory_space<vmem>>, vector<16xf32>,
      tpu.vector_store %arg5[%swap3A_107, %swap3A_108], %broadcast_in_dim3A_32 {strides = array<i32>} : memref<256x64xf32, #tpu.memory_space<vmem>>, vector<16xf32>,
      %swap3A_110 = arith.index_cast %scan3A_101 : i32 to index
      %swap3A_111 = arith.constant 48 : index
      %swap3A_112 = tpu.vector_load %arg5[%swap3A_110, %swap3A_111] {strides = array<i32>} : memref<256x64xf32, #tpu.memory_space<vmem>>, vector<16xf32>,
      tpu.vector_store %arg5[%swap3A_110, %swap3A_111], %broadcast_in_dim3A_32 {strides = array<i32>} : memref<256x64xf32, #tpu.memory_space<vmem>>, vector<16xf32>,
    }
    %scan3A_37 = arith.constant 256 : i32
    %iota3A = tpu.iota {dimensions = array<i32: 0>} : vector<16xi32>
    %add3A_38 = arith.constant 0 : i32
    %add3A_39 = vector.broadcast %add3A_38 : i32 to vector<16xi32>
    %add3A_40 = arith.addi %add3A_39, %iota3A : vector<16xi32>
    %iota3A_41 = tpu.iota {dimensions = array<i32: 0>} : vector<16xi32>
    %add3A_42 = arith.constant 16 : i32
    %add3A_43 = vector.broadcast %add3A_42 : i32 to vector<16xi32>
    %add3A_44 = arith.addi %add3A_43, %iota3A_41 : vector<16xi32>
    %iota3A_45 = tpu.iota {dimensions = array<i32: 0>} : vector<16xi32>
    %add3A_46 = arith.constant 32 : i32
    %add3A_47 = vector.broadcast %add3A_46 : i32 to vector<16xi32>
    %add3A_48 = arith.addi %add3A_47, %iota3A_45 : vector<16xi32>
    %iota3A_49 = tpu.iota {dimensions = array<i32: 0>} : vector<16xi32>
    %add3A_50 = arith.constant 48 : i32
    %add3A_51 = vector.broadcast %add3A_50 : i32 to vector<16xi32>
    %add3A_52 = arith.addi %add3A_51, %iota3A_49 : vector<16xi32>
    %broadcast_in_dim3A_53 = arith.constant 0 : i32
    %broadcast_in_dim3A_54 = vector.broadcast %broadcast_in_dim3A_53 : i32 to vector<16x1xi32>
    %broadcast_in_dim3A_55 = arith.constant 1 : i32
    %broadcast_in_dim3A_56 = vector.broadcast %broadcast_in_dim3A_55 : i32 to vector<16x1xi32>
    %broadcast_in_dim3A_57 = arith.constant 2 : i32
    %broadcast_in_dim3A_58 = vector.broadcast %broadcast_in_dim3A_57 : i32 to vector<16x1xi32>
    %broadcast_in_dim3A_59 = arith.constant 3 : i32
    %broadcast_in_dim3A_60 = vector.broadcast %broadcast_in_dim3A_59 : i32 to vector<16x1xi32>
    %broadcast_in_dim3A_61 = arith.constant 4 : i32
    %broadcast_in_dim3A_62 = vector.broadcast %broadcast_in_dim3A_61 : i32 to vector<16x1xi32>
    %broadcast_in_dim3A_63 = arith.constant 5 : i32
    %broadcast_in_dim3A_64 = vector.broadcast %broadcast_in_dim3A_63 : i32 to vector<16x1xi32>
    %broadcast_in_dim3A_65 = arith.constant 6 : i32
    %broadcast_in_dim3A_66 = vector.broadcast %broadcast_in_dim3A_65 : i32 to vector<16x1xi32>
    %broadcast_in_dim3A_67 = arith.constant 7 : i32
    %broadcast_in_dim3A_68 = vector.broadcast %broadcast_in_dim3A_67 : i32 to vector<16x1xi32>
    %broadcast_in_dim3A_69 = arith.constant 8 : i32
    %broadcast_in_dim3A_70 = vector.broadcast %broadcast_in_dim3A_69 : i32 to vector<16x1xi32>
    %broadcast_in_dim3A_71 = arith.constant 9 : i32
    %broadcast_in_dim3A_72 = vector.broadcast %broadcast_in_dim3A_71 : i32 to vector<16x1xi32>
    %broadcast_in_dim3A_73 = arith.constant 10 : i32
    %broadcast_in_dim3A_74 = vector.broadcast %broadcast_in_dim3A_73 : i32 to vector<16x1xi32>
    %broadcast_in_dim3A_75 = arith.constant 11 : i32
    %broadcast_in_dim3A_76 = vector.broadcast %broadcast_in_dim3A_75 : i32 to vector<16x1xi32>
    %broadcast_in_dim3A_77 = arith.constant 12 : i32
    %broadcast_in_dim3A_78 = vector.broadcast %broadcast_in_dim3A_77 : i32 to vector<16x1xi32>
    %broadcast_in_dim3A_79 = arith.constant 13 : i32
    %broadcast_in_dim3A_80 = vector.broadcast %broadcast_in_dim3A_79 : i32 to vector<16x1xi32>
    %broadcast_in_dim3A_81 = arith.constant 14 : i32
    %broadcast_in_dim3A_82 = vector.broadcast %broadcast_in_dim3A_81 : i32 to vector<16x1xi32>
    %broadcast_in_dim3A_83 = arith.constant 15 : i32
    %broadcast_in_dim3A_84 = vector.broadcast %broadcast_in_dim3A_83 : i32 to vector<16x1xi32>
    %scan3A_85 = arith.constant 0 : i32
    %scan3A_86 = arith.constant 0 : i32
    %scan3A_87 = arith.constant 13 : i32
    %scan3A_88 = arith.addi %scan3A_86, %scan3A_87 : i32
    %scan3A_89 = arith.constant 1 : i32
    scf.for %scan3A_101 = %scan3A_86 to %scan3A_88 step %scan3A_89  : i32 {
      %rem3A = arith.constant 2 : i32
      %rem3A_102 = arith.remsi %scan3A_101, %rem3A : i32
      %dma_wait3A = arith.constant 0 : i32
      %dma_wait3A_103 = arith.constant 0 : i32
      %dma_wait3A_104 = tpu.memref_slice %arg6[%rem3A_102, %dma_wait3A, %dma_wait3A_103] : memref<2x512x64xf32, #tpu.memory_space<vmem>> -> memref<1x512x64xf32, #tpu.memory_space<vmem>>
      %dma_wait3A_105 = tpu.memref_squeeze %dma_wait3A_104 : memref<1x512x64xf32, #tpu.memory_space<vmem>> -> memref<512x64xf32, #tpu.memory_space<vmem>>
      %dma_wait3A_106 = arith.constant 0 : i32
      %dma_wait3A_107 = tpu.memref_slice %arg2[%dma_wait3A_106, %mul3A_0] : memref<100000x128xf32, #tpu.memory_space<hbm>> -> memref<512x64xf32, #tpu.memory_space<hbm>>
      %dma_wait3A_108 = tpu.memref_slice %arg11[%rem3A_102] : memref<2x!tpu.dma_semaphore, #tpu.memory_space<semaphore_mem>> -> memref<1x!tpu.dma_semaphore, #tpu.memory_space<semaphore_mem>>
      %dma_wait3A_109 = tpu.memref_squeeze %dma_wait3A_108 : memref<1x!tpu.dma_semaphore, #tpu.memory_space<semaphore_mem>> -> memref<!tpu.dma_semaphore, #tpu.memory_space<semaphore_mem>>
      %dma_wait3A_110 = arith.constant 0 : i32
      %dma_wait3A_111 = arith.constant 0 : i32
      %dma_wait3A_112 = tpu.memref_slice %arg6[%rem3A_102, %dma_wait3A_110, %dma_wait3A_111] : memref<2x512x64xf32, #tpu.memory_space<vmem>> -> memref<1x512x64xf32, #tpu.memory_space<vmem>>
      %dma_wait3A_113 = tpu.memref_squeeze %dma_wait3A_112 : memref<1x512x64xf32, #tpu.memory_space<vmem>> -> memref<512x64xf32, #tpu.memory_space<vmem>>
      %dma_wait3A_114 = arith.constant 0 : i32
      %dma_wait3A_115 = tpu.memref_slice %arg2[%dma_wait3A_114, %mul3A_0] : memref<100000x128xf32, #tpu.memory_space<hbm>> -> memref<512x64xf32, #tpu.memory_space<hbm>>
      tpu.wait_dma2 semaphore(%dma_wait3A_109 : memref<!tpu.dma_semaphore, #tpu.memory_space<semaphore_mem>>) src(%dma_wait3A_115 : memref<512x64xf32, #tpu.memory_space<hbm>>) dst(%dma_wait3A_113 : memref<512x64xf32, #tpu.memory_space<vmem>>)
      %dma_wait3A_116 = arith.constant 0 : i32
      %dma_wait3A_117 = tpu.memref_slice %arg7[%rem3A_102, %dma_wait3A_116] : memref<2x512xi32, #tpu.memory_space<vmem>> -> memref<1x512xi32, #tpu.memory_space<vmem>>
      %dma_wait3A_118 = tpu.memref_squeeze %dma_wait3A_117 : memref<1x512xi32, #tpu.memory_space<vmem>> -> memref<512xi32, #tpu.memory_space<vmem>>
      %dma_wait3A_119 = arith.constant 0 : i32
      %dma_wait3A_120 = tpu.memref_slice %arg3[%dma_wait3A_119] : memref<100000xi32, #tpu.memory_space<hbm>> -> memref<512xi32, #tpu.memory_space<hbm>>
      %dma_wait3A_121 = tpu.memref_slice %arg12[%rem3A_102] : memref<2x!tpu.dma_semaphore, #tpu.memory_space<semaphore_mem>> -> memref<1x!tpu.dma_semaphore, #tpu.memory_space<semaphore_mem>>
      %dma_wait3A_122 = tpu.memref_squeeze %dma_wait3A_121 : memref<1x!tpu.dma_semaphore, #tpu.memory_space<semaphore_mem>> -> memref<!tpu.dma_semaphore, #tpu.memory_space<semaphore_mem>>
      %dma_wait3A_123 = arith.constant 0 : i32
      %dma_wait3A_124 = tpu.memref_slice %arg7[%rem3A_102, %dma_wait3A_123] : memref<2x512xi32, #tpu.memory_space<vmem>> -> memref<1x512xi32, #tpu.memory_space<vmem>>
      %dma_wait3A_125 = tpu.memref_squeeze %dma_wait3A_124 : memref<1x512xi32, #tpu.memory_space<vmem>> -> memref<512xi32, #tpu.memory_space<vmem>>
      %dma_wait3A_126 = arith.constant 0 : i32
      %dma_wait3A_127 = tpu.memref_slice %arg3[%dma_wait3A_126] : memref<100000xi32, #tpu.memory_space<hbm>> -> memref<512xi32, #tpu.memory_space<hbm>>
      tpu.wait_dma2 semaphore(%dma_wait3A_122 : memref<!tpu.dma_semaphore, #tpu.memory_space<semaphore_mem>>) src(%dma_wait3A_127 : memref<512xi32, #tpu.memory_space<hbm>>) dst(%dma_wait3A_125 : memref<512xi32, #tpu.memory_space<vmem>>)
      %add3A_128 = arith.constant 2 : i32
      %add3A_129 = arith.addi %scan3A_101, %add3A_128 : i32
      %sub3A_130 = arith.constant 1 : i32
      %sub3A_131 = arith.subi %add3A_129, %sub3A_130 : i32
      %lt3A = arith.constant 13 : i32
      %lt3A_132 = arith.cmpi slt, %sub3A_131, %lt3A : i32
      %convert_element_type3A = arith.extui %lt3A_132 : i1 to i32
      %cond3A = arith.constant 0 : i32
      %cond3A_133 = arith.cmpi ne, %convert_element_type3A, %cond3A : i32
      scf.if %cond3A_133 {
        %rem3A_161 = arith.constant 2 : i32
        %rem3A_162 = arith.remsi %sub3A_131, %rem3A_161 : i32
        %mul3A_163 = arith.constant 512 : i32
        %mul3A_164 = arith.muli %sub3A_131, %mul3A_163 : i32
        %sub3A_165 = arith.constant 512 : i32
        %sub3A_166 = arith.subi %select_n3A, %sub3A_165 : i32
        %min3A_167 = arith.minsi %mul3A_164, %sub3A_166 : i32
        %add3A_168 = arith.addi %mul3A_2, %min3A_167 : i32
        %dma_start3A_169 = arith.constant 0 : i32
        %dma_start3A_170 = arith.constant 0 : i32
        %dma_start3A_171 = tpu.memref_slice %arg6[%rem3A_162, %dma_start3A_169, %dma_start3A_170] : memref<2x512x64xf32, #tpu.memory_space<vmem>> -> memref<1x512x64xf32, #tpu.memory_space<vmem>>
        %dma_start3A_172 = tpu.memref_squeeze %dma_start3A_171 : memref<1x512x64xf32, #tpu.memory_space<vmem>> -> memref<512x64xf32, #tpu.memory_space<vmem>>
        %dma_start3A_173 = tpu.memref_slice %arg2[%add3A_168, %mul3A_0] : memref<100000x128xf32, #tpu.memory_space<hbm>> -> memref<512x64xf32, #tpu.memory_space<hbm>>
        %dma_start3A_174 = tpu.memref_slice %arg11[%rem3A_162] : memref<2x!tpu.dma_semaphore, #tpu.memory_space<semaphore_mem>> -> memref<1x!tpu.dma_semaphore, #tpu.memory_space<semaphore_mem>>
        %dma_start3A_175 = tpu.memref_squeeze %dma_start3A_174 : memref<1x!tpu.dma_semaphore, #tpu.memory_space<semaphore_mem>> -> memref<!tpu.dma_semaphore, #tpu.memory_space<semaphore_mem>>
        %dma_start3A_176 = arith.constant 0 : i32
        %dma_start3A_177 = arith.constant 0 : i32
        %dma_start3A_178 = tpu.memref_slice %arg6[%rem3A_162, %dma_start3A_176, %dma_start3A_177] : memref<2x512x64xf32, #tpu.memory_space<vmem>> -> memref<1x512x64xf32, #tpu.memory_space<vmem>>
        %dma_start3A_179 = tpu.memref_squeeze %dma_start3A_178 : memref<1x512x64xf32, #tpu.memory_space<vmem>> -> memref<512x64xf32, #tpu.memory_space<vmem>>
        %dma_start3A_180 = tpu.memref_slice %arg2[%add3A_168, %mul3A_0] : memref<100000x128xf32, #tpu.memory_space<hbm>> -> memref<512x64xf32, #tpu.memory_space<hbm>>
        tpu.enqueue_dma source(%dma_start3A_180 : memref<512x64xf32, #tpu.memory_space<hbm>>) target(%dma_start3A_179 : memref<512x64xf32, #tpu.memory_space<vmem>>) target_semaphore(%dma_start3A_175 : memref<!tpu.dma_semaphore, #tpu.memory_space<semaphore_mem>>)
        %dma_start3A_181 = arith.constant 0 : i32
        %dma_start3A_182 = tpu.memref_slice %arg7[%rem3A_162, %dma_start3A_181] : memref<2x512xi32, #tpu.memory_space<vmem>> -> memref<1x512xi32, #tpu.memory_space<vmem>>
        %dma_start3A_183 = tpu.memref_squeeze %dma_start3A_182 : memref<1x512xi32, #tpu.memory_space<vmem>> -> memref<512xi32, #tpu.memory_space<vmem>>
        %dma_start3A_184 = tpu.memref_slice %arg3[%add3A_168] : memref<100000xi32, #tpu.memory_space<hbm>> -> memref<512xi32, #tpu.memory_space<hbm>>
        %dma_start3A_185 = tpu.memref_slice %arg12[%rem3A_162] : memref<2x!tpu.dma_semaphore, #tpu.memory_space<semaphore_mem>> -> memref<1x!tpu.dma_semaphore, #tpu.memory_space<semaphore_mem>>
        %dma_start3A_186 = tpu.memref_squeeze %dma_start3A_185 : memref<1x!tpu.dma_semaphore, #tpu.memory_space<semaphore_mem>> -> memref<!tpu.dma_semaphore, #tpu.memory_space<semaphore_mem>>
        %dma_start3A_187 = arith.constant 0 : i32
        %dma_start3A_188 = tpu.memref_slice %arg7[%rem3A_162, %dma_start3A_187] : memref<2x512xi32, #tpu.memory_space<vmem>> -> memref<1x512xi32, #tpu.memory_space<vmem>>
        %dma_start3A_189 = tpu.memref_squeeze %dma_start3A_188 : memref<1x512xi32, #tpu.memory_space<vmem>> -> memref<512xi32, #tpu.memory_space<vmem>>
        %dma_start3A_190 = tpu.memref_slice %arg3[%add3A_168] : memref<100000xi32, #tpu.memory_space<hbm>> -> memref<512xi32, #tpu.memory_space<hbm>>
        tpu.enqueue_dma source(%dma_start3A_190 : memref<512xi32, #tpu.memory_space<hbm>>) target(%dma_start3A_189 : memref<512xi32, #tpu.memory_space<vmem>>) target_semaphore(%dma_start3A_186 : memref<!tpu.dma_semaphore, #tpu.memory_space<semaphore_mem>>)
      } else {
      }
      %add3A_134 = arith.constant 1 : i32
      %add3A_135 = arith.addi %scan3A_101, %add3A_134 : i32
      %mul3A_136 = arith.constant 512 : i32
      %mul3A_137 = arith.muli %add3A_135, %mul3A_136 : i32
      %sub3A_138 = arith.subi %mul3A_137, %select_n3A : i32
      %max3A = arith.constant 0 : i32
      %max3A_139 = arith.maxsi %max3A, %sub3A_138 : i32
      %jit3A_140 = arith.constant 16 : i32
      %div3A = arith.divsi %max3A_139, %jit3A_140 : i32
      %sign3A = arith.constant 0 : i32
      %sign3A_141 = arith.cmpi sgt, %max3A_139, %sign3A : i32
      %sign3A_142 = arith.extui %sign3A_141 : i1 to i32
      %sign3A_143 = arith.constant 0 : i32
      %sign3A_144 = arith.cmpi slt, %max3A_139, %sign3A_143 : i32
      %sign3A_145 = arith.extui %sign3A_144 : i1 to i32
      %sign3A_146 = arith.subi %sign3A_142, %sign3A_145 : i32
      %sign3A_147 = arith.constant 0 : i32
      %sign3A_148 = arith.cmpi sgt, %jit3A_140, %sign3A_147 : i32
      %sign3A_149 = arith.extui %sign3A_148 : i1 to i32
      %sign3A_150 = arith.constant 0 : i32
      %sign3A_151 = arith.cmpi slt, %jit3A_140, %sign3A_150 : i32
      %sign3A_152 = arith.extui %sign3A_151 : i1 to i32
      %sign3A_153 = arith.subi %sign3A_149, %sign3A_152 : i32
      %ne3A = arith.cmpi ne, %sign3A_146, %sign3A_153 : i32
      %rem3A_154 = arith.remsi %max3A_139, %jit3A_140 : i32
      %ne3A_155 = arith.constant 0 : i32
      %ne3A_156 = arith.cmpi ne, %rem3A_154, %ne3A_155 : i32
      %and3A = arith.andi %ne3A, %ne3A_156 : i1
      %sub3A_157 = arith.constant 1 : i32
      %sub3A_158 = arith.subi %div3A, %sub3A_157 : i32
      %select_n3A_159 = arith.select %and3A, %sub3A_158, %div3A : i32
      %parallel_loop3A = arith.constant 32 : i32
      %parallel_loop3A_160 = arith.constant 1 : i32
      scf.for %parallel_loop3A_161 = %select_n3A_159 to %parallel_loop3A step %parallel_loop3A_160  : i32 {
        %parallel_loop3A_162 = arith.constant 16 : i32
        %parallel_loop3A_163 = arith.muli %parallel_loop3A_161, %parallel_loop3A_162 : i32
        %parallel_loop3A_164 = arith.index_cast %rem3A_102 : i32 to index
        %parallel_loop3A_165 = arith.index_cast %parallel_loop3A_163 : i32 to index
        %parallel_loop3A_166 = tpu.vector_load %arg7[%parallel_loop3A_164, %parallel_loop3A_165] {strides = array<i32>} : memref<2x512xi32, #tpu.memory_space<vmem>>, vector<16xi32>,
        %parallel_loop3A_167 = vector.shape_cast %broadcast_in_dim3A_54 : vector<16x1xi32> to vector<16xi32>
        %parallel_loop3A_168 = tpu.dynamic_gather %parallel_loop3A_166[%parallel_loop3A_167] in [0] : vector<16xi32>, vector<16xi32> -> vector<16xi32>
        %parallel_loop3A_169 = vector.shape_cast %broadcast_in_dim3A_56 : vector<16x1xi32> to vector<16xi32>
        %parallel_loop3A_170 = tpu.dynamic_gather %parallel_loop3A_166[%parallel_loop3A_169] in [0] : vector<16xi32>, vector<16xi32> -> vector<16xi32>
        %parallel_loop3A_171 = vector.shape_cast %broadcast_in_dim3A_58 : vector<16x1xi32> to vector<16xi32>
        %parallel_loop3A_172 = tpu.dynamic_gather %parallel_loop3A_166[%parallel_loop3A_171] in [0] : vector<16xi32>, vector<16xi32> -> vector<16xi32>
        %parallel_loop3A_173 = vector.shape_cast %broadcast_in_dim3A_60 : vector<16x1xi32> to vector<16xi32>
        %parallel_loop3A_174 = tpu.dynamic_gather %parallel_loop3A_166[%parallel_loop3A_173] in [0] : vector<16xi32>, vector<16xi32> -> vector<16xi32>
        %parallel_loop3A_175 = vector.shape_cast %broadcast_in_dim3A_62 : vector<16x1xi32> to vector<16xi32>
        %parallel_loop3A_176 = tpu.dynamic_gather %parallel_loop3A_166[%parallel_loop3A_175] in [0] : vector<16xi32>, vector<16xi32> -> vector<16xi32>
        %parallel_loop3A_177 = vector.shape_cast %broadcast_in_dim3A_64 : vector<16x1xi32> to vector<16xi32>
        %parallel_loop3A_178 = tpu.dynamic_gather %parallel_loop3A_166[%parallel_loop3A_177] in [0] : vector<16xi32>, vector<16xi32> -> vector<16xi32>
        %parallel_loop3A_179 = vector.shape_cast %broadcast_in_dim3A_66 : vector<16x1xi32> to vector<16xi32>
        %parallel_loop3A_180 = tpu.dynamic_gather %parallel_loop3A_166[%parallel_loop3A_179] in [0] : vector<16xi32>, vector<16xi32> -> vector<16xi32>
        %parallel_loop3A_181 = vector.shape_cast %broadcast_in_dim3A_68 : vector<16x1xi32> to vector<16xi32>
        %parallel_loop3A_182 = tpu.dynamic_gather %parallel_loop3A_166[%parallel_loop3A_181] in [0] : vector<16xi32>, vector<16xi32> -> vector<16xi32>
        %parallel_loop3A_183 = vector.shape_cast %broadcast_in_dim3A_70 : vector<16x1xi32> to vector<16xi32>
        %parallel_loop3A_184 = tpu.dynamic_gather %parallel_loop3A_166[%parallel_loop3A_183] in [0] : vector<16xi32>, vector<16xi32> -> vector<16xi32>
        %parallel_loop3A_185 = vector.shape_cast %broadcast_in_dim3A_72 : vector<16x1xi32> to vector<16xi32>
        %parallel_loop3A_186 = tpu.dynamic_gather %parallel_loop3A_166[%parallel_loop3A_185] in [0] : vector<16xi32>, vector<16xi32> -> vector<16xi32>
        %parallel_loop3A_187 = vector.shape_cast %broadcast_in_dim3A_74 : vector<16x1xi32> to vector<16xi32>
        %parallel_loop3A_188 = tpu.dynamic_gather %parallel_loop3A_166[%parallel_loop3A_187] in [0] : vector<16xi32>, vector<16xi32> -> vector<16xi32>
        %parallel_loop3A_189 = vector.shape_cast %broadcast_in_dim3A_76 : vector<16x1xi32> to vector<16xi32>
        %parallel_loop3A_190 = tpu.dynamic_gather %parallel_loop3A_166[%parallel_loop3A_189] in [0] : vector<16xi32>, vector<16xi32> -> vector<16xi32>
        %parallel_loop3A_191 = vector.shape_cast %broadcast_in_dim3A_78 : vector<16x1xi32> to vector<16xi32>
        %parallel_loop3A_192 = tpu.dynamic_gather %parallel_loop3A_166[%parallel_loop3A_191] in [0] : vector<16xi32>, vector<16xi32> -> vector<16xi32>
        %parallel_loop3A_193 = vector.shape_cast %broadcast_in_dim3A_80 : vector<16x1xi32> to vector<16xi32>
        %parallel_loop3A_194 = tpu.dynamic_gather %parallel_loop3A_166[%parallel_loop3A_193] in [0] : vector<16xi32>, vector<16xi32> -> vector<16xi32>
        %parallel_loop3A_195 = vector.shape_cast %broadcast_in_dim3A_82 : vector<16x1xi32> to vector<16xi32>
        %parallel_loop3A_196 = tpu.dynamic_gather %parallel_loop3A_166[%parallel_loop3A_195] in [0] : vector<16xi32>, vector<16xi32> -> vector<16xi32>
        %parallel_loop3A_197 = vector.shape_cast %broadcast_in_dim3A_84 : vector<16x1xi32> to vector<16xi32>
        %parallel_loop3A_198 = tpu.dynamic_gather %parallel_loop3A_166[%parallel_loop3A_197] in [0] : vector<16xi32>, vector<16xi32> -> vector<16xi32>
        %parallel_loop3A_199 = arith.constant 0 : i32
        %parallel_loop3A_200 = arith.addi %parallel_loop3A_163, %parallel_loop3A_199 : i32
        %parallel_loop3A_201 = arith.index_cast %rem3A_102 : i32 to index
        %parallel_loop3A_202 = arith.index_cast %parallel_loop3A_200 : i32 to index
        %parallel_loop3A_203 = arith.constant 0 : index
        %parallel_loop3A_204 = tpu.vector_load %arg6[%parallel_loop3A_201, %parallel_loop3A_202, %parallel_loop3A_203] {strides = array<i32>} : memref<2x512x64xf32, #tpu.memory_space<vmem>>, vector<16xf32>,
        tpu.vector_store_idx %arg5[%parallel_loop3A_168, %add3A_40], %parallel_loop3A_204 {add = true} : memref<256x64xf32, #tpu.memory_space<vmem>>[vector<16xi32>, vector<16xi32>], vector<16xf32>,
        %parallel_loop3A_205 = arith.constant 1 : i32
        %parallel_loop3A_206 = arith.addi %parallel_loop3A_163, %parallel_loop3A_205 : i32
        %parallel_loop3A_207 = arith.index_cast %rem3A_102 : i32 to index
        %parallel_loop3A_208 = arith.index_cast %parallel_loop3A_206 : i32 to index
        %parallel_loop3A_209 = arith.constant 0 : index
        %parallel_loop3A_210 = tpu.vector_load %arg6[%parallel_loop3A_207, %parallel_loop3A_208, %parallel_loop3A_209] {strides = array<i32>} : memref<2x512x64xf32, #tpu.memory_space<vmem>>, vector<16xf32>,
        tpu.vector_store_idx %arg5[%parallel_loop3A_170, %add3A_40], %parallel_loop3A_210 {add = true} : memref<256x64xf32, #tpu.memory_space<vmem>>[vector<16xi32>, vector<16xi32>], vector<16xf32>,
        %parallel_loop3A_211 = arith.constant 2 : i32
        %parallel_loop3A_212 = arith.addi %parallel_loop3A_163, %parallel_loop3A_211 : i32
        %parallel_loop3A_213 = arith.index_cast %rem3A_102 : i32 to index
        %parallel_loop3A_214 = arith.index_cast %parallel_loop3A_212 : i32 to index
        %parallel_loop3A_215 = arith.constant 0 : index
        %parallel_loop3A_216 = tpu.vector_load %arg6[%parallel_loop3A_213, %parallel_loop3A_214, %parallel_loop3A_215] {strides = array<i32>} : memref<2x512x64xf32, #tpu.memory_space<vmem>>, vector<16xf32>,
        tpu.vector_store_idx %arg5[%parallel_loop3A_172, %add3A_40], %parallel_loop3A_216 {add = true} : memref<256x64xf32, #tpu.memory_space<vmem>>[vector<16xi32>, vector<16xi32>], vector<16xf32>,
        %parallel_loop3A_217 = arith.constant 3 : i32
        %parallel_loop3A_218 = arith.addi %parallel_loop3A_163, %parallel_loop3A_217 : i32
        %parallel_loop3A_219 = arith.index_cast %rem3A_102 : i32 to index
        %parallel_loop3A_220 = arith.index_cast %parallel_loop3A_218 : i32 to index
        %parallel_loop3A_221 = arith.constant 0 : index
        %parallel_loop3A_222 = tpu.vector_load %arg6[%parallel_loop3A_219, %parallel_loop3A_220, %parallel_loop3A_221] {strides = array<i32>} : memref<2x512x64xf32, #tpu.memory_space<vmem>>, vector<16xf32>,
        tpu.vector_store_idx %arg5[%parallel_loop3A_174, %add3A_40], %parallel_loop3A_222 {add = true} : memref<256x64xf32, #tpu.memory_space<vmem>>[vector<16xi32>, vector<16xi32>], vector<16xf32>,
        %parallel_loop3A_223 = arith.constant 4 : i32
        %parallel_loop3A_224 = arith.addi %parallel_loop3A_163, %parallel_loop3A_223 : i32
        %parallel_loop3A_225 = arith.index_cast %rem3A_102 : i32 to index
        %parallel_loop3A_226 = arith.index_cast %parallel_loop3A_224 : i32 to index
        %parallel_loop3A_227 = arith.constant 0 : index
        %parallel_loop3A_228 = tpu.vector_load %arg6[%parallel_loop3A_225, %parallel_loop3A_226, %parallel_loop3A_227] {strides = array<i32>} : memref<2x512x64xf32, #tpu.memory_space<vmem>>, vector<16xf32>,
        tpu.vector_store_idx %arg5[%parallel_loop3A_176, %add3A_40], %parallel_loop3A_228 {add = true} : memref<256x64xf32, #tpu.memory_space<vmem>>[vector<16xi32>, vector<16xi32>], vector<16xf32>,
        %parallel_loop3A_229 = arith.constant 5 : i32
        %parallel_loop3A_230 = arith.addi %parallel_loop3A_163, %parallel_loop3A_229 : i32
        %parallel_loop3A_231 = arith.index_cast %rem3A_102 : i32 to index
        %parallel_loop3A_232 = arith.index_cast %parallel_loop3A_230 : i32 to index
        %parallel_loop3A_233 = arith.constant 0 : index
        %parallel_loop3A_234 = tpu.vector_load %arg6[%parallel_loop3A_231, %parallel_loop3A_232, %parallel_loop3A_233] {strides = array<i32>} : memref<2x512x64xf32, #tpu.memory_space<vmem>>, vector<16xf32>,
        tpu.vector_store_idx %arg5[%parallel_loop3A_178, %add3A_40], %parallel_loop3A_234 {add = true} : memref<256x64xf32, #tpu.memory_space<vmem>>[vector<16xi32>, vector<16xi32>], vector<16xf32>,
        %parallel_loop3A_235 = arith.constant 6 : i32
        %parallel_loop3A_236 = arith.addi %parallel_loop3A_163, %parallel_loop3A_235 : i32
        %parallel_loop3A_237 = arith.index_cast %rem3A_102 : i32 to index
        %parallel_loop3A_238 = arith.index_cast %parallel_loop3A_236 : i32 to index
        %parallel_loop3A_239 = arith.constant 0 : index
        %parallel_loop3A_240 = tpu.vector_load %arg6[%parallel_loop3A_237, %parallel_loop3A_238, %parallel_loop3A_239] {strides = array<i32>} : memref<2x512x64xf32, #tpu.memory_space<vmem>>, vector<16xf32>,
        tpu.vector_store_idx %arg5[%parallel_loop3A_180, %add3A_40], %parallel_loop3A_240 {add = true} : memref<256x64xf32, #tpu.memory_space<vmem>>[vector<16xi32>, vector<16xi32>], vector<16xf32>,
        %parallel_loop3A_241 = arith.constant 7 : i32
        %parallel_loop3A_242 = arith.addi %parallel_loop3A_163, %parallel_loop3A_241 : i32
        %parallel_loop3A_243 = arith.index_cast %rem3A_102 : i32 to index
        %parallel_loop3A_244 = arith.index_cast %parallel_loop3A_242 : i32 to index
        %parallel_loop3A_245 = arith.constant 0 : index
        %parallel_loop3A_246 = tpu.vector_load %arg6[%parallel_loop3A_243, %parallel_loop3A_244, %parallel_loop3A_245] {strides = array<i32>} : memref<2x512x64xf32, #tpu.memory_space<vmem>>, vector<16xf32>,
        tpu.vector_store_idx %arg5[%parallel_loop3A_182, %add3A_40], %parallel_loop3A_246 {add = true} : memref<256x64xf32, #tpu.memory_space<vmem>>[vector<16xi32>, vector<16xi32>], vector<16xf32>,
        %parallel_loop3A_247 = arith.constant 8 : i32
        %parallel_loop3A_248 = arith.addi %parallel_loop3A_163, %parallel_loop3A_247 : i32
        %parallel_loop3A_249 = arith.index_cast %rem3A_102 : i32 to index
        %parallel_loop3A_250 = arith.index_cast %parallel_loop3A_248 : i32 to index
        %parallel_loop3A_251 = arith.constant 0 : index
        %parallel_loop3A_252 = tpu.vector_load %arg6[%parallel_loop3A_249, %parallel_loop3A_250, %parallel_loop3A_251] {strides = array<i32>} : memref<2x512x64xf32, #tpu.memory_space<vmem>>, vector<16xf32>,
        tpu.vector_store_idx %arg5[%parallel_loop3A_184, %add3A_40], %parallel_loop3A_252 {add = true} : memref<256x64xf32, #tpu.memory_space<vmem>>[vector<16xi32>, vector<16xi32>], vector<16xf32>,
        %parallel_loop3A_253 = arith.constant 9 : i32
        %parallel_loop3A_254 = arith.addi %parallel_loop3A_163, %parallel_loop3A_253 : i32
        %parallel_loop3A_255 = arith.index_cast %rem3A_102 : i32 to index
        %parallel_loop3A_256 = arith.index_cast %parallel_loop3A_254 : i32 to index
        %parallel_loop3A_257 = arith.constant 0 : index
        %parallel_loop3A_258 = tpu.vector_load %arg6[%parallel_loop3A_255, %parallel_loop3A_256, %parallel_loop3A_257] {strides = array<i32>} : memref<2x512x64xf32, #tpu.memory_space<vmem>>, vector<16xf32>,
        tpu.vector_store_idx %arg5[%parallel_loop3A_186, %add3A_40], %parallel_loop3A_258 {add = true} : memref<256x64xf32, #tpu.memory_space<vmem>>[vector<16xi32>, vector<16xi32>], vector<16xf32>,
        %parallel_loop3A_259 = arith.constant 10 : i32
        %parallel_loop3A_260 = arith.addi %parallel_loop3A_163, %parallel_loop3A_259 : i32
        %parallel_loop3A_261 = arith.index_cast %rem3A_102 : i32 to index
        %parallel_loop3A_262 = arith.index_cast %parallel_loop3A_260 : i32 to index
        %parallel_loop3A_263 = arith.constant 0 : index
        %parallel_loop3A_264 = tpu.vector_load %arg6[%parallel_loop3A_261, %parallel_loop3A_262, %parallel_loop3A_263] {strides = array<i32>} : memref<2x512x64xf32, #tpu.memory_space<vmem>>, vector<16xf32>,
        tpu.vector_store_idx %arg5[%parallel_loop3A_188, %add3A_40], %parallel_loop3A_264 {add = true} : memref<256x64xf32, #tpu.memory_space<vmem>>[vector<16xi32>, vector<16xi32>], vector<16xf32>,
        %parallel_loop3A_265 = arith.constant 11 : i32
        %parallel_loop3A_266 = arith.addi %parallel_loop3A_163, %parallel_loop3A_265 : i32
        %parallel_loop3A_267 = arith.index_cast %rem3A_102 : i32 to index
        %parallel_loop3A_268 = arith.index_cast %parallel_loop3A_266 : i32 to index
        %parallel_loop3A_269 = arith.constant 0 : index
        %parallel_loop3A_270 = tpu.vector_load %arg6[%parallel_loop3A_267, %parallel_loop3A_268, %parallel_loop3A_269] {strides = array<i32>} : memref<2x512x64xf32, #tpu.memory_space<vmem>>, vector<16xf32>,
        tpu.vector_store_idx %arg5[%parallel_loop3A_190, %add3A_40], %parallel_loop3A_270 {add = true} : memref<256x64xf32, #tpu.memory_space<vmem>>[vector<16xi32>, vector<16xi32>], vector<16xf32>,
        %parallel_loop3A_271 = arith.constant 12 : i32
        %parallel_loop3A_272 = arith.addi %parallel_loop3A_163, %parallel_loop3A_271 : i32
        %parallel_loop3A_273 = arith.index_cast %rem3A_102 : i32 to index
        %parallel_loop3A_274 = arith.index_cast %parallel_loop3A_272 : i32 to index
        %parallel_loop3A_275 = arith.constant 0 : index
        %parallel_loop3A_276 = tpu.vector_load %arg6[%parallel_loop3A_273, %parallel_loop3A_274, %parallel_loop3A_275] {strides = array<i32>} : memref<2x512x64xf32, #tpu.memory_space<vmem>>, vector<16xf32>,
        tpu.vector_store_idx %arg5[%parallel_loop3A_192, %add3A_40], %parallel_loop3A_276 {add = true} : memref<256x64xf32, #tpu.memory_space<vmem>>[vector<16xi32>, vector<16xi32>], vector<16xf32>,
        %parallel_loop3A_277 = arith.constant 13 : i32
        %parallel_loop3A_278 = arith.addi %parallel_loop3A_163, %parallel_loop3A_277 : i32
        %parallel_loop3A_279 = arith.index_cast %rem3A_102 : i32 to index
        %parallel_loop3A_280 = arith.index_cast %parallel_loop3A_278 : i32 to index
        %parallel_loop3A_281 = arith.constant 0 : index
        %parallel_loop3A_282 = tpu.vector_load %arg6[%parallel_loop3A_279, %parallel_loop3A_280, %parallel_loop3A_281] {strides = array<i32>} : memref<2x512x64xf32, #tpu.memory_space<vmem>>, vector<16xf32>,
        tpu.vector_store_idx %arg5[%parallel_loop3A_194, %add3A_40], %parallel_loop3A_282 {add = true} : memref<256x64xf32, #tpu.memory_space<vmem>>[vector<16xi32>, vector<16xi32>], vector<16xf32>,
        %parallel_loop3A_283 = arith.constant 14 : i32
        %parallel_loop3A_284 = arith.addi %parallel_loop3A_163, %parallel_loop3A_283 : i32
        %parallel_loop3A_285 = arith.index_cast %rem3A_102 : i32 to index
        %parallel_loop3A_286 = arith.index_cast %parallel_loop3A_284 : i32 to index
        %parallel_loop3A_287 = arith.constant 0 : index
        %parallel_loop3A_288 = tpu.vector_load %arg6[%parallel_loop3A_285, %parallel_loop3A_286, %parallel_loop3A_287] {strides = array<i32>} : memref<2x512x64xf32, #tpu.memory_space<vmem>>, vector<16xf32>,
        tpu.vector_store_idx %arg5[%parallel_loop3A_196, %add3A_40], %parallel_loop3A_288 {add = true} : memref<256x64xf32, #tpu.memory_space<vmem>>[vector<16xi32>, vector<16xi32>], vector<16xf32>,
        %parallel_loop3A_289 = arith.constant 15 : i32
        %parallel_loop3A_290 = arith.addi %parallel_loop3A_163, %parallel_loop3A_289 : i32
        %parallel_loop3A_291 = arith.index_cast %rem3A_102 : i32 to index
        %parallel_loop3A_292 = arith.index_cast %parallel_loop3A_290 : i32 to index
        %parallel_loop3A_293 = arith.constant 0 : index
        %parallel_loop3A_294 = tpu.vector_load %arg6[%parallel_loop3A_291, %parallel_loop3A_292, %parallel_loop3A_293] {strides = array<i32>} : memref<2x512x64xf32, #tpu.memory_space<vmem>>, vector<16xf32>,
        tpu.vector_store_idx %arg5[%parallel_loop3A_198, %add3A_40], %parallel_loop3A_294 {add = true} : memref<256x64xf32, #tpu.memory_space<vmem>>[vector<16xi32>, vector<16xi32>], vector<16xf32>,
        %parallel_loop3A_295 = arith.constant 0 : i32
        %parallel_loop3A_296 = arith.addi %parallel_loop3A_163, %parallel_loop3A_295 : i32
        %parallel_loop3A_297 = arith.index_cast %rem3A_102 : i32 to index
        %parallel_loop3A_298 = arith.index_cast %parallel_loop3A_296 : i32 to index
        %parallel_loop3A_299 = arith.constant 16 : index
        %parallel_loop3A_300 = tpu.vector_load %arg6[%parallel_loop3A_297, %parallel_loop3A_298, %parallel_loop3A_299] {strides = array<i32>} : memref<2x512x64xf32, #tpu.memory_space<vmem>>, vector<16xf32>,
        tpu.vector_store_idx %arg5[%parallel_loop3A_168, %add3A_44], %parallel_loop3A_300 {add = true} : memref<256x64xf32, #tpu.memory_space<vmem>>[vector<16xi32>, vector<16xi32>], vector<16xf32>,
        %parallel_loop3A_301 = arith.constant 1 : i32
        %parallel_loop3A_302 = arith.addi %parallel_loop3A_163, %parallel_loop3A_301 : i32
        %parallel_loop3A_303 = arith.index_cast %rem3A_102 : i32 to index
        %parallel_loop3A_304 = arith.index_cast %parallel_loop3A_302 : i32 to index
        %parallel_loop3A_305 = arith.constant 16 : index
        %parallel_loop3A_306 = tpu.vector_load %arg6[%parallel_loop3A_303, %parallel_loop3A_304, %parallel_loop3A_305] {strides = array<i32>} : memref<2x512x64xf32, #tpu.memory_space<vmem>>, vector<16xf32>,
        tpu.vector_store_idx %arg5[%parallel_loop3A_170, %add3A_44], %parallel_loop3A_306 {add = true} : memref<256x64xf32, #tpu.memory_space<vmem>>[vector<16xi32>, vector<16xi32>], vector<16xf32>,
        %parallel_loop3A_307 = arith.constant 2 : i32
        %parallel_loop3A_308 = arith.addi %parallel_loop3A_163, %parallel_loop3A_307 : i32
        %parallel_loop3A_309 = arith.index_cast %rem3A_102 : i32 to index
        %parallel_loop3A_310 = arith.index_cast %parallel_loop3A_308 : i32 to index
        %parallel_loop3A_311 = arith.constant 16 : index
        %parallel_loop3A_312 = tpu.vector_load %arg6[%parallel_loop3A_309, %parallel_loop3A_310, %parallel_loop3A_311] {strides = array<i32>} : memref<2x512x64xf32, #tpu.memory_space<vmem>>, vector<16xf32>,
        tpu.vector_store_idx %arg5[%parallel_loop3A_172, %add3A_44], %parallel_loop3A_312 {add = true} : memref<256x64xf32, #tpu.memory_space<vmem>>[vector<16xi32>, vector<16xi32>], vector<16xf32>,
        %parallel_loop3A_313 = arith.constant 3 : i32
        %parallel_loop3A_314 = arith.addi %parallel_loop3A_163, %parallel_loop3A_313 : i32
        %parallel_loop3A_315 = arith.index_cast %rem3A_102 : i32 to index
        %parallel_loop3A_316 = arith.index_cast %parallel_loop3A_314 : i32 to index
        %parallel_loop3A_317 = arith.constant 16 : index
        %parallel_loop3A_318 = tpu.vector_load %arg6[%parallel_loop3A_315, %parallel_loop3A_316, %parallel_loop3A_317] {strides = array<i32>} : memref<2x512x64xf32, #tpu.memory_space<vmem>>, vector<16xf32>,
        tpu.vector_store_idx %arg5[%parallel_loop3A_174, %add3A_44], %parallel_loop3A_318 {add = true} : memref<256x64xf32, #tpu.memory_space<vmem>>[vector<16xi32>, vector<16xi32>], vector<16xf32>,
        %parallel_loop3A_319 = arith.constant 4 : i32
        %parallel_loop3A_320 = arith.addi %parallel_loop3A_163, %parallel_loop3A_319 : i32
        %parallel_loop3A_321 = arith.index_cast %rem3A_102 : i32 to index
        %parallel_loop3A_322 = arith.index_cast %parallel_loop3A_320 : i32 to index
        %parallel_loop3A_323 = arith.constant 16 : index
        %parallel_loop3A_324 = tpu.vector_load %arg6[%parallel_loop3A_321, %parallel_loop3A_322, %parallel_loop3A_323] {strides = array<i32>} : memref<2x512x64xf32, #tpu.memory_space<vmem>>, vector<16xf32>,
        tpu.vector_store_idx %arg5[%parallel_loop3A_176, %add3A_44], %parallel_loop3A_324 {add = true} : memref<256x64xf32, #tpu.memory_space<vmem>>[vector<16xi32>, vector<16xi32>], vector<16xf32>,
        %parallel_loop3A_325 = arith.constant 5 : i32
        %parallel_loop3A_326 = arith.addi %parallel_loop3A_163, %parallel_loop3A_325 : i32
        %parallel_loop3A_327 = arith.index_cast %rem3A_102 : i32 to index
        %parallel_loop3A_328 = arith.index_cast %parallel_loop3A_326 : i32 to index
        %parallel_loop3A_329 = arith.constant 16 : index
        %parallel_loop3A_330 = tpu.vector_load %arg6[%parallel_loop3A_327, %parallel_loop3A_328, %parallel_loop3A_329] {strides = array<i32>} : memref<2x512x64xf32, #tpu.memory_space<vmem>>, vector<16xf32>,
        tpu.vector_store_idx %arg5[%parallel_loop3A_178, %add3A_44], %parallel_loop3A_330 {add = true} : memref<256x64xf32, #tpu.memory_space<vmem>>[vector<16xi32>, vector<16xi32>], vector<16xf32>,
        %parallel_loop3A_331 = arith.constant 6 : i32
        %parallel_loop3A_332 = arith.addi %parallel_loop3A_163, %parallel_loop3A_331 : i32
        %parallel_loop3A_333 = arith.index_cast %rem3A_102 : i32 to index
        %parallel_loop3A_334 = arith.index_cast %parallel_loop3A_332 : i32 to index
        %parallel_loop3A_335 = arith.constant 16 : index
        %parallel_loop3A_336 = tpu.vector_load %arg6[%parallel_loop3A_333, %parallel_loop3A_334, %parallel_loop3A_335] {strides = array<i32>} : memref<2x512x64xf32, #tpu.memory_space<vmem>>, vector<16xf32>,
        tpu.vector_store_idx %arg5[%parallel_loop3A_180, %add3A_44], %parallel_loop3A_336 {add = true} : memref<256x64xf32, #tpu.memory_space<vmem>>[vector<16xi32>, vector<16xi32>], vector<16xf32>,
        %parallel_loop3A_337 = arith.constant 7 : i32
        %parallel_loop3A_338 = arith.addi %parallel_loop3A_163, %parallel_loop3A_337 : i32
        %parallel_loop3A_339 = arith.index_cast %rem3A_102 : i32 to index
        %parallel_loop3A_340 = arith.index_cast %parallel_loop3A_338 : i32 to index
        %parallel_loop3A_341 = arith.constant 16 : index
        %parallel_loop3A_342 = tpu.vector_load %arg6[%parallel_loop3A_339, %parallel_loop3A_340, %parallel_loop3A_341] {strides = array<i32>} : memref<2x512x64xf32, #tpu.memory_space<vmem>>, vector<16xf32>,
        tpu.vector_store_idx %arg5[%parallel_loop3A_182, %add3A_44], %parallel_loop3A_342 {add = true} : memref<256x64xf32, #tpu.memory_space<vmem>>[vector<16xi32>, vector<16xi32>], vector<16xf32>,
        %parallel_loop3A_343 = arith.constant 8 : i32
        %parallel_loop3A_344 = arith.addi %parallel_loop3A_163, %parallel_loop3A_343 : i32
        %parallel_loop3A_345 = arith.index_cast %rem3A_102 : i32 to index
        %parallel_loop3A_346 = arith.index_cast %parallel_loop3A_344 : i32 to index
        %parallel_loop3A_347 = arith.constant 16 : index
        %parallel_loop3A_348 = tpu.vector_load %arg6[%parallel_loop3A_345, %parallel_loop3A_346, %parallel_loop3A_347] {strides = array<i32>} : memref<2x512x64xf32, #tpu.memory_space<vmem>>, vector<16xf32>,
        tpu.vector_store_idx %arg5[%parallel_loop3A_184, %add3A_44], %parallel_loop3A_348 {add = true} : memref<256x64xf32, #tpu.memory_space<vmem>>[vector<16xi32>, vector<16xi32>], vector<16xf32>,
        %parallel_loop3A_349 = arith.constant 9 : i32
        %parallel_loop3A_350 = arith.addi %parallel_loop3A_163, %parallel_loop3A_349 : i32
        %parallel_loop3A_351 = arith.index_cast %rem3A_102 : i32 to index
        %parallel_loop3A_352 = arith.index_cast %parallel_loop3A_350 : i32 to index
        %parallel_loop3A_353 = arith.constant 16 : index
        %parallel_loop3A_354 = tpu.vector_load %arg6[%parallel_loop3A_351, %parallel_loop3A_352, %parallel_loop3A_353] {strides = array<i32>} : memref<2x512x64xf32, #tpu.memory_space<vmem>>, vector<16xf32>,
        tpu.vector_store_idx %arg5[%parallel_loop3A_186, %add3A_44], %parallel_loop3A_354 {add = true} : memref<256x64xf32, #tpu.memory_space<vmem>>[vector<16xi32>, vector<16xi32>], vector<16xf32>,
        %parallel_loop3A_355 = arith.constant 10 : i32
        %parallel_loop3A_356 = arith.addi %parallel_loop3A_163, %parallel_loop3A_355 : i32
        %parallel_loop3A_357 = arith.index_cast %rem3A_102 : i32 to index
        %parallel_loop3A_358 = arith.index_cast %parallel_loop3A_356 : i32 to index
        %parallel_loop3A_359 = arith.constant 16 : index
        %parallel_loop3A_360 = tpu.vector_load %arg6[%parallel_loop3A_357, %parallel_loop3A_358, %parallel_loop3A_359] {strides = array<i32>} : memref<2x512x64xf32, #tpu.memory_space<vmem>>, vector<16xf32>,
        tpu.vector_store_idx %arg5[%parallel_loop3A_188, %add3A_44], %parallel_loop3A_360 {add = true} : memref<256x64xf32, #tpu.memory_space<vmem>>[vector<16xi32>, vector<16xi32>], vector<16xf32>,
        %parallel_loop3A_361 = arith.constant 11 : i32
        %parallel_loop3A_362 = arith.addi %parallel_loop3A_163, %parallel_loop3A_361 : i32
        %parallel_loop3A_363 = arith.index_cast %rem3A_102 : i32 to index
        %parallel_loop3A_364 = arith.index_cast %parallel_loop3A_362 : i32 to index
        %parallel_loop3A_365 = arith.constant 16 : index
        %parallel_loop3A_366 = tpu.vector_load %arg6[%parallel_loop3A_363, %parallel_loop3A_364, %parallel_loop3A_365] {strides = array<i32>} : memref<2x512x64xf32, #tpu.memory_space<vmem>>, vector<16xf32>,
        tpu.vector_store_idx %arg5[%parallel_loop3A_190, %add3A_44], %parallel_loop3A_366 {add = true} : memref<256x64xf32, #tpu.memory_space<vmem>>[vector<16xi32>, vector<16xi32>], vector<16xf32>,
        %parallel_loop3A_367 = arith.constant 12 : i32
        %parallel_loop3A_368 = arith.addi %parallel_loop3A_163, %parallel_loop3A_367 : i32
        %parallel_loop3A_369 = arith.index_cast %rem3A_102 : i32 to index
        %parallel_loop3A_370 = arith.index_cast %parallel_loop3A_368 : i32 to index
        %parallel_loop3A_371 = arith.constant 16 : index
        %parallel_loop3A_372 = tpu.vector_load %arg6[%parallel_loop3A_369, %parallel_loop3A_370, %parallel_loop3A_371] {strides = array<i32>} : memref<2x512x64xf32, #tpu.memory_space<vmem>>, vector<16xf32>,
        tpu.vector_store_idx %arg5[%parallel_loop3A_192, %add3A_44], %parallel_loop3A_372 {add = true} : memref<256x64xf32, #tpu.memory_space<vmem>>[vector<16xi32>, vector<16xi32>], vector<16xf32>,
        %parallel_loop3A_373 = arith.constant 13 : i32
        %parallel_loop3A_374 = arith.addi %parallel_loop3A_163, %parallel_loop3A_373 : i32
        %parallel_loop3A_375 = arith.index_cast %rem3A_102 : i32 to index
        %parallel_loop3A_376 = arith.index_cast %parallel_loop3A_374 : i32 to index
        %parallel_loop3A_377 = arith.constant 16 : index
        %parallel_loop3A_378 = tpu.vector_load %arg6[%parallel_loop3A_375, %parallel_loop3A_376, %parallel_loop3A_377] {strides = array<i32>} : memref<2x512x64xf32, #tpu.memory_space<vmem>>, vector<16xf32>,
        tpu.vector_store_idx %arg5[%parallel_loop3A_194, %add3A_44], %parallel_loop3A_378 {add = true} : memref<256x64xf32, #tpu.memory_space<vmem>>[vector<16xi32>, vector<16xi32>], vector<16xf32>,
        %parallel_loop3A_379 = arith.constant 14 : i32
        %parallel_loop3A_380 = arith.addi %parallel_loop3A_163, %parallel_loop3A_379 : i32
        %parallel_loop3A_381 = arith.index_cast %rem3A_102 : i32 to index
        %parallel_loop3A_382 = arith.index_cast %parallel_loop3A_380 : i32 to index
        %parallel_loop3A_383 = arith.constant 16 : index
        %parallel_loop3A_384 = tpu.vector_load %arg6[%parallel_loop3A_381, %parallel_loop3A_382, %parallel_loop3A_383] {strides = array<i32>} : memref<2x512x64xf32, #tpu.memory_space<vmem>>, vector<16xf32>,
        tpu.vector_store_idx %arg5[%parallel_loop3A_196, %add3A_44], %parallel_loop3A_384 {add = true} : memref<256x64xf32, #tpu.memory_space<vmem>>[vector<16xi32>, vector<16xi32>], vector<16xf32>,
        %parallel_loop3A_385 = arith.constant 15 : i32
        %parallel_loop3A_386 = arith.addi %parallel_loop3A_163, %parallel_loop3A_385 : i32
        %parallel_loop3A_387 = arith.index_cast %rem3A_102 : i32 to index
        %parallel_loop3A_388 = arith.index_cast %parallel_loop3A_386 : i32 to index
        %parallel_loop3A_389 = arith.constant 16 : index
        %parallel_loop3A_390 = tpu.vector_load %arg6[%parallel_loop3A_387, %parallel_loop3A_388, %parallel_loop3A_389] {strides = array<i32>} : memref<2x512x64xf32, #tpu.memory_space<vmem>>, vector<16xf32>,
        tpu.vector_store_idx %arg5[%parallel_loop3A_198, %add3A_44], %parallel_loop3A_390 {add = true} : memref<256x64xf32, #tpu.memory_space<vmem>>[vector<16xi32>, vector<16xi32>], vector<16xf32>,
        %parallel_loop3A_391 = arith.constant 0 : i32
        %parallel_loop3A_392 = arith.addi %parallel_loop3A_163, %parallel_loop3A_391 : i32
        %parallel_loop3A_393 = arith.index_cast %rem3A_102 : i32 to index
        %parallel_loop3A_394 = arith.index_cast %parallel_loop3A_392 : i32 to index
        %parallel_loop3A_395 = arith.constant 32 : index
        %parallel_loop3A_396 = tpu.vector_load %arg6[%parallel_loop3A_393, %parallel_loop3A_394, %parallel_loop3A_395] {strides = array<i32>} : memref<2x512x64xf32, #tpu.memory_space<vmem>>, vector<16xf32>,
        tpu.vector_store_idx %arg5[%parallel_loop3A_168, %add3A_48], %parallel_loop3A_396 {add = true} : memref<256x64xf32, #tpu.memory_space<vmem>>[vector<16xi32>, vector<16xi32>], vector<16xf32>,
        %parallel_loop3A_397 = arith.constant 1 : i32
        %parallel_loop3A_398 = arith.addi %parallel_loop3A_163, %parallel_loop3A_397 : i32
        %parallel_loop3A_399 = arith.index_cast %rem3A_102 : i32 to index
        %parallel_loop3A_400 = arith.index_cast %parallel_loop3A_398 : i32 to index
        %parallel_loop3A_401 = arith.constant 32 : index
        %parallel_loop3A_402 = tpu.vector_load %arg6[%parallel_loop3A_399, %parallel_loop3A_400, %parallel_loop3A_401] {strides = array<i32>} : memref<2x512x64xf32, #tpu.memory_space<vmem>>, vector<16xf32>,
        tpu.vector_store_idx %arg5[%parallel_loop3A_170, %add3A_48], %parallel_loop3A_402 {add = true} : memref<256x64xf32, #tpu.memory_space<vmem>>[vector<16xi32>, vector<16xi32>], vector<16xf32>,
        %parallel_loop3A_403 = arith.constant 2 : i32
        %parallel_loop3A_404 = arith.addi %parallel_loop3A_163, %parallel_loop3A_403 : i32
        %parallel_loop3A_405 = arith.index_cast %rem3A_102 : i32 to index
        %parallel_loop3A_406 = arith.index_cast %parallel_loop3A_404 : i32 to index
        %parallel_loop3A_407 = arith.constant 32 : index
        %parallel_loop3A_408 = tpu.vector_load %arg6[%parallel_loop3A_405, %parallel_loop3A_406, %parallel_loop3A_407] {strides = array<i32>} : memref<2x512x64xf32, #tpu.memory_space<vmem>>, vector<16xf32>,
        tpu.vector_store_idx %arg5[%parallel_loop3A_172, %add3A_48], %parallel_loop3A_408 {add = true} : memref<256x64xf32, #tpu.memory_space<vmem>>[vector<16xi32>, vector<16xi32>], vector<16xf32>,
        %parallel_loop3A_409 = arith.constant 3 : i32
        %parallel_loop3A_410 = arith.addi %parallel_loop3A_163, %parallel_loop3A_409 : i32
        %parallel_loop3A_411 = arith.index_cast %rem3A_102 : i32 to index
        %parallel_loop3A_412 = arith.index_cast %parallel_loop3A_410 : i32 to index
        %parallel_loop3A_413 = arith.constant 32 : index
        %parallel_loop3A_414 = tpu.vector_load %arg6[%parallel_loop3A_411, %parallel_loop3A_412, %parallel_loop3A_413] {strides = array<i32>} : memref<2x512x64xf32, #tpu.memory_space<vmem>>, vector<16xf32>,
        tpu.vector_store_idx %arg5[%parallel_loop3A_174, %add3A_48], %parallel_loop3A_414 {add = true} : memref<256x64xf32, #tpu.memory_space<vmem>>[vector<16xi32>, vector<16xi32>], vector<16xf32>,
        %parallel_loop3A_415 = arith.constant 4 : i32
        %parallel_loop3A_416 = arith.addi %parallel_loop3A_163, %parallel_loop3A_415 : i32
        %parallel_loop3A_417 = arith.index_cast %rem3A_102 : i32 to index
        %parallel_loop3A_418 = arith.index_cast %parallel_loop3A_416 : i32 to index
        %parallel_loop3A_419 = arith.constant 32 : index
        %parallel_loop3A_420 = tpu.vector_load %arg6[%parallel_loop3A_417, %parallel_loop3A_418, %parallel_loop3A_419] {strides = array<i32>} : memref<2x512x64xf32, #tpu.memory_space<vmem>>, vector<16xf32>,
        tpu.vector_store_idx %arg5[%parallel_loop3A_176, %add3A_48], %parallel_loop3A_420 {add = true} : memref<256x64xf32, #tpu.memory_space<vmem>>[vector<16xi32>, vector<16xi32>], vector<16xf32>,
        %parallel_loop3A_421 = arith.constant 5 : i32
        %parallel_loop3A_422 = arith.addi %parallel_loop3A_163, %parallel_loop3A_421 : i32
        %parallel_loop3A_423 = arith.index_cast %rem3A_102 : i32 to index
        %parallel_loop3A_424 = arith.index_cast %parallel_loop3A_422 : i32 to index
        %parallel_loop3A_425 = arith.constant 32 : index
        %parallel_loop3A_426 = tpu.vector_load %arg6[%parallel_loop3A_423, %parallel_loop3A_424, %parallel_loop3A_425] {strides = array<i32>} : memref<2x512x64xf32, #tpu.memory_space<vmem>>, vector<16xf32>,
        tpu.vector_store_idx %arg5[%parallel_loop3A_178, %add3A_48], %parallel_loop3A_426 {add = true} : memref<256x64xf32, #tpu.memory_space<vmem>>[vector<16xi32>, vector<16xi32>], vector<16xf32>,
        %parallel_loop3A_427 = arith.constant 6 : i32
        %parallel_loop3A_428 = arith.addi %parallel_loop3A_163, %parallel_loop3A_427 : i32
        %parallel_loop3A_429 = arith.index_cast %rem3A_102 : i32 to index
        %parallel_loop3A_430 = arith.index_cast %parallel_loop3A_428 : i32 to index
        %parallel_loop3A_431 = arith.constant 32 : index
        %parallel_loop3A_432 = tpu.vector_load %arg6[%parallel_loop3A_429, %parallel_loop3A_430, %parallel_loop3A_431] {strides = array<i32>} : memref<2x512x64xf32, #tpu.memory_space<vmem>>, vector<16xf32>,
        tpu.vector_store_idx %arg5[%parallel_loop3A_180, %add3A_48], %parallel_loop3A_432 {add = true} : memref<256x64xf32, #tpu.memory_space<vmem>>[vector<16xi32>, vector<16xi32>], vector<16xf32>,
        %parallel_loop3A_433 = arith.constant 7 : i32
        %parallel_loop3A_434 = arith.addi %parallel_loop3A_163, %parallel_loop3A_433 : i32
        %parallel_loop3A_435 = arith.index_cast %rem3A_102 : i32 to index
        %parallel_loop3A_436 = arith.index_cast %parallel_loop3A_434 : i32 to index
        %parallel_loop3A_437 = arith.constant 32 : index
        %parallel_loop3A_438 = tpu.vector_load %arg6[%parallel_loop3A_435, %parallel_loop3A_436, %parallel_loop3A_437] {strides = array<i32>} : memref<2x512x64xf32, #tpu.memory_space<vmem>>, vector<16xf32>,
        tpu.vector_store_idx %arg5[%parallel_loop3A_182, %add3A_48], %parallel_loop3A_438 {add = true} : memref<256x64xf32, #tpu.memory_space<vmem>>[vector<16xi32>, vector<16xi32>], vector<16xf32>,
        %parallel_loop3A_439 = arith.constant 8 : i32
        %parallel_loop3A_440 = arith.addi %parallel_loop3A_163, %parallel_loop3A_439 : i32
        %parallel_loop3A_441 = arith.index_cast %rem3A_102 : i32 to index
        %parallel_loop3A_442 = arith.index_cast %parallel_loop3A_440 : i32 to index
        %parallel_loop3A_443 = arith.constant 32 : index
        %parallel_loop3A_444 = tpu.vector_load %arg6[%parallel_loop3A_441, %parallel_loop3A_442, %parallel_loop3A_443] {strides = array<i32>} : memref<2x512x64xf32, #tpu.memory_space<vmem>>, vector<16xf32>,
        tpu.vector_store_idx %arg5[%parallel_loop3A_184, %add3A_48], %parallel_loop3A_444 {add = true} : memref<256x64xf32, #tpu.memory_space<vmem>>[vector<16xi32>, vector<16xi32>], vector<16xf32>,
        %parallel_loop3A_445 = arith.constant 9 : i32
        %parallel_loop3A_446 = arith.addi %parallel_loop3A_163, %parallel_loop3A_445 : i32
        %parallel_loop3A_447 = arith.index_cast %rem3A_102 : i32 to index
        %parallel_loop3A_448 = arith.index_cast %parallel_loop3A_446 : i32 to index
        %parallel_loop3A_449 = arith.constant 32 : index
        %parallel_loop3A_450 = tpu.vector_load %arg6[%parallel_loop3A_447, %parallel_loop3A_448, %parallel_loop3A_449] {strides = array<i32>} : memref<2x512x64xf32, #tpu.memory_space<vmem>>, vector<16xf32>,
        tpu.vector_store_idx %arg5[%parallel_loop3A_186, %add3A_48], %parallel_loop3A_450 {add = true} : memref<256x64xf32, #tpu.memory_space<vmem>>[vector<16xi32>, vector<16xi32>], vector<16xf32>,
        %parallel_loop3A_451 = arith.constant 10 : i32
        %parallel_loop3A_452 = arith.addi %parallel_loop3A_163, %parallel_loop3A_451 : i32
        %parallel_loop3A_453 = arith.index_cast %rem3A_102 : i32 to index
        %parallel_loop3A_454 = arith.index_cast %parallel_loop3A_452 : i32 to index
        %parallel_loop3A_455 = arith.constant 32 : index
        %parallel_loop3A_456 = tpu.vector_load %arg6[%parallel_loop3A_453, %parallel_loop3A_454, %parallel_loop3A_455] {strides = array<i32>} : memref<2x512x64xf32, #tpu.memory_space<vmem>>, vector<16xf32>,
        tpu.vector_store_idx %arg5[%parallel_loop3A_188, %add3A_48], %parallel_loop3A_456 {add = true} : memref<256x64xf32, #tpu.memory_space<vmem>>[vector<16xi32>, vector<16xi32>], vector<16xf32>,
        %parallel_loop3A_457 = arith.constant 11 : i32
        %parallel_loop3A_458 = arith.addi %parallel_loop3A_163, %parallel_loop3A_457 : i32
        %parallel_loop3A_459 = arith.index_cast %rem3A_102 : i32 to index
        %parallel_loop3A_460 = arith.index_cast %parallel_loop3A_458 : i32 to index
        %parallel_loop3A_461 = arith.constant 32 : index
        %parallel_loop3A_462 = tpu.vector_load %arg6[%parallel_loop3A_459, %parallel_loop3A_460, %parallel_loop3A_461] {strides = array<i32>} : memref<2x512x64xf32, #tpu.memory_space<vmem>>, vector<16xf32>,
        tpu.vector_store_idx %arg5[%parallel_loop3A_190, %add3A_48], %parallel_loop3A_462 {add = true} : memref<256x64xf32, #tpu.memory_space<vmem>>[vector<16xi32>, vector<16xi32>], vector<16xf32>,
        %parallel_loop3A_463 = arith.constant 12 : i32
        %parallel_loop3A_464 = arith.addi %parallel_loop3A_163, %parallel_loop3A_463 : i32
        %parallel_loop3A_465 = arith.index_cast %rem3A_102 : i32 to index
        %parallel_loop3A_466 = arith.index_cast %parallel_loop3A_464 : i32 to index
        %parallel_loop3A_467 = arith.constant 32 : index
        %parallel_loop3A_468 = tpu.vector_load %arg6[%parallel_loop3A_465, %parallel_loop3A_466, %parallel_loop3A_467] {strides = array<i32>} : memref<2x512x64xf32, #tpu.memory_space<vmem>>, vector<16xf32>,
        tpu.vector_store_idx %arg5[%parallel_loop3A_192, %add3A_48], %parallel_loop3A_468 {add = true} : memref<256x64xf32, #tpu.memory_space<vmem>>[vector<16xi32>, vector<16xi32>], vector<16xf32>,
        %parallel_loop3A_469 = arith.constant 13 : i32
        %parallel_loop3A_470 = arith.addi %parallel_loop3A_163, %parallel_loop3A_469 : i32
        %parallel_loop3A_471 = arith.index_cast %rem3A_102 : i32 to index
        %parallel_loop3A_472 = arith.index_cast %parallel_loop3A_470 : i32 to index
        %parallel_loop3A_473 = arith.constant 32 : index
        %parallel_loop3A_474 = tpu.vector_load %arg6[%parallel_loop3A_471, %parallel_loop3A_472, %parallel_loop3A_473] {strides = array<i32>} : memref<2x512x64xf32, #tpu.memory_space<vmem>>, vector<16xf32>,
        tpu.vector_store_idx %arg5[%parallel_loop3A_194, %add3A_48], %parallel_loop3A_474 {add = true} : memref<256x64xf32, #tpu.memory_space<vmem>>[vector<16xi32>, vector<16xi32>], vector<16xf32>,
        %parallel_loop3A_475 = arith.constant 14 : i32
        %parallel_loop3A_476 = arith.addi %parallel_loop3A_163, %parallel_loop3A_475 : i32
        %parallel_loop3A_477 = arith.index_cast %rem3A_102 : i32 to index
        %parallel_loop3A_478 = arith.index_cast %parallel_loop3A_476 : i32 to index
        %parallel_loop3A_479 = arith.constant 32 : index
        %parallel_loop3A_480 = tpu.vector_load %arg6[%parallel_loop3A_477, %parallel_loop3A_478, %parallel_loop3A_479] {strides = array<i32>} : memref<2x512x64xf32, #tpu.memory_space<vmem>>, vector<16xf32>,
        tpu.vector_store_idx %arg5[%parallel_loop3A_196, %add3A_48], %parallel_loop3A_480 {add = true} : memref<256x64xf32, #tpu.memory_space<vmem>>[vector<16xi32>, vector<16xi32>], vector<16xf32>,
        %parallel_loop3A_481 = arith.constant 15 : i32
        %parallel_loop3A_482 = arith.addi %parallel_loop3A_163, %parallel_loop3A_481 : i32
        %parallel_loop3A_483 = arith.index_cast %rem3A_102 : i32 to index
        %parallel_loop3A_484 = arith.index_cast %parallel_loop3A_482 : i32 to index
        %parallel_loop3A_485 = arith.constant 32 : index
        %parallel_loop3A_486 = tpu.vector_load %arg6[%parallel_loop3A_483, %parallel_loop3A_484, %parallel_loop3A_485] {strides = array<i32>} : memref<2x512x64xf32, #tpu.memory_space<vmem>>, vector<16xf32>,
        tpu.vector_store_idx %arg5[%parallel_loop3A_198, %add3A_48], %parallel_loop3A_486 {add = true} : memref<256x64xf32, #tpu.memory_space<vmem>>[vector<16xi32>, vector<16xi32>], vector<16xf32>,
        %parallel_loop3A_487 = arith.constant 0 : i32
        %parallel_loop3A_488 = arith.addi %parallel_loop3A_163, %parallel_loop3A_487 : i32
        %parallel_loop3A_489 = arith.index_cast %rem3A_102 : i32 to index
        %parallel_loop3A_490 = arith.index_cast %parallel_loop3A_488 : i32 to index
        %parallel_loop3A_491 = arith.constant 48 : index
        %parallel_loop3A_492 = tpu.vector_load %arg6[%parallel_loop3A_489, %parallel_loop3A_490, %parallel_loop3A_491] {strides = array<i32>} : memref<2x512x64xf32, #tpu.memory_space<vmem>>, vector<16xf32>,
        tpu.vector_store_idx %arg5[%parallel_loop3A_168, %add3A_52], %parallel_loop3A_492 {add = true} : memref<256x64xf32, #tpu.memory_space<vmem>>[vector<16xi32>, vector<16xi32>], vector<16xf32>,
        %parallel_loop3A_493 = arith.constant 1 : i32
        %parallel_loop3A_494 = arith.addi %parallel_loop3A_163, %parallel_loop3A_493 : i32
        %parallel_loop3A_495 = arith.index_cast %rem3A_102 : i32 to index
        %parallel_loop3A_496 = arith.index_cast %parallel_loop3A_494 : i32 to index
        %parallel_loop3A_497 = arith.constant 48 : index
        %parallel_loop3A_498 = tpu.vector_load %arg6[%parallel_loop3A_495, %parallel_loop3A_496, %parallel_loop3A_497] {strides = array<i32>} : memref<2x512x64xf32, #tpu.memory_space<vmem>>, vector<16xf32>,
        tpu.vector_store_idx %arg5[%parallel_loop3A_170, %add3A_52], %parallel_loop3A_498 {add = true} : memref<256x64xf32, #tpu.memory_space<vmem>>[vector<16xi32>, vector<16xi32>], vector<16xf32>,
        %parallel_loop3A_499 = arith.constant 2 : i32
        %parallel_loop3A_500 = arith.addi %parallel_loop3A_163, %parallel_loop3A_499 : i32
        %parallel_loop3A_501 = arith.index_cast %rem3A_102 : i32 to index
        %parallel_loop3A_502 = arith.index_cast %parallel_loop3A_500 : i32 to index
        %parallel_loop3A_503 = arith.constant 48 : index
        %parallel_loop3A_504 = tpu.vector_load %arg6[%parallel_loop3A_501, %parallel_loop3A_502, %parallel_loop3A_503] {strides = array<i32>} : memref<2x512x64xf32, #tpu.memory_space<vmem>>, vector<16xf32>,
        tpu.vector_store_idx %arg5[%parallel_loop3A_172, %add3A_52], %parallel_loop3A_504 {add = true} : memref<256x64xf32, #tpu.memory_space<vmem>>[vector<16xi32>, vector<16xi32>], vector<16xf32>,
        %parallel_loop3A_505 = arith.constant 3 : i32
        %parallel_loop3A_506 = arith.addi %parallel_loop3A_163, %parallel_loop3A_505 : i32
        %parallel_loop3A_507 = arith.index_cast %rem3A_102 : i32 to index
        %parallel_loop3A_508 = arith.index_cast %parallel_loop3A_506 : i32 to index
        %parallel_loop3A_509 = arith.constant 48 : index
        %parallel_loop3A_510 = tpu.vector_load %arg6[%parallel_loop3A_507, %parallel_loop3A_508, %parallel_loop3A_509] {strides = array<i32>} : memref<2x512x64xf32, #tpu.memory_space<vmem>>, vector<16xf32>,
        tpu.vector_store_idx %arg5[%parallel_loop3A_174, %add3A_52], %parallel_loop3A_510 {add = true} : memref<256x64xf32, #tpu.memory_space<vmem>>[vector<16xi32>, vector<16xi32>], vector<16xf32>,
        %parallel_loop3A_511 = arith.constant 4 : i32
        %parallel_loop3A_512 = arith.addi %parallel_loop3A_163, %parallel_loop3A_511 : i32
        %parallel_loop3A_513 = arith.index_cast %rem3A_102 : i32 to index
        %parallel_loop3A_514 = arith.index_cast %parallel_loop3A_512 : i32 to index
        %parallel_loop3A_515 = arith.constant 48 : index
        %parallel_loop3A_516 = tpu.vector_load %arg6[%parallel_loop3A_513, %parallel_loop3A_514, %parallel_loop3A_515] {strides = array<i32>} : memref<2x512x64xf32, #tpu.memory_space<vmem>>, vector<16xf32>,
        tpu.vector_store_idx %arg5[%parallel_loop3A_176, %add3A_52], %parallel_loop3A_516 {add = true} : memref<256x64xf32, #tpu.memory_space<vmem>>[vector<16xi32>, vector<16xi32>], vector<16xf32>,
        %parallel_loop3A_517 = arith.constant 5 : i32
        %parallel_loop3A_518 = arith.addi %parallel_loop3A_163, %parallel_loop3A_517 : i32
        %parallel_loop3A_519 = arith.index_cast %rem3A_102 : i32 to index
        %parallel_loop3A_520 = arith.index_cast %parallel_loop3A_518 : i32 to index
        %parallel_loop3A_521 = arith.constant 48 : index
        %parallel_loop3A_522 = tpu.vector_load %arg6[%parallel_loop3A_519, %parallel_loop3A_520, %parallel_loop3A_521] {strides = array<i32>} : memref<2x512x64xf32, #tpu.memory_space<vmem>>, vector<16xf32>,
        tpu.vector_store_idx %arg5[%parallel_loop3A_178, %add3A_52], %parallel_loop3A_522 {add = true} : memref<256x64xf32, #tpu.memory_space<vmem>>[vector<16xi32>, vector<16xi32>], vector<16xf32>,
        %parallel_loop3A_523 = arith.constant 6 : i32
        %parallel_loop3A_524 = arith.addi %parallel_loop3A_163, %parallel_loop3A_523 : i32
        %parallel_loop3A_525 = arith.index_cast %rem3A_102 : i32 to index
        %parallel_loop3A_526 = arith.index_cast %parallel_loop3A_524 : i32 to index
        %parallel_loop3A_527 = arith.constant 48 : index
        %parallel_loop3A_528 = tpu.vector_load %arg6[%parallel_loop3A_525, %parallel_loop3A_526, %parallel_loop3A_527] {strides = array<i32>} : memref<2x512x64xf32, #tpu.memory_space<vmem>>, vector<16xf32>,
        tpu.vector_store_idx %arg5[%parallel_loop3A_180, %add3A_52], %parallel_loop3A_528 {add = true} : memref<256x64xf32, #tpu.memory_space<vmem>>[vector<16xi32>, vector<16xi32>], vector<16xf32>,
        %parallel_loop3A_529 = arith.constant 7 : i32
        %parallel_loop3A_530 = arith.addi %parallel_loop3A_163, %parallel_loop3A_529 : i32
        %parallel_loop3A_531 = arith.index_cast %rem3A_102 : i32 to index
        %parallel_loop3A_532 = arith.index_cast %parallel_loop3A_530 : i32 to index
        %parallel_loop3A_533 = arith.constant 48 : index
        %parallel_loop3A_534 = tpu.vector_load %arg6[%parallel_loop3A_531, %parallel_loop3A_532, %parallel_loop3A_533] {strides = array<i32>} : memref<2x512x64xf32, #tpu.memory_space<vmem>>, vector<16xf32>,
        tpu.vector_store_idx %arg5[%parallel_loop3A_182, %add3A_52], %parallel_loop3A_534 {add = true} : memref<256x64xf32, #tpu.memory_space<vmem>>[vector<16xi32>, vector<16xi32>], vector<16xf32>,
        %parallel_loop3A_535 = arith.constant 8 : i32
        %parallel_loop3A_536 = arith.addi %parallel_loop3A_163, %parallel_loop3A_535 : i32
        %parallel_loop3A_537 = arith.index_cast %rem3A_102 : i32 to index
        %parallel_loop3A_538 = arith.index_cast %parallel_loop3A_536 : i32 to index
        %parallel_loop3A_539 = arith.constant 48 : index
        %parallel_loop3A_540 = tpu.vector_load %arg6[%parallel_loop3A_537, %parallel_loop3A_538, %parallel_loop3A_539] {strides = array<i32>} : memref<2x512x64xf32, #tpu.memory_space<vmem>>, vector<16xf32>,
        tpu.vector_store_idx %arg5[%parallel_loop3A_184, %add3A_52], %parallel_loop3A_540 {add = true} : memref<256x64xf32, #tpu.memory_space<vmem>>[vector<16xi32>, vector<16xi32>], vector<16xf32>,
        %parallel_loop3A_541 = arith.constant 9 : i32
        %parallel_loop3A_542 = arith.addi %parallel_loop3A_163, %parallel_loop3A_541 : i32
        %parallel_loop3A_543 = arith.index_cast %rem3A_102 : i32 to index
        %parallel_loop3A_544 = arith.index_cast %parallel_loop3A_542 : i32 to index
        %parallel_loop3A_545 = arith.constant 48 : index
        %parallel_loop3A_546 = tpu.vector_load %arg6[%parallel_loop3A_543, %parallel_loop3A_544, %parallel_loop3A_545] {strides = array<i32>} : memref<2x512x64xf32, #tpu.memory_space<vmem>>, vector<16xf32>,
        tpu.vector_store_idx %arg5[%parallel_loop3A_186, %add3A_52], %parallel_loop3A_546 {add = true} : memref<256x64xf32, #tpu.memory_space<vmem>>[vector<16xi32>, vector<16xi32>], vector<16xf32>,
        %parallel_loop3A_547 = arith.constant 10 : i32
        %parallel_loop3A_548 = arith.addi %parallel_loop3A_163, %parallel_loop3A_547 : i32
        %parallel_loop3A_549 = arith.index_cast %rem3A_102 : i32 to index
        %parallel_loop3A_550 = arith.index_cast %parallel_loop3A_548 : i32 to index
        %parallel_loop3A_551 = arith.constant 48 : index
        %parallel_loop3A_552 = tpu.vector_load %arg6[%parallel_loop3A_549, %parallel_loop3A_550, %parallel_loop3A_551] {strides = array<i32>} : memref<2x512x64xf32, #tpu.memory_space<vmem>>, vector<16xf32>,
        tpu.vector_store_idx %arg5[%parallel_loop3A_188, %add3A_52], %parallel_loop3A_552 {add = true} : memref<256x64xf32, #tpu.memory_space<vmem>>[vector<16xi32>, vector<16xi32>], vector<16xf32>,
        %parallel_loop3A_553 = arith.constant 11 : i32
        %parallel_loop3A_554 = arith.addi %parallel_loop3A_163, %parallel_loop3A_553 : i32
        %parallel_loop3A_555 = arith.index_cast %rem3A_102 : i32 to index
        %parallel_loop3A_556 = arith.index_cast %parallel_loop3A_554 : i32 to index
        %parallel_loop3A_557 = arith.constant 48 : index
        %parallel_loop3A_558 = tpu.vector_load %arg6[%parallel_loop3A_555, %parallel_loop3A_556, %parallel_loop3A_557] {strides = array<i32>} : memref<2x512x64xf32, #tpu.memory_space<vmem>>, vector<16xf32>,
        tpu.vector_store_idx %arg5[%parallel_loop3A_190, %add3A_52], %parallel_loop3A_558 {add = true} : memref<256x64xf32, #tpu.memory_space<vmem>>[vector<16xi32>, vector<16xi32>], vector<16xf32>,
        %parallel_loop3A_559 = arith.constant 12 : i32
        %parallel_loop3A_560 = arith.addi %parallel_loop3A_163, %parallel_loop3A_559 : i32
        %parallel_loop3A_561 = arith.index_cast %rem3A_102 : i32 to index
        %parallel_loop3A_562 = arith.index_cast %parallel_loop3A_560 : i32 to index
        %parallel_loop3A_563 = arith.constant 48 : index
        %parallel_loop3A_564 = tpu.vector_load %arg6[%parallel_loop3A_561, %parallel_loop3A_562, %parallel_loop3A_563] {strides = array<i32>} : memref<2x512x64xf32, #tpu.memory_space<vmem>>, vector<16xf32>,
        tpu.vector_store_idx %arg5[%parallel_loop3A_192, %add3A_52], %parallel_loop3A_564 {add = true} : memref<256x64xf32, #tpu.memory_space<vmem>>[vector<16xi32>, vector<16xi32>], vector<16xf32>,
        %parallel_loop3A_565 = arith.constant 13 : i32
        %parallel_loop3A_566 = arith.addi %parallel_loop3A_163, %parallel_loop3A_565 : i32
        %parallel_loop3A_567 = arith.index_cast %rem3A_102 : i32 to index
        %parallel_loop3A_568 = arith.index_cast %parallel_loop3A_566 : i32 to index
        %parallel_loop3A_569 = arith.constant 48 : index
        %parallel_loop3A_570 = tpu.vector_load %arg6[%parallel_loop3A_567, %parallel_loop3A_568, %parallel_loop3A_569] {strides = array<i32>} : memref<2x512x64xf32, #tpu.memory_space<vmem>>, vector<16xf32>,
        tpu.vector_store_idx %arg5[%parallel_loop3A_194, %add3A_52], %parallel_loop3A_570 {add = true} : memref<256x64xf32, #tpu.memory_space<vmem>>[vector<16xi32>, vector<16xi32>], vector<16xf32>,
        %parallel_loop3A_571 = arith.constant 14 : i32
        %parallel_loop3A_572 = arith.addi %parallel_loop3A_163, %parallel_loop3A_571 : i32
        %parallel_loop3A_573 = arith.index_cast %rem3A_102 : i32 to index
        %parallel_loop3A_574 = arith.index_cast %parallel_loop3A_572 : i32 to index
        %parallel_loop3A_575 = arith.constant 48 : index
        %parallel_loop3A_576 = tpu.vector_load %arg6[%parallel_loop3A_573, %parallel_loop3A_574, %parallel_loop3A_575] {strides = array<i32>} : memref<2x512x64xf32, #tpu.memory_space<vmem>>, vector<16xf32>,
        tpu.vector_store_idx %arg5[%parallel_loop3A_196, %add3A_52], %parallel_loop3A_576 {add = true} : memref<256x64xf32, #tpu.memory_space<vmem>>[vector<16xi32>, vector<16xi32>], vector<16xf32>,
        %parallel_loop3A_577 = arith.constant 15 : i32
        %parallel_loop3A_578 = arith.addi %parallel_loop3A_163, %parallel_loop3A_577 : i32
        %parallel_loop3A_579 = arith.index_cast %rem3A_102 : i32 to index
        %parallel_loop3A_580 = arith.index_cast %parallel_loop3A_578 : i32 to index
        %parallel_loop3A_581 = arith.constant 48 : index
        %parallel_loop3A_582 = tpu.vector_load %arg6[%parallel_loop3A_579, %parallel_loop3A_580, %parallel_loop3A_581] {strides = array<i32>} : memref<2x512x64xf32, #tpu.memory_space<vmem>>, vector<16xf32>,
        tpu.vector_store_idx %arg5[%parallel_loop3A_198, %add3A_52], %parallel_loop3A_582 {add = true} : memref<256x64xf32, #tpu.memory_space<vmem>>[vector<16xi32>, vector<16xi32>], vector<16xf32>,
      } {sc.loop_unroll_factor = 2 : i64, sc.parallel_access}
    }
    %scan3A_90 = arith.constant 13 : i32
    "tpu.region"() ({
      %run_scoped3A_101 = tpu.sem_alloc : memref<!tpu.dma_semaphore, #tpu.memory_space<semaphore_mem>>
      %dma_start3A_102 = arith.constant 0 : i32
      %dma_start3A_103 = arith.constant 0 : i32
      %dma_start3A_104 = tpu.memref_slice %arg10[%arg1, %dma_start3A_102, %dma_start3A_103] : memref<16x256x64xf32, #tpu.memory_space<vmem_shared>> -> memref<1x256x64xf32, #tpu.memory_space<vmem_shared>>
      %dma_start3A_105 = tpu.memref_squeeze %dma_start3A_104 : memref<1x256x64xf32, #tpu.memory_space<vmem_shared>> -> memref<256x64xf32, #tpu.memory_space<vmem_shared>>
      %dma_start3A_106 = arith.constant 0 : i32
      %dma_start3A_107 = arith.constant 0 : i32
      %dma_start3A_108 = tpu.memref_slice %arg10[%arg1, %dma_start3A_106, %dma_start3A_107] : memref<16x256x64xf32, #tpu.memory_space<vmem_shared>> -> memref<1x256x64xf32, #tpu.memory_space<vmem_shared>>
      %dma_start3A_109 = tpu.memref_squeeze %dma_start3A_108 : memref<1x256x64xf32, #tpu.memory_space<vmem_shared>> -> memref<256x64xf32, #tpu.memory_space<vmem_shared>>
      tpu.enqueue_dma source(%arg5 : memref<256x64xf32, #tpu.memory_space<vmem>>) target(%dma_start3A_109 : memref<256x64xf32, #tpu.memory_space<vmem_shared>>) target_semaphore(%run_scoped3A_101 : memref<!tpu.dma_semaphore, #tpu.memory_space<semaphore_mem>>)
      %dma_wait3A = arith.constant 0 : i32
      %dma_wait3A_110 = arith.constant 0 : i32
      %dma_wait3A_111 = tpu.memref_slice %arg10[%arg1, %dma_wait3A, %dma_wait3A_110] : memref<16x256x64xf32, #tpu.memory_space<vmem_shared>> -> memref<1x256x64xf32, #tpu.memory_space<vmem_shared>>
      %dma_wait3A_112 = tpu.memref_squeeze %dma_wait3A_111 : memref<1x256x64xf32, #tpu.memory_space<vmem_shared>> -> memref<256x64xf32, #tpu.memory_space<vmem_shared>>
      %dma_wait3A_113 = arith.constant 0 : i32
      %dma_wait3A_114 = arith.constant 0 : i32
      %dma_wait3A_115 = tpu.memref_slice %arg10[%arg1, %dma_wait3A_113, %dma_wait3A_114] : memref<16x256x64xf32, #tpu.memory_space<vmem_shared>> -> memref<1x256x64xf32, #tpu.memory_space<vmem_shared>>
      %dma_wait3A_116 = tpu.memref_squeeze %dma_wait3A_115 : memref<1x256x64xf32, #tpu.memory_space<vmem_shared>> -> memref<256x64xf32, #tpu.memory_space<vmem_shared>>
      tpu.wait_dma2 semaphore(%run_scoped3A_101 : memref<!tpu.dma_semaphore, #tpu.memory_space<semaphore_mem>>) src(%arg5 : memref<256x64xf32, #tpu.memory_space<vmem>>) dst(%dma_wait3A_116 : memref<256x64xf32, #tpu.memory_space<vmem_shared>>)
      tpu.yield
    }) : () -> ()
    %barrier3A = arith.constant 0 : index
    tpu.barrier barrier_id(%barrier3A)
    %mul3A_91 = arith.constant 16 : i32
    %mul3A_92 = arith.muli %arg1, %mul3A_91 : i32
    %run_scoped3A = arith.constant 0 : i32
    "tpu.region"() ({
      %run_scoped3A_101 = tpu.sem_alloc : memref<!tpu.dma_semaphore, #tpu.memory_space<semaphore_mem>>
      %dma_start3A_102 = arith.constant 0 : i32
      %dma_start3A_103 = tpu.memref_slice %arg10[%run_scoped3A, %mul3A_92, %dma_start3A_102] : memref<16x256x64xf32, #tpu.memory_space<vmem_shared>> -> memref<1x16x64xf32, #tpu.memory_space<vmem_shared>>
      %dma_start3A_104 = tpu.memref_squeeze %dma_start3A_103 : memref<1x16x64xf32, #tpu.memory_space<vmem_shared>> -> memref<16x64xf32, #tpu.memory_space<vmem_shared>>
      %dma_start3A_105 = arith.constant 0 : i32
      %dma_start3A_106 = tpu.memref_slice %arg10[%run_scoped3A, %mul3A_92, %dma_start3A_105] : memref<16x256x64xf32, #tpu.memory_space<vmem_shared>> -> memref<1x16x64xf32, #tpu.memory_space<vmem_shared>>
      %dma_start3A_107 = tpu.memref_squeeze %dma_start3A_106 : memref<1x16x64xf32, #tpu.memory_space<vmem_shared>> -> memref<16x64xf32, #tpu.memory_space<vmem_shared>>
      tpu.enqueue_dma source(%dma_start3A_107 : memref<16x64xf32, #tpu.memory_space<vmem_shared>>) target(%arg9 : memref<16x64xf32, #tpu.memory_space<vmem>>) target_semaphore(%run_scoped3A_101 : memref<!tpu.dma_semaphore, #tpu.memory_space<semaphore_mem>>)
      %dma_wait3A = arith.constant 0 : i32
      %dma_wait3A_108 = tpu.memref_slice %arg10[%run_scoped3A, %mul3A_92, %dma_wait3A] : memref<16x256x64xf32, #tpu.memory_space<vmem_shared>> -> memref<1x16x64xf32, #tpu.memory_space<vmem_shared>>
      %dma_wait3A_109 = tpu.memref_squeeze %dma_wait3A_108 : memref<1x16x64xf32, #tpu.memory_space<vmem_shared>> -> memref<16x64xf32, #tpu.memory_space<vmem_shared>>
      %dma_wait3A_110 = arith.constant 0 : i32
      %dma_wait3A_111 = tpu.memref_slice %arg10[%run_scoped3A, %mul3A_92, %dma_wait3A_110] : memref<16x256x64xf32, #tpu.memory_space<vmem_shared>> -> memref<1x16x64xf32, #tpu.memory_space<vmem_shared>>
      %dma_wait3A_112 = tpu.memref_squeeze %dma_wait3A_111 : memref<1x16x64xf32, #tpu.memory_space<vmem_shared>> -> memref<16x64xf32, #tpu.memory_space<vmem_shared>>
      tpu.wait_dma2 semaphore(%run_scoped3A_101 : memref<!tpu.dma_semaphore, #tpu.memory_space<semaphore_mem>>) src(%dma_wait3A_112 : memref<16x64xf32, #tpu.memory_space<vmem_shared>>) dst(%arg9 : memref<16x64xf32, #tpu.memory_space<vmem>>)
      tpu.yield
    }) : () -> ()
    %scan3A_93 = arith.constant 0 : i32
    %scan3A_94 = arith.constant 1 : i32
    %scan3A_95 = arith.constant 15 : i32
    %scan3A_96 = arith.addi %scan3A_94, %scan3A_95 : i32
    %scan3A_97 = arith.constant 1 : i32
    scf.for %scan3A_101 = %scan3A_94 to %scan3A_96 step %scan3A_97  : i32 {
      %mul3A_102 = arith.constant 16 : i32
      %mul3A_103 = arith.muli %arg1, %mul3A_102 : i32
      "tpu.region"() ({
        %run_scoped3A_614 = tpu.sem_alloc : memref<!tpu.dma_semaphore, #tpu.memory_space<semaphore_mem>>
        %dma_start3A_615 = arith.constant 0 : i32
        %dma_start3A_616 = tpu.memref_slice %arg10[%scan3A_101, %mul3A_103, %dma_start3A_615] : memref<16x256x64xf32, #tpu.memory_space<vmem_shared>> -> memref<1x16x64xf32, #tpu.memory_space<vmem_shared>>
        %dma_start3A_617 = tpu.memref_squeeze %dma_start3A_616 : memref<1x16x64xf32, #tpu.memory_space<vmem_shared>> -> memref<16x64xf32, #tpu.memory_space<vmem_shared>>
        %dma_start3A_618 = arith.constant 0 : i32
        %dma_start3A_619 = tpu.memref_slice %arg10[%scan3A_101, %mul3A_103, %dma_start3A_618] : memref<16x256x64xf32, #tpu.memory_space<vmem_shared>> -> memref<1x16x64xf32, #tpu.memory_space<vmem_shared>>
        %dma_start3A_620 = tpu.memref_squeeze %dma_start3A_619 : memref<1x16x64xf32, #tpu.memory_space<vmem_shared>> -> memref<16x64xf32, #tpu.memory_space<vmem_shared>>
        tpu.enqueue_dma source(%dma_start3A_620 : memref<16x64xf32, #tpu.memory_space<vmem_shared>>) target(%arg8 : memref<16x64xf32, #tpu.memory_space<vmem>>) target_semaphore(%run_scoped3A_614 : memref<!tpu.dma_semaphore, #tpu.memory_space<semaphore_mem>>)
        %dma_wait3A = arith.constant 0 : i32
        %dma_wait3A_621 = tpu.memref_slice %arg10[%scan3A_101, %mul3A_103, %dma_wait3A] : memref<16x256x64xf32, #tpu.memory_space<vmem_shared>> -> memref<1x16x64xf32, #tpu.memory_space<vmem_shared>>
        %dma_wait3A_622 = tpu.memref_squeeze %dma_wait3A_621 : memref<1x16x64xf32, #tpu.memory_space<vmem_shared>> -> memref<16x64xf32, #tpu.memory_space<vmem_shared>>
        %dma_wait3A_623 = arith.constant 0 : i32
        %dma_wait3A_624 = tpu.memref_slice %arg10[%scan3A_101, %mul3A_103, %dma_wait3A_623] : memref<16x256x64xf32, #tpu.memory_space<vmem_shared>> -> memref<1x16x64xf32, #tpu.memory_space<vmem_shared>>
        %dma_wait3A_625 = tpu.memref_squeeze %dma_wait3A_624 : memref<1x16x64xf32, #tpu.memory_space<vmem_shared>> -> memref<16x64xf32, #tpu.memory_space<vmem_shared>>
        tpu.wait_dma2 semaphore(%run_scoped3A_614 : memref<!tpu.dma_semaphore, #tpu.memory_space<semaphore_mem>>) src(%dma_wait3A_625 : memref<16x64xf32, #tpu.memory_space<vmem_shared>>) dst(%arg8 : memref<16x64xf32, #tpu.memory_space<vmem>>)
        tpu.yield
      }) : () -> ()
      %get3A = arith.constant 0 : i32
      %get3A_104 = arith.index_cast %get3A : i32 to index
      %get3A_105 = arith.constant 0 : index
      %get3A_106 = tpu.vector_load %arg8[%get3A_104, %get3A_105] {strides = array<i32>} : memref<16x64xf32, #tpu.memory_space<vmem>>, vector<16xf32>,
      %swap3A = arith.constant 0 : i32
      %swap3A_107 = arith.index_cast %swap3A : i32 to index
      %swap3A_108 = arith.constant 0 : index
      %swap3A_109 = tpu.vector_load %arg9[%swap3A_107, %swap3A_108] {strides = array<i32>} : memref<16x64xf32, #tpu.memory_space<vmem>>, vector<16xf32>,
      tpu.vector_store %arg9[%swap3A_107, %swap3A_108], %get3A_106 {add = true, strides = array<i32>} : memref<16x64xf32, #tpu.memory_space<vmem>>, vector<16xf32>,
      %get3A_110 = arith.constant 0 : i32
      %get3A_111 = arith.index_cast %get3A_110 : i32 to index
      %get3A_112 = arith.constant 16 : index
      %get3A_113 = tpu.vector_load %arg8[%get3A_111, %get3A_112] {strides = array<i32>} : memref<16x64xf32, #tpu.memory_space<vmem>>, vector<16xf32>,
      %swap3A_114 = arith.constant 0 : i32
      %swap3A_115 = arith.index_cast %swap3A_114 : i32 to index
      %swap3A_116 = arith.constant 16 : index
      %swap3A_117 = tpu.vector_load %arg9[%swap3A_115, %swap3A_116] {strides = array<i32>} : memref<16x64xf32, #tpu.memory_space<vmem>>, vector<16xf32>,
      tpu.vector_store %arg9[%swap3A_115, %swap3A_116], %get3A_113 {add = true, strides = array<i32>} : memref<16x64xf32, #tpu.memory_space<vmem>>, vector<16xf32>,
      %get3A_118 = arith.constant 0 : i32
      %get3A_119 = arith.index_cast %get3A_118 : i32 to index
      %get3A_120 = arith.constant 32 : index
      %get3A_121 = tpu.vector_load %arg8[%get3A_119, %get3A_120] {strides = array<i32>} : memref<16x64xf32, #tpu.memory_space<vmem>>, vector<16xf32>,
      %swap3A_122 = arith.constant 0 : i32
      %swap3A_123 = arith.index_cast %swap3A_122 : i32 to index
      %swap3A_124 = arith.constant 32 : index
      %swap3A_125 = tpu.vector_load %arg9[%swap3A_123, %swap3A_124] {strides = array<i32>} : memref<16x64xf32, #tpu.memory_space<vmem>>, vector<16xf32>,
      tpu.vector_store %arg9[%swap3A_123, %swap3A_124], %get3A_121 {add = true, strides = array<i32>} : memref<16x64xf32, #tpu.memory_space<vmem>>, vector<16xf32>,
      %get3A_126 = arith.constant 0 : i32
      %get3A_127 = arith.index_cast %get3A_126 : i32 to index
      %get3A_128 = arith.constant 48 : index
      %get3A_129 = tpu.vector_load %arg8[%get3A_127, %get3A_128] {strides = array<i32>} : memref<16x64xf32, #tpu.memory_space<vmem>>, vector<16xf32>,
      %swap3A_130 = arith.constant 0 : i32
      %swap3A_131 = arith.index_cast %swap3A_130 : i32 to index
      %swap3A_132 = arith.constant 48 : index
      %swap3A_133 = tpu.vector_load %arg9[%swap3A_131, %swap3A_132] {strides = array<i32>} : memref<16x64xf32, #tpu.memory_space<vmem>>, vector<16xf32>,
      tpu.vector_store %arg9[%swap3A_131, %swap3A_132], %get3A_129 {add = true, strides = array<i32>} : memref<16x64xf32, #tpu.memory_space<vmem>>, vector<16xf32>,
      %get3A_134 = arith.constant 1 : i32
      %get3A_135 = arith.index_cast %get3A_134 : i32 to index
      %get3A_136 = arith.constant 0 : index
      %get3A_137 = tpu.vector_load %arg8[%get3A_135, %get3A_136] {strides = array<i32>} : memref<16x64xf32, #tpu.memory_space<vmem>>, vector<16xf32>,
      %swap3A_138 = arith.constant 1 : i32
      %swap3A_139 = arith.index_cast %swap3A_138 : i32 to index
      %swap3A_140 = arith.constant 0 : index
      %swap3A_141 = tpu.vector_load %arg9[%swap3A_139, %swap3A_140] {strides = array<i32>} : memref<16x64xf32, #tpu.memory_space<vmem>>, vector<16xf32>,
      tpu.vector_store %arg9[%swap3A_139, %swap3A_140], %get3A_137 {add = true, strides = array<i32>} : memref<16x64xf32, #tpu.memory_space<vmem>>, vector<16xf32>,
      %get3A_142 = arith.constant 1 : i32
      %get3A_143 = arith.index_cast %get3A_142 : i32 to index
      %get3A_144 = arith.constant 16 : index
      %get3A_145 = tpu.vector_load %arg8[%get3A_143, %get3A_144] {strides = array<i32>} : memref<16x64xf32, #tpu.memory_space<vmem>>, vector<16xf32>,
      %swap3A_146 = arith.constant 1 : i32
      %swap3A_147 = arith.index_cast %swap3A_146 : i32 to index
      %swap3A_148 = arith.constant 16 : index
      %swap3A_149 = tpu.vector_load %arg9[%swap3A_147, %swap3A_148] {strides = array<i32>} : memref<16x64xf32, #tpu.memory_space<vmem>>, vector<16xf32>,
      tpu.vector_store %arg9[%swap3A_147, %swap3A_148], %get3A_145 {add = true, strides = array<i32>} : memref<16x64xf32, #tpu.memory_space<vmem>>, vector<16xf32>,
      %get3A_150 = arith.constant 1 : i32
      %get3A_151 = arith.index_cast %get3A_150 : i32 to index
      %get3A_152 = arith.constant 32 : index
      %get3A_153 = tpu.vector_load %arg8[%get3A_151, %get3A_152] {strides = array<i32>} : memref<16x64xf32, #tpu.memory_space<vmem>>, vector<16xf32>,
      %swap3A_154 = arith.constant 1 : i32
      %swap3A_155 = arith.index_cast %swap3A_154 : i32 to index
      %swap3A_156 = arith.constant 32 : index
      %swap3A_157 = tpu.vector_load %arg9[%swap3A_155, %swap3A_156] {strides = array<i32>} : memref<16x64xf32, #tpu.memory_space<vmem>>, vector<16xf32>,
      tpu.vector_store %arg9[%swap3A_155, %swap3A_156], %get3A_153 {add = true, strides = array<i32>} : memref<16x64xf32, #tpu.memory_space<vmem>>, vector<16xf32>,
      %get3A_158 = arith.constant 1 : i32
      %get3A_159 = arith.index_cast %get3A_158 : i32 to index
      %get3A_160 = arith.constant 48 : index
      %get3A_161 = tpu.vector_load %arg8[%get3A_159, %get3A_160] {strides = array<i32>} : memref<16x64xf32, #tpu.memory_space<vmem>>, vector<16xf32>,
      %swap3A_162 = arith.constant 1 : i32
      %swap3A_163 = arith.index_cast %swap3A_162 : i32 to index
      %swap3A_164 = arith.constant 48 : index
      %swap3A_165 = tpu.vector_load %arg9[%swap3A_163, %swap3A_164] {strides = array<i32>} : memref<16x64xf32, #tpu.memory_space<vmem>>, vector<16xf32>,
      tpu.vector_store %arg9[%swap3A_163, %swap3A_164], %get3A_161 {add = true, strides = array<i32>} : memref<16x64xf32, #tpu.memory_space<vmem>>, vector<16xf32>,
      %get3A_166 = arith.constant 2 : i32
      %get3A_167 = arith.index_cast %get3A_166 : i32 to index
      %get3A_168 = arith.constant 0 : index
      %get3A_169 = tpu.vector_load %arg8[%get3A_167, %get3A_168] {strides = array<i32>} : memref<16x64xf32, #tpu.memory_space<vmem>>, vector<16xf32>,
      %swap3A_170 = arith.constant 2 : i32
      %swap3A_171 = arith.index_cast %swap3A_170 : i32 to index
      %swap3A_172 = arith.constant 0 : index
      %swap3A_173 = tpu.vector_load %arg9[%swap3A_171, %swap3A_172] {strides = array<i32>} : memref<16x64xf32, #tpu.memory_space<vmem>>, vector<16xf32>,
      tpu.vector_store %arg9[%swap3A_171, %swap3A_172], %get3A_169 {add = true, strides = array<i32>} : memref<16x64xf32, #tpu.memory_space<vmem>>, vector<16xf32>,
      %get3A_174 = arith.constant 2 : i32
      %get3A_175 = arith.index_cast %get3A_174 : i32 to index
      %get3A_176 = arith.constant 16 : index
      %get3A_177 = tpu.vector_load %arg8[%get3A_175, %get3A_176] {strides = array<i32>} : memref<16x64xf32, #tpu.memory_space<vmem>>, vector<16xf32>,
      %swap3A_178 = arith.constant 2 : i32
      %swap3A_179 = arith.index_cast %swap3A_178 : i32 to index
      %swap3A_180 = arith.constant 16 : index
      %swap3A_181 = tpu.vector_load %arg9[%swap3A_179, %swap3A_180] {strides = array<i32>} : memref<16x64xf32, #tpu.memory_space<vmem>>, vector<16xf32>,
      tpu.vector_store %arg9[%swap3A_179, %swap3A_180], %get3A_177 {add = true, strides = array<i32>} : memref<16x64xf32, #tpu.memory_space<vmem>>, vector<16xf32>,
      %get3A_182 = arith.constant 2 : i32
      %get3A_183 = arith.index_cast %get3A_182 : i32 to index
      %get3A_184 = arith.constant 32 : index
      %get3A_185 = tpu.vector_load %arg8[%get3A_183, %get3A_184] {strides = array<i32>} : memref<16x64xf32, #tpu.memory_space<vmem>>, vector<16xf32>,
      %swap3A_186 = arith.constant 2 : i32
      %swap3A_187 = arith.index_cast %swap3A_186 : i32 to index
      %swap3A_188 = arith.constant 32 : index
      %swap3A_189 = tpu.vector_load %arg9[%swap3A_187, %swap3A_188] {strides = array<i32>} : memref<16x64xf32, #tpu.memory_space<vmem>>, vector<16xf32>,
      tpu.vector_store %arg9[%swap3A_187, %swap3A_188], %get3A_185 {add = true, strides = array<i32>} : memref<16x64xf32, #tpu.memory_space<vmem>>, vector<16xf32>,
      %get3A_190 = arith.constant 2 : i32
      %get3A_191 = arith.index_cast %get3A_190 : i32 to index
      %get3A_192 = arith.constant 48 : index
      %get3A_193 = tpu.vector_load %arg8[%get3A_191, %get3A_192] {strides = array<i32>} : memref<16x64xf32, #tpu.memory_space<vmem>>, vector<16xf32>,
      %swap3A_194 = arith.constant 2 : i32
      %swap3A_195 = arith.index_cast %swap3A_194 : i32 to index
      %swap3A_196 = arith.constant 48 : index
      %swap3A_197 = tpu.vector_load %arg9[%swap3A_195, %swap3A_196] {strides = array<i32>} : memref<16x64xf32, #tpu.memory_space<vmem>>, vector<16xf32>,
      tpu.vector_store %arg9[%swap3A_195, %swap3A_196], %get3A_193 {add = true, strides = array<i32>} : memref<16x64xf32, #tpu.memory_space<vmem>>, vector<16xf32>,
      %get3A_198 = arith.constant 3 : i32
      %get3A_199 = arith.index_cast %get3A_198 : i32 to index
      %get3A_200 = arith.constant 0 : index
      %get3A_201 = tpu.vector_load %arg8[%get3A_199, %get3A_200] {strides = array<i32>} : memref<16x64xf32, #tpu.memory_space<vmem>>, vector<16xf32>,
      %swap3A_202 = arith.constant 3 : i32
      %swap3A_203 = arith.index_cast %swap3A_202 : i32 to index
      %swap3A_204 = arith.constant 0 : index
      %swap3A_205 = tpu.vector_load %arg9[%swap3A_203, %swap3A_204] {strides = array<i32>} : memref<16x64xf32, #tpu.memory_space<vmem>>, vector<16xf32>,
      tpu.vector_store %arg9[%swap3A_203, %swap3A_204], %get3A_201 {add = true, strides = array<i32>} : memref<16x64xf32, #tpu.memory_space<vmem>>, vector<16xf32>,
      %get3A_206 = arith.constant 3 : i32
      %get3A_207 = arith.index_cast %get3A_206 : i32 to index
      %get3A_208 = arith.constant 16 : index
      %get3A_209 = tpu.vector_load %arg8[%get3A_207, %get3A_208] {strides = array<i32>} : memref<16x64xf32, #tpu.memory_space<vmem>>, vector<16xf32>,
      %swap3A_210 = arith.constant 3 : i32
      %swap3A_211 = arith.index_cast %swap3A_210 : i32 to index
      %swap3A_212 = arith.constant 16 : index
      %swap3A_213 = tpu.vector_load %arg9[%swap3A_211, %swap3A_212] {strides = array<i32>} : memref<16x64xf32, #tpu.memory_space<vmem>>, vector<16xf32>,
      tpu.vector_store %arg9[%swap3A_211, %swap3A_212], %get3A_209 {add = true, strides = array<i32>} : memref<16x64xf32, #tpu.memory_space<vmem>>, vector<16xf32>,
      %get3A_214 = arith.constant 3 : i32
      %get3A_215 = arith.index_cast %get3A_214 : i32 to index
      %get3A_216 = arith.constant 32 : index
      %get3A_217 = tpu.vector_load %arg8[%get3A_215, %get3A_216] {strides = array<i32>} : memref<16x64xf32, #tpu.memory_space<vmem>>, vector<16xf32>,
      %swap3A_218 = arith.constant 3 : i32
      %swap3A_219 = arith.index_cast %swap3A_218 : i32 to index
      %swap3A_220 = arith.constant 32 : index
      %swap3A_221 = tpu.vector_load %arg9[%swap3A_219, %swap3A_220] {strides = array<i32>} : memref<16x64xf32, #tpu.memory_space<vmem>>, vector<16xf32>,
      tpu.vector_store %arg9[%swap3A_219, %swap3A_220], %get3A_217 {add = true, strides = array<i32>} : memref<16x64xf32, #tpu.memory_space<vmem>>, vector<16xf32>,
      %get3A_222 = arith.constant 3 : i32
      %get3A_223 = arith.index_cast %get3A_222 : i32 to index
      %get3A_224 = arith.constant 48 : index
      %get3A_225 = tpu.vector_load %arg8[%get3A_223, %get3A_224] {strides = array<i32>} : memref<16x64xf32, #tpu.memory_space<vmem>>, vector<16xf32>,
      %swap3A_226 = arith.constant 3 : i32
      %swap3A_227 = arith.index_cast %swap3A_226 : i32 to index
      %swap3A_228 = arith.constant 48 : index
      %swap3A_229 = tpu.vector_load %arg9[%swap3A_227, %swap3A_228] {strides = array<i32>} : memref<16x64xf32, #tpu.memory_space<vmem>>, vector<16xf32>,
      tpu.vector_store %arg9[%swap3A_227, %swap3A_228], %get3A_225 {add = true, strides = array<i32>} : memref<16x64xf32, #tpu.memory_space<vmem>>, vector<16xf32>,
      %get3A_230 = arith.constant 4 : i32
      %get3A_231 = arith.index_cast %get3A_230 : i32 to index
      %get3A_232 = arith.constant 0 : index
      %get3A_233 = tpu.vector_load %arg8[%get3A_231, %get3A_232] {strides = array<i32>} : memref<16x64xf32, #tpu.memory_space<vmem>>, vector<16xf32>,
      %swap3A_234 = arith.constant 4 : i32
      %swap3A_235 = arith.index_cast %swap3A_234 : i32 to index
      %swap3A_236 = arith.constant 0 : index
      %swap3A_237 = tpu.vector_load %arg9[%swap3A_235, %swap3A_236] {strides = array<i32>} : memref<16x64xf32, #tpu.memory_space<vmem>>, vector<16xf32>,
      tpu.vector_store %arg9[%swap3A_235, %swap3A_236], %get3A_233 {add = true, strides = array<i32>} : memref<16x64xf32, #tpu.memory_space<vmem>>, vector<16xf32>,
      %get3A_238 = arith.constant 4 : i32
      %get3A_239 = arith.index_cast %get3A_238 : i32 to index
      %get3A_240 = arith.constant 16 : index
      %get3A_241 = tpu.vector_load %arg8[%get3A_239, %get3A_240] {strides = array<i32>} : memref<16x64xf32, #tpu.memory_space<vmem>>, vector<16xf32>,
      %swap3A_242 = arith.constant 4 : i32
      %swap3A_243 = arith.index_cast %swap3A_242 : i32 to index
      %swap3A_244 = arith.constant 16 : index
      %swap3A_245 = tpu.vector_load %arg9[%swap3A_243, %swap3A_244] {strides = array<i32>} : memref<16x64xf32, #tpu.memory_space<vmem>>, vector<16xf32>,
      tpu.vector_store %arg9[%swap3A_243, %swap3A_244], %get3A_241 {add = true, strides = array<i32>} : memref<16x64xf32, #tpu.memory_space<vmem>>, vector<16xf32>,
      %get3A_246 = arith.constant 4 : i32
      %get3A_247 = arith.index_cast %get3A_246 : i32 to index
      %get3A_248 = arith.constant 32 : index
      %get3A_249 = tpu.vector_load %arg8[%get3A_247, %get3A_248] {strides = array<i32>} : memref<16x64xf32, #tpu.memory_space<vmem>>, vector<16xf32>,
      %swap3A_250 = arith.constant 4 : i32
      %swap3A_251 = arith.index_cast %swap3A_250 : i32 to index
      %swap3A_252 = arith.constant 32 : index
      %swap3A_253 = tpu.vector_load %arg9[%swap3A_251, %swap3A_252] {strides = array<i32>} : memref<16x64xf32, #tpu.memory_space<vmem>>, vector<16xf32>,
      tpu.vector_store %arg9[%swap3A_251, %swap3A_252], %get3A_249 {add = true, strides = array<i32>} : memref<16x64xf32, #tpu.memory_space<vmem>>, vector<16xf32>,
      %get3A_254 = arith.constant 4 : i32
      %get3A_255 = arith.index_cast %get3A_254 : i32 to index
      %get3A_256 = arith.constant 48 : index
      %get3A_257 = tpu.vector_load %arg8[%get3A_255, %get3A_256] {strides = array<i32>} : memref<16x64xf32, #tpu.memory_space<vmem>>, vector<16xf32>,
      %swap3A_258 = arith.constant 4 : i32
      %swap3A_259 = arith.index_cast %swap3A_258 : i32 to index
      %swap3A_260 = arith.constant 48 : index
      %swap3A_261 = tpu.vector_load %arg9[%swap3A_259, %swap3A_260] {strides = array<i32>} : memref<16x64xf32, #tpu.memory_space<vmem>>, vector<16xf32>,
      tpu.vector_store %arg9[%swap3A_259, %swap3A_260], %get3A_257 {add = true, strides = array<i32>} : memref<16x64xf32, #tpu.memory_space<vmem>>, vector<16xf32>,
      %get3A_262 = arith.constant 5 : i32
      %get3A_263 = arith.index_cast %get3A_262 : i32 to index
      %get3A_264 = arith.constant 0 : index
      %get3A_265 = tpu.vector_load %arg8[%get3A_263, %get3A_264] {strides = array<i32>} : memref<16x64xf32, #tpu.memory_space<vmem>>, vector<16xf32>,
      %swap3A_266 = arith.constant 5 : i32
      %swap3A_267 = arith.index_cast %swap3A_266 : i32 to index
      %swap3A_268 = arith.constant 0 : index
      %swap3A_269 = tpu.vector_load %arg9[%swap3A_267, %swap3A_268] {strides = array<i32>} : memref<16x64xf32, #tpu.memory_space<vmem>>, vector<16xf32>,
      tpu.vector_store %arg9[%swap3A_267, %swap3A_268], %get3A_265 {add = true, strides = array<i32>} : memref<16x64xf32, #tpu.memory_space<vmem>>, vector<16xf32>,
      %get3A_270 = arith.constant 5 : i32
      %get3A_271 = arith.index_cast %get3A_270 : i32 to index
      %get3A_272 = arith.constant 16 : index
      %get3A_273 = tpu.vector_load %arg8[%get3A_271, %get3A_272] {strides = array<i32>} : memref<16x64xf32, #tpu.memory_space<vmem>>, vector<16xf32>,
      %swap3A_274 = arith.constant 5 : i32
      %swap3A_275 = arith.index_cast %swap3A_274 : i32 to index
      %swap3A_276 = arith.constant 16 : index
      %swap3A_277 = tpu.vector_load %arg9[%swap3A_275, %swap3A_276] {strides = array<i32>} : memref<16x64xf32, #tpu.memory_space<vmem>>, vector<16xf32>,
      tpu.vector_store %arg9[%swap3A_275, %swap3A_276], %get3A_273 {add = true, strides = array<i32>} : memref<16x64xf32, #tpu.memory_space<vmem>>, vector<16xf32>,
      %get3A_278 = arith.constant 5 : i32
      %get3A_279 = arith.index_cast %get3A_278 : i32 to index
      %get3A_280 = arith.constant 32 : index
      %get3A_281 = tpu.vector_load %arg8[%get3A_279, %get3A_280] {strides = array<i32>} : memref<16x64xf32, #tpu.memory_space<vmem>>, vector<16xf32>,
      %swap3A_282 = arith.constant 5 : i32
      %swap3A_283 = arith.index_cast %swap3A_282 : i32 to index
      %swap3A_284 = arith.constant 32 : index
      %swap3A_285 = tpu.vector_load %arg9[%swap3A_283, %swap3A_284] {strides = array<i32>} : memref<16x64xf32, #tpu.memory_space<vmem>>, vector<16xf32>,
      tpu.vector_store %arg9[%swap3A_283, %swap3A_284], %get3A_281 {add = true, strides = array<i32>} : memref<16x64xf32, #tpu.memory_space<vmem>>, vector<16xf32>,
      %get3A_286 = arith.constant 5 : i32
      %get3A_287 = arith.index_cast %get3A_286 : i32 to index
      %get3A_288 = arith.constant 48 : index
      %get3A_289 = tpu.vector_load %arg8[%get3A_287, %get3A_288] {strides = array<i32>} : memref<16x64xf32, #tpu.memory_space<vmem>>, vector<16xf32>,
      %swap3A_290 = arith.constant 5 : i32
      %swap3A_291 = arith.index_cast %swap3A_290 : i32 to index
      %swap3A_292 = arith.constant 48 : index
      %swap3A_293 = tpu.vector_load %arg9[%swap3A_291, %swap3A_292] {strides = array<i32>} : memref<16x64xf32, #tpu.memory_space<vmem>>, vector<16xf32>,
      tpu.vector_store %arg9[%swap3A_291, %swap3A_292], %get3A_289 {add = true, strides = array<i32>} : memref<16x64xf32, #tpu.memory_space<vmem>>, vector<16xf32>,
      %get3A_294 = arith.constant 6 : i32
      %get3A_295 = arith.index_cast %get3A_294 : i32 to index
      %get3A_296 = arith.constant 0 : index
      %get3A_297 = tpu.vector_load %arg8[%get3A_295, %get3A_296] {strides = array<i32>} : memref<16x64xf32, #tpu.memory_space<vmem>>, vector<16xf32>,
      %swap3A_298 = arith.constant 6 : i32
      %swap3A_299 = arith.index_cast %swap3A_298 : i32 to index
      %swap3A_300 = arith.constant 0 : index
      %swap3A_301 = tpu.vector_load %arg9[%swap3A_299, %swap3A_300] {strides = array<i32>} : memref<16x64xf32, #tpu.memory_space<vmem>>, vector<16xf32>,
      tpu.vector_store %arg9[%swap3A_299, %swap3A_300], %get3A_297 {add = true, strides = array<i32>} : memref<16x64xf32, #tpu.memory_space<vmem>>, vector<16xf32>,
      %get3A_302 = arith.constant 6 : i32
      %get3A_303 = arith.index_cast %get3A_302 : i32 to index
      %get3A_304 = arith.constant 16 : index
      %get3A_305 = tpu.vector_load %arg8[%get3A_303, %get3A_304] {strides = array<i32>} : memref<16x64xf32, #tpu.memory_space<vmem>>, vector<16xf32>,
      %swap3A_306 = arith.constant 6 : i32
      %swap3A_307 = arith.index_cast %swap3A_306 : i32 to index
      %swap3A_308 = arith.constant 16 : index
      %swap3A_309 = tpu.vector_load %arg9[%swap3A_307, %swap3A_308] {strides = array<i32>} : memref<16x64xf32, #tpu.memory_space<vmem>>, vector<16xf32>,
      tpu.vector_store %arg9[%swap3A_307, %swap3A_308], %get3A_305 {add = true, strides = array<i32>} : memref<16x64xf32, #tpu.memory_space<vmem>>, vector<16xf32>,
      %get3A_310 = arith.constant 6 : i32
      %get3A_311 = arith.index_cast %get3A_310 : i32 to index
      %get3A_312 = arith.constant 32 : index
      %get3A_313 = tpu.vector_load %arg8[%get3A_311, %get3A_312] {strides = array<i32>} : memref<16x64xf32, #tpu.memory_space<vmem>>, vector<16xf32>,
      %swap3A_314 = arith.constant 6 : i32
      %swap3A_315 = arith.index_cast %swap3A_314 : i32 to index
      %swap3A_316 = arith.constant 32 : index
      %swap3A_317 = tpu.vector_load %arg9[%swap3A_315, %swap3A_316] {strides = array<i32>} : memref<16x64xf32, #tpu.memory_space<vmem>>, vector<16xf32>,
      tpu.vector_store %arg9[%swap3A_315, %swap3A_316], %get3A_313 {add = true, strides = array<i32>} : memref<16x64xf32, #tpu.memory_space<vmem>>, vector<16xf32>,
      %get3A_318 = arith.constant 6 : i32
      %get3A_319 = arith.index_cast %get3A_318 : i32 to index
      %get3A_320 = arith.constant 48 : index
      %get3A_321 = tpu.vector_load %arg8[%get3A_319, %get3A_320] {strides = array<i32>} : memref<16x64xf32, #tpu.memory_space<vmem>>, vector<16xf32>,
      %swap3A_322 = arith.constant 6 : i32
      %swap3A_323 = arith.index_cast %swap3A_322 : i32 to index
      %swap3A_324 = arith.constant 48 : index
      %swap3A_325 = tpu.vector_load %arg9[%swap3A_323, %swap3A_324] {strides = array<i32>} : memref<16x64xf32, #tpu.memory_space<vmem>>, vector<16xf32>,
      tpu.vector_store %arg9[%swap3A_323, %swap3A_324], %get3A_321 {add = true, strides = array<i32>} : memref<16x64xf32, #tpu.memory_space<vmem>>, vector<16xf32>,
      %get3A_326 = arith.constant 7 : i32
      %get3A_327 = arith.index_cast %get3A_326 : i32 to index
      %get3A_328 = arith.constant 0 : index
      %get3A_329 = tpu.vector_load %arg8[%get3A_327, %get3A_328] {strides = array<i32>} : memref<16x64xf32, #tpu.memory_space<vmem>>, vector<16xf32>,
      %swap3A_330 = arith.constant 7 : i32
      %swap3A_331 = arith.index_cast %swap3A_330 : i32 to index
      %swap3A_332 = arith.constant 0 : index
      %swap3A_333 = tpu.vector_load %arg9[%swap3A_331, %swap3A_332] {strides = array<i32>} : memref<16x64xf32, #tpu.memory_space<vmem>>, vector<16xf32>,
      tpu.vector_store %arg9[%swap3A_331, %swap3A_332], %get3A_329 {add = true, strides = array<i32>} : memref<16x64xf32, #tpu.memory_space<vmem>>, vector<16xf32>,
      %get3A_334 = arith.constant 7 : i32
      %get3A_335 = arith.index_cast %get3A_334 : i32 to index
      %get3A_336 = arith.constant 16 : index
      %get3A_337 = tpu.vector_load %arg8[%get3A_335, %get3A_336] {strides = array<i32>} : memref<16x64xf32, #tpu.memory_space<vmem>>, vector<16xf32>,
      %swap3A_338 = arith.constant 7 : i32
      %swap3A_339 = arith.index_cast %swap3A_338 : i32 to index
      %swap3A_340 = arith.constant 16 : index
      %swap3A_341 = tpu.vector_load %arg9[%swap3A_339, %swap3A_340] {strides = array<i32>} : memref<16x64xf32, #tpu.memory_space<vmem>>, vector<16xf32>,
      tpu.vector_store %arg9[%swap3A_339, %swap3A_340], %get3A_337 {add = true, strides = array<i32>} : memref<16x64xf32, #tpu.memory_space<vmem>>, vector<16xf32>,
      %get3A_342 = arith.constant 7 : i32
      %get3A_343 = arith.index_cast %get3A_342 : i32 to index
      %get3A_344 = arith.constant 32 : index
      %get3A_345 = tpu.vector_load %arg8[%get3A_343, %get3A_344] {strides = array<i32>} : memref<16x64xf32, #tpu.memory_space<vmem>>, vector<16xf32>,
      %swap3A_346 = arith.constant 7 : i32
      %swap3A_347 = arith.index_cast %swap3A_346 : i32 to index
      %swap3A_348 = arith.constant 32 : index
      %swap3A_349 = tpu.vector_load %arg9[%swap3A_347, %swap3A_348] {strides = array<i32>} : memref<16x64xf32, #tpu.memory_space<vmem>>, vector<16xf32>,
      tpu.vector_store %arg9[%swap3A_347, %swap3A_348], %get3A_345 {add = true, strides = array<i32>} : memref<16x64xf32, #tpu.memory_space<vmem>>, vector<16xf32>,
      %get3A_350 = arith.constant 7 : i32
      %get3A_351 = arith.index_cast %get3A_350 : i32 to index
      %get3A_352 = arith.constant 48 : index
      %get3A_353 = tpu.vector_load %arg8[%get3A_351, %get3A_352] {strides = array<i32>} : memref<16x64xf32, #tpu.memory_space<vmem>>, vector<16xf32>,
      %swap3A_354 = arith.constant 7 : i32
      %swap3A_355 = arith.index_cast %swap3A_354 : i32 to index
      %swap3A_356 = arith.constant 48 : index
      %swap3A_357 = tpu.vector_load %arg9[%swap3A_355, %swap3A_356] {strides = array<i32>} : memref<16x64xf32, #tpu.memory_space<vmem>>, vector<16xf32>,
      tpu.vector_store %arg9[%swap3A_355, %swap3A_356], %get3A_353 {add = true, strides = array<i32>} : memref<16x64xf32, #tpu.memory_space<vmem>>, vector<16xf32>,
      %get3A_358 = arith.constant 8 : i32
      %get3A_359 = arith.index_cast %get3A_358 : i32 to index
      %get3A_360 = arith.constant 0 : index
      %get3A_361 = tpu.vector_load %arg8[%get3A_359, %get3A_360] {strides = array<i32>} : memref<16x64xf32, #tpu.memory_space<vmem>>, vector<16xf32>,
      %swap3A_362 = arith.constant 8 : i32
      %swap3A_363 = arith.index_cast %swap3A_362 : i32 to index
      %swap3A_364 = arith.constant 0 : index
      %swap3A_365 = tpu.vector_load %arg9[%swap3A_363, %swap3A_364] {strides = array<i32>} : memref<16x64xf32, #tpu.memory_space<vmem>>, vector<16xf32>,
      tpu.vector_store %arg9[%swap3A_363, %swap3A_364], %get3A_361 {add = true, strides = array<i32>} : memref<16x64xf32, #tpu.memory_space<vmem>>, vector<16xf32>,
      %get3A_366 = arith.constant 8 : i32
      %get3A_367 = arith.index_cast %get3A_366 : i32 to index
      %get3A_368 = arith.constant 16 : index
      %get3A_369 = tpu.vector_load %arg8[%get3A_367, %get3A_368] {strides = array<i32>} : memref<16x64xf32, #tpu.memory_space<vmem>>, vector<16xf32>,
      %swap3A_370 = arith.constant 8 : i32
      %swap3A_371 = arith.index_cast %swap3A_370 : i32 to index
      %swap3A_372 = arith.constant 16 : index
      %swap3A_373 = tpu.vector_load %arg9[%swap3A_371, %swap3A_372] {strides = array<i32>} : memref<16x64xf32, #tpu.memory_space<vmem>>, vector<16xf32>,
      tpu.vector_store %arg9[%swap3A_371, %swap3A_372], %get3A_369 {add = true, strides = array<i32>} : memref<16x64xf32, #tpu.memory_space<vmem>>, vector<16xf32>,
      %get3A_374 = arith.constant 8 : i32
      %get3A_375 = arith.index_cast %get3A_374 : i32 to index
      %get3A_376 = arith.constant 32 : index
      %get3A_377 = tpu.vector_load %arg8[%get3A_375, %get3A_376] {strides = array<i32>} : memref<16x64xf32, #tpu.memory_space<vmem>>, vector<16xf32>,
      %swap3A_378 = arith.constant 8 : i32
      %swap3A_379 = arith.index_cast %swap3A_378 : i32 to index
      %swap3A_380 = arith.constant 32 : index
      %swap3A_381 = tpu.vector_load %arg9[%swap3A_379, %swap3A_380] {strides = array<i32>} : memref<16x64xf32, #tpu.memory_space<vmem>>, vector<16xf32>,
      tpu.vector_store %arg9[%swap3A_379, %swap3A_380], %get3A_377 {add = true, strides = array<i32>} : memref<16x64xf32, #tpu.memory_space<vmem>>, vector<16xf32>,
      %get3A_382 = arith.constant 8 : i32
      %get3A_383 = arith.index_cast %get3A_382 : i32 to index
      %get3A_384 = arith.constant 48 : index
      %get3A_385 = tpu.vector_load %arg8[%get3A_383, %get3A_384] {strides = array<i32>} : memref<16x64xf32, #tpu.memory_space<vmem>>, vector<16xf32>,
      %swap3A_386 = arith.constant 8 : i32
      %swap3A_387 = arith.index_cast %swap3A_386 : i32 to index
      %swap3A_388 = arith.constant 48 : index
      %swap3A_389 = tpu.vector_load %arg9[%swap3A_387, %swap3A_388] {strides = array<i32>} : memref<16x64xf32, #tpu.memory_space<vmem>>, vector<16xf32>,
      tpu.vector_store %arg9[%swap3A_387, %swap3A_388], %get3A_385 {add = true, strides = array<i32>} : memref<16x64xf32, #tpu.memory_space<vmem>>, vector<16xf32>,
      %get3A_390 = arith.constant 9 : i32
      %get3A_391 = arith.index_cast %get3A_390 : i32 to index
      %get3A_392 = arith.constant 0 : index
      %get3A_393 = tpu.vector_load %arg8[%get3A_391, %get3A_392] {strides = array<i32>} : memref<16x64xf32, #tpu.memory_space<vmem>>, vector<16xf32>,
      %swap3A_394 = arith.constant 9 : i32
      %swap3A_395 = arith.index_cast %swap3A_394 : i32 to index
      %swap3A_396 = arith.constant 0 : index
      %swap3A_397 = tpu.vector_load %arg9[%swap3A_395, %swap3A_396] {strides = array<i32>} : memref<16x64xf32, #tpu.memory_space<vmem>>, vector<16xf32>,
      tpu.vector_store %arg9[%swap3A_395, %swap3A_396], %get3A_393 {add = true, strides = array<i32>} : memref<16x64xf32, #tpu.memory_space<vmem>>, vector<16xf32>,
      %get3A_398 = arith.constant 9 : i32
      %get3A_399 = arith.index_cast %get3A_398 : i32 to index
      %get3A_400 = arith.constant 16 : index
      %get3A_401 = tpu.vector_load %arg8[%get3A_399, %get3A_400] {strides = array<i32>} : memref<16x64xf32, #tpu.memory_space<vmem>>, vector<16xf32>,
      %swap3A_402 = arith.constant 9 : i32
      %swap3A_403 = arith.index_cast %swap3A_402 : i32 to index
      %swap3A_404 = arith.constant 16 : index
      %swap3A_405 = tpu.vector_load %arg9[%swap3A_403, %swap3A_404] {strides = array<i32>} : memref<16x64xf32, #tpu.memory_space<vmem>>, vector<16xf32>,
      tpu.vector_store %arg9[%swap3A_403, %swap3A_404], %get3A_401 {add = true, strides = array<i32>} : memref<16x64xf32, #tpu.memory_space<vmem>>, vector<16xf32>,
      %get3A_406 = arith.constant 9 : i32
      %get3A_407 = arith.index_cast %get3A_406 : i32 to index
      %get3A_408 = arith.constant 32 : index
      %get3A_409 = tpu.vector_load %arg8[%get3A_407, %get3A_408] {strides = array<i32>} : memref<16x64xf32, #tpu.memory_space<vmem>>, vector<16xf32>,
      %swap3A_410 = arith.constant 9 : i32
      %swap3A_411 = arith.index_cast %swap3A_410 : i32 to index
      %swap3A_412 = arith.constant 32 : index
      %swap3A_413 = tpu.vector_load %arg9[%swap3A_411, %swap3A_412] {strides = array<i32>} : memref<16x64xf32, #tpu.memory_space<vmem>>, vector<16xf32>,
      tpu.vector_store %arg9[%swap3A_411, %swap3A_412], %get3A_409 {add = true, strides = array<i32>} : memref<16x64xf32, #tpu.memory_space<vmem>>, vector<16xf32>,
      %get3A_414 = arith.constant 9 : i32
      %get3A_415 = arith.index_cast %get3A_414 : i32 to index
      %get3A_416 = arith.constant 48 : index
      %get3A_417 = tpu.vector_load %arg8[%get3A_415, %get3A_416] {strides = array<i32>} : memref<16x64xf32, #tpu.memory_space<vmem>>, vector<16xf32>,
      %swap3A_418 = arith.constant 9 : i32
      %swap3A_419 = arith.index_cast %swap3A_418 : i32 to index
      %swap3A_420 = arith.constant 48 : index
      %swap3A_421 = tpu.vector_load %arg9[%swap3A_419, %swap3A_420] {strides = array<i32>} : memref<16x64xf32, #tpu.memory_space<vmem>>, vector<16xf32>,
      tpu.vector_store %arg9[%swap3A_419, %swap3A_420], %get3A_417 {add = true, strides = array<i32>} : memref<16x64xf32, #tpu.memory_space<vmem>>, vector<16xf32>,
      %get3A_422 = arith.constant 10 : i32
      %get3A_423 = arith.index_cast %get3A_422 : i32 to index
      %get3A_424 = arith.constant 0 : index
      %get3A_425 = tpu.vector_load %arg8[%get3A_423, %get3A_424] {strides = array<i32>} : memref<16x64xf32, #tpu.memory_space<vmem>>, vector<16xf32>,
      %swap3A_426 = arith.constant 10 : i32
      %swap3A_427 = arith.index_cast %swap3A_426 : i32 to index
      %swap3A_428 = arith.constant 0 : index
      %swap3A_429 = tpu.vector_load %arg9[%swap3A_427, %swap3A_428] {strides = array<i32>} : memref<16x64xf32, #tpu.memory_space<vmem>>, vector<16xf32>,
      tpu.vector_store %arg9[%swap3A_427, %swap3A_428], %get3A_425 {add = true, strides = array<i32>} : memref<16x64xf32, #tpu.memory_space<vmem>>, vector<16xf32>,
      %get3A_430 = arith.constant 10 : i32
      %get3A_431 = arith.index_cast %get3A_430 : i32 to index
      %get3A_432 = arith.constant 16 : index
      %get3A_433 = tpu.vector_load %arg8[%get3A_431, %get3A_432] {strides = array<i32>} : memref<16x64xf32, #tpu.memory_space<vmem>>, vector<16xf32>,
      %swap3A_434 = arith.constant 10 : i32
      %swap3A_435 = arith.index_cast %swap3A_434 : i32 to index
      %swap3A_436 = arith.constant 16 : index
      %swap3A_437 = tpu.vector_load %arg9[%swap3A_435, %swap3A_436] {strides = array<i32>} : memref<16x64xf32, #tpu.memory_space<vmem>>, vector<16xf32>,
      tpu.vector_store %arg9[%swap3A_435, %swap3A_436], %get3A_433 {add = true, strides = array<i32>} : memref<16x64xf32, #tpu.memory_space<vmem>>, vector<16xf32>,
      %get3A_438 = arith.constant 10 : i32
      %get3A_439 = arith.index_cast %get3A_438 : i32 to index
      %get3A_440 = arith.constant 32 : index
      %get3A_441 = tpu.vector_load %arg8[%get3A_439, %get3A_440] {strides = array<i32>} : memref<16x64xf32, #tpu.memory_space<vmem>>, vector<16xf32>,
      %swap3A_442 = arith.constant 10 : i32
      %swap3A_443 = arith.index_cast %swap3A_442 : i32 to index
      %swap3A_444 = arith.constant 32 : index
      %swap3A_445 = tpu.vector_load %arg9[%swap3A_443, %swap3A_444] {strides = array<i32>} : memref<16x64xf32, #tpu.memory_space<vmem>>, vector<16xf32>,
      tpu.vector_store %arg9[%swap3A_443, %swap3A_444], %get3A_441 {add = true, strides = array<i32>} : memref<16x64xf32, #tpu.memory_space<vmem>>, vector<16xf32>,
      %get3A_446 = arith.constant 10 : i32
      %get3A_447 = arith.index_cast %get3A_446 : i32 to index
      %get3A_448 = arith.constant 48 : index
      %get3A_449 = tpu.vector_load %arg8[%get3A_447, %get3A_448] {strides = array<i32>} : memref<16x64xf32, #tpu.memory_space<vmem>>, vector<16xf32>,
      %swap3A_450 = arith.constant 10 : i32
      %swap3A_451 = arith.index_cast %swap3A_450 : i32 to index
      %swap3A_452 = arith.constant 48 : index
      %swap3A_453 = tpu.vector_load %arg9[%swap3A_451, %swap3A_452] {strides = array<i32>} : memref<16x64xf32, #tpu.memory_space<vmem>>, vector<16xf32>,
      tpu.vector_store %arg9[%swap3A_451, %swap3A_452], %get3A_449 {add = true, strides = array<i32>} : memref<16x64xf32, #tpu.memory_space<vmem>>, vector<16xf32>,
      %get3A_454 = arith.constant 11 : i32
      %get3A_455 = arith.index_cast %get3A_454 : i32 to index
      %get3A_456 = arith.constant 0 : index
      %get3A_457 = tpu.vector_load %arg8[%get3A_455, %get3A_456] {strides = array<i32>} : memref<16x64xf32, #tpu.memory_space<vmem>>, vector<16xf32>,
      %swap3A_458 = arith.constant 11 : i32
      %swap3A_459 = arith.index_cast %swap3A_458 : i32 to index
      %swap3A_460 = arith.constant 0 : index
      %swap3A_461 = tpu.vector_load %arg9[%swap3A_459, %swap3A_460] {strides = array<i32>} : memref<16x64xf32, #tpu.memory_space<vmem>>, vector<16xf32>,
      tpu.vector_store %arg9[%swap3A_459, %swap3A_460], %get3A_457 {add = true, strides = array<i32>} : memref<16x64xf32, #tpu.memory_space<vmem>>, vector<16xf32>,
      %get3A_462 = arith.constant 11 : i32
      %get3A_463 = arith.index_cast %get3A_462 : i32 to index
      %get3A_464 = arith.constant 16 : index
      %get3A_465 = tpu.vector_load %arg8[%get3A_463, %get3A_464] {strides = array<i32>} : memref<16x64xf32, #tpu.memory_space<vmem>>, vector<16xf32>,
      %swap3A_466 = arith.constant 11 : i32
      %swap3A_467 = arith.index_cast %swap3A_466 : i32 to index
      %swap3A_468 = arith.constant 16 : index
      %swap3A_469 = tpu.vector_load %arg9[%swap3A_467, %swap3A_468] {strides = array<i32>} : memref<16x64xf32, #tpu.memory_space<vmem>>, vector<16xf32>,
      tpu.vector_store %arg9[%swap3A_467, %swap3A_468], %get3A_465 {add = true, strides = array<i32>} : memref<16x64xf32, #tpu.memory_space<vmem>>, vector<16xf32>,
      %get3A_470 = arith.constant 11 : i32
      %get3A_471 = arith.index_cast %get3A_470 : i32 to index
      %get3A_472 = arith.constant 32 : index
      %get3A_473 = tpu.vector_load %arg8[%get3A_471, %get3A_472] {strides = array<i32>} : memref<16x64xf32, #tpu.memory_space<vmem>>, vector<16xf32>,
      %swap3A_474 = arith.constant 11 : i32
      %swap3A_475 = arith.index_cast %swap3A_474 : i32 to index
      %swap3A_476 = arith.constant 32 : index
      %swap3A_477 = tpu.vector_load %arg9[%swap3A_475, %swap3A_476] {strides = array<i32>} : memref<16x64xf32, #tpu.memory_space<vmem>>, vector<16xf32>,
      tpu.vector_store %arg9[%swap3A_475, %swap3A_476], %get3A_473 {add = true, strides = array<i32>} : memref<16x64xf32, #tpu.memory_space<vmem>>, vector<16xf32>,
      %get3A_478 = arith.constant 11 : i32
      %get3A_479 = arith.index_cast %get3A_478 : i32 to index
      %get3A_480 = arith.constant 48 : index
      %get3A_481 = tpu.vector_load %arg8[%get3A_479, %get3A_480] {strides = array<i32>} : memref<16x64xf32, #tpu.memory_space<vmem>>, vector<16xf32>,
      %swap3A_482 = arith.constant 11 : i32
      %swap3A_483 = arith.index_cast %swap3A_482 : i32 to index
      %swap3A_484 = arith.constant 48 : index
      %swap3A_485 = tpu.vector_load %arg9[%swap3A_483, %swap3A_484] {strides = array<i32>} : memref<16x64xf32, #tpu.memory_space<vmem>>, vector<16xf32>,
      tpu.vector_store %arg9[%swap3A_483, %swap3A_484], %get3A_481 {add = true, strides = array<i32>} : memref<16x64xf32, #tpu.memory_space<vmem>>, vector<16xf32>,
      %get3A_486 = arith.constant 12 : i32
      %get3A_487 = arith.index_cast %get3A_486 : i32 to index
      %get3A_488 = arith.constant 0 : index
      %get3A_489 = tpu.vector_load %arg8[%get3A_487, %get3A_488] {strides = array<i32>} : memref<16x64xf32, #tpu.memory_space<vmem>>, vector<16xf32>,
      %swap3A_490 = arith.constant 12 : i32
      %swap3A_491 = arith.index_cast %swap3A_490 : i32 to index
      %swap3A_492 = arith.constant 0 : index
      %swap3A_493 = tpu.vector_load %arg9[%swap3A_491, %swap3A_492] {strides = array<i32>} : memref<16x64xf32, #tpu.memory_space<vmem>>, vector<16xf32>,
      tpu.vector_store %arg9[%swap3A_491, %swap3A_492], %get3A_489 {add = true, strides = array<i32>} : memref<16x64xf32, #tpu.memory_space<vmem>>, vector<16xf32>,
      %get3A_494 = arith.constant 12 : i32
      %get3A_495 = arith.index_cast %get3A_494 : i32 to index
      %get3A_496 = arith.constant 16 : index
      %get3A_497 = tpu.vector_load %arg8[%get3A_495, %get3A_496] {strides = array<i32>} : memref<16x64xf32, #tpu.memory_space<vmem>>, vector<16xf32>,
      %swap3A_498 = arith.constant 12 : i32
      %swap3A_499 = arith.index_cast %swap3A_498 : i32 to index
      %swap3A_500 = arith.constant 16 : index
      %swap3A_501 = tpu.vector_load %arg9[%swap3A_499, %swap3A_500] {strides = array<i32>} : memref<16x64xf32, #tpu.memory_space<vmem>>, vector<16xf32>,
      tpu.vector_store %arg9[%swap3A_499, %swap3A_500], %get3A_497 {add = true, strides = array<i32>} : memref<16x64xf32, #tpu.memory_space<vmem>>, vector<16xf32>,
      %get3A_502 = arith.constant 12 : i32
      %get3A_503 = arith.index_cast %get3A_502 : i32 to index
      %get3A_504 = arith.constant 32 : index
      %get3A_505 = tpu.vector_load %arg8[%get3A_503, %get3A_504] {strides = array<i32>} : memref<16x64xf32, #tpu.memory_space<vmem>>, vector<16xf32>,
      %swap3A_506 = arith.constant 12 : i32
      %swap3A_507 = arith.index_cast %swap3A_506 : i32 to index
      %swap3A_508 = arith.constant 32 : index
      %swap3A_509 = tpu.vector_load %arg9[%swap3A_507, %swap3A_508] {strides = array<i32>} : memref<16x64xf32, #tpu.memory_space<vmem>>, vector<16xf32>,
      tpu.vector_store %arg9[%swap3A_507, %swap3A_508], %get3A_505 {add = true, strides = array<i32>} : memref<16x64xf32, #tpu.memory_space<vmem>>, vector<16xf32>,
      %get3A_510 = arith.constant 12 : i32
      %get3A_511 = arith.index_cast %get3A_510 : i32 to index
      %get3A_512 = arith.constant 48 : index
      %get3A_513 = tpu.vector_load %arg8[%get3A_511, %get3A_512] {strides = array<i32>} : memref<16x64xf32, #tpu.memory_space<vmem>>, vector<16xf32>,
      %swap3A_514 = arith.constant 12 : i32
      %swap3A_515 = arith.index_cast %swap3A_514 : i32 to index
      %swap3A_516 = arith.constant 48 : index
      %swap3A_517 = tpu.vector_load %arg9[%swap3A_515, %swap3A_516] {strides = array<i32>} : memref<16x64xf32, #tpu.memory_space<vmem>>, vector<16xf32>,
      tpu.vector_store %arg9[%swap3A_515, %swap3A_516], %get3A_513 {add = true, strides = array<i32>} : memref<16x64xf32, #tpu.memory_space<vmem>>, vector<16xf32>,
      %get3A_518 = arith.constant 13 : i32
      %get3A_519 = arith.index_cast %get3A_518 : i32 to index
      %get3A_520 = arith.constant 0 : index
      %get3A_521 = tpu.vector_load %arg8[%get3A_519, %get3A_520] {strides = array<i32>} : memref<16x64xf32, #tpu.memory_space<vmem>>, vector<16xf32>,
      %swap3A_522 = arith.constant 13 : i32
      %swap3A_523 = arith.index_cast %swap3A_522 : i32 to index
      %swap3A_524 = arith.constant 0 : index
      %swap3A_525 = tpu.vector_load %arg9[%swap3A_523, %swap3A_524] {strides = array<i32>} : memref<16x64xf32, #tpu.memory_space<vmem>>, vector<16xf32>,
      tpu.vector_store %arg9[%swap3A_523, %swap3A_524], %get3A_521 {add = true, strides = array<i32>} : memref<16x64xf32, #tpu.memory_space<vmem>>, vector<16xf32>,
      %get3A_526 = arith.constant 13 : i32
      %get3A_527 = arith.index_cast %get3A_526 : i32 to index
      %get3A_528 = arith.constant 16 : index
      %get3A_529 = tpu.vector_load %arg8[%get3A_527, %get3A_528] {strides = array<i32>} : memref<16x64xf32, #tpu.memory_space<vmem>>, vector<16xf32>,
      %swap3A_530 = arith.constant 13 : i32
      %swap3A_531 = arith.index_cast %swap3A_530 : i32 to index
      %swap3A_532 = arith.constant 16 : index
      %swap3A_533 = tpu.vector_load %arg9[%swap3A_531, %swap3A_532] {strides = array<i32>} : memref<16x64xf32, #tpu.memory_space<vmem>>, vector<16xf32>,
      tpu.vector_store %arg9[%swap3A_531, %swap3A_532], %get3A_529 {add = true, strides = array<i32>} : memref<16x64xf32, #tpu.memory_space<vmem>>, vector<16xf32>,
      %get3A_534 = arith.constant 13 : i32
      %get3A_535 = arith.index_cast %get3A_534 : i32 to index
      %get3A_536 = arith.constant 32 : index
      %get3A_537 = tpu.vector_load %arg8[%get3A_535, %get3A_536] {strides = array<i32>} : memref<16x64xf32, #tpu.memory_space<vmem>>, vector<16xf32>,
      %swap3A_538 = arith.constant 13 : i32
      %swap3A_539 = arith.index_cast %swap3A_538 : i32 to index
      %swap3A_540 = arith.constant 32 : index
      %swap3A_541 = tpu.vector_load %arg9[%swap3A_539, %swap3A_540] {strides = array<i32>} : memref<16x64xf32, #tpu.memory_space<vmem>>, vector<16xf32>,
      tpu.vector_store %arg9[%swap3A_539, %swap3A_540], %get3A_537 {add = true, strides = array<i32>} : memref<16x64xf32, #tpu.memory_space<vmem>>, vector<16xf32>,
      %get3A_542 = arith.constant 13 : i32
      %get3A_543 = arith.index_cast %get3A_542 : i32 to index
      %get3A_544 = arith.constant 48 : index
      %get3A_545 = tpu.vector_load %arg8[%get3A_543, %get3A_544] {strides = array<i32>} : memref<16x64xf32, #tpu.memory_space<vmem>>, vector<16xf32>,
      %swap3A_546 = arith.constant 13 : i32
      %swap3A_547 = arith.index_cast %swap3A_546 : i32 to index
      %swap3A_548 = arith.constant 48 : index
      %swap3A_549 = tpu.vector_load %arg9[%swap3A_547, %swap3A_548] {strides = array<i32>} : memref<16x64xf32, #tpu.memory_space<vmem>>, vector<16xf32>,
      tpu.vector_store %arg9[%swap3A_547, %swap3A_548], %get3A_545 {add = true, strides = array<i32>} : memref<16x64xf32, #tpu.memory_space<vmem>>, vector<16xf32>,
      %get3A_550 = arith.constant 14 : i32
      %get3A_551 = arith.index_cast %get3A_550 : i32 to index
      %get3A_552 = arith.constant 0 : index
      %get3A_553 = tpu.vector_load %arg8[%get3A_551, %get3A_552] {strides = array<i32>} : memref<16x64xf32, #tpu.memory_space<vmem>>, vector<16xf32>,
      %swap3A_554 = arith.constant 14 : i32
      %swap3A_555 = arith.index_cast %swap3A_554 : i32 to index
      %swap3A_556 = arith.constant 0 : index
      %swap3A_557 = tpu.vector_load %arg9[%swap3A_555, %swap3A_556] {strides = array<i32>} : memref<16x64xf32, #tpu.memory_space<vmem>>, vector<16xf32>,
      tpu.vector_store %arg9[%swap3A_555, %swap3A_556], %get3A_553 {add = true, strides = array<i32>} : memref<16x64xf32, #tpu.memory_space<vmem>>, vector<16xf32>,
      %get3A_558 = arith.constant 14 : i32
      %get3A_559 = arith.index_cast %get3A_558 : i32 to index
      %get3A_560 = arith.constant 16 : index
      %get3A_561 = tpu.vector_load %arg8[%get3A_559, %get3A_560] {strides = array<i32>} : memref<16x64xf32, #tpu.memory_space<vmem>>, vector<16xf32>,
      %swap3A_562 = arith.constant 14 : i32
      %swap3A_563 = arith.index_cast %swap3A_562 : i32 to index
      %swap3A_564 = arith.constant 16 : index
      %swap3A_565 = tpu.vector_load %arg9[%swap3A_563, %swap3A_564] {strides = array<i32>} : memref<16x64xf32, #tpu.memory_space<vmem>>, vector<16xf32>,
      tpu.vector_store %arg9[%swap3A_563, %swap3A_564], %get3A_561 {add = true, strides = array<i32>} : memref<16x64xf32, #tpu.memory_space<vmem>>, vector<16xf32>,
      %get3A_566 = arith.constant 14 : i32
      %get3A_567 = arith.index_cast %get3A_566 : i32 to index
      %get3A_568 = arith.constant 32 : index
      %get3A_569 = tpu.vector_load %arg8[%get3A_567, %get3A_568] {strides = array<i32>} : memref<16x64xf32, #tpu.memory_space<vmem>>, vector<16xf32>,
      %swap3A_570 = arith.constant 14 : i32
      %swap3A_571 = arith.index_cast %swap3A_570 : i32 to index
      %swap3A_572 = arith.constant 32 : index
      %swap3A_573 = tpu.vector_load %arg9[%swap3A_571, %swap3A_572] {strides = array<i32>} : memref<16x64xf32, #tpu.memory_space<vmem>>, vector<16xf32>,
      tpu.vector_store %arg9[%swap3A_571, %swap3A_572], %get3A_569 {add = true, strides = array<i32>} : memref<16x64xf32, #tpu.memory_space<vmem>>, vector<16xf32>,
      %get3A_574 = arith.constant 14 : i32
      %get3A_575 = arith.index_cast %get3A_574 : i32 to index
      %get3A_576 = arith.constant 48 : index
      %get3A_577 = tpu.vector_load %arg8[%get3A_575, %get3A_576] {strides = array<i32>} : memref<16x64xf32, #tpu.memory_space<vmem>>, vector<16xf32>,
      %swap3A_578 = arith.constant 14 : i32
      %swap3A_579 = arith.index_cast %swap3A_578 : i32 to index
      %swap3A_580 = arith.constant 48 : index
      %swap3A_581 = tpu.vector_load %arg9[%swap3A_579, %swap3A_580] {strides = array<i32>} : memref<16x64xf32, #tpu.memory_space<vmem>>, vector<16xf32>,
      tpu.vector_store %arg9[%swap3A_579, %swap3A_580], %get3A_577 {add = true, strides = array<i32>} : memref<16x64xf32, #tpu.memory_space<vmem>>, vector<16xf32>,
      %get3A_582 = arith.constant 15 : i32
      %get3A_583 = arith.index_cast %get3A_582 : i32 to index
      %get3A_584 = arith.constant 0 : index
      %get3A_585 = tpu.vector_load %arg8[%get3A_583, %get3A_584] {strides = array<i32>} : memref<16x64xf32, #tpu.memory_space<vmem>>, vector<16xf32>,
      %swap3A_586 = arith.constant 15 : i32
      %swap3A_587 = arith.index_cast %swap3A_586 : i32 to index
      %swap3A_588 = arith.constant 0 : index
      %swap3A_589 = tpu.vector_load %arg9[%swap3A_587, %swap3A_588] {strides = array<i32>} : memref<16x64xf32, #tpu.memory_space<vmem>>, vector<16xf32>,
      tpu.vector_store %arg9[%swap3A_587, %swap3A_588], %get3A_585 {add = true, strides = array<i32>} : memref<16x64xf32, #tpu.memory_space<vmem>>, vector<16xf32>,
      %get3A_590 = arith.constant 15 : i32
      %get3A_591 = arith.index_cast %get3A_590 : i32 to index
      %get3A_592 = arith.constant 16 : index
      %get3A_593 = tpu.vector_load %arg8[%get3A_591, %get3A_592] {strides = array<i32>} : memref<16x64xf32, #tpu.memory_space<vmem>>, vector<16xf32>,
      %swap3A_594 = arith.constant 15 : i32
      %swap3A_595 = arith.index_cast %swap3A_594 : i32 to index
      %swap3A_596 = arith.constant 16 : index
      %swap3A_597 = tpu.vector_load %arg9[%swap3A_595, %swap3A_596] {strides = array<i32>} : memref<16x64xf32, #tpu.memory_space<vmem>>, vector<16xf32>,
      tpu.vector_store %arg9[%swap3A_595, %swap3A_596], %get3A_593 {add = true, strides = array<i32>} : memref<16x64xf32, #tpu.memory_space<vmem>>, vector<16xf32>,
      %get3A_598 = arith.constant 15 : i32
      %get3A_599 = arith.index_cast %get3A_598 : i32 to index
      %get3A_600 = arith.constant 32 : index
      %get3A_601 = tpu.vector_load %arg8[%get3A_599, %get3A_600] {strides = array<i32>} : memref<16x64xf32, #tpu.memory_space<vmem>>, vector<16xf32>,
      %swap3A_602 = arith.constant 15 : i32
      %swap3A_603 = arith.index_cast %swap3A_602 : i32 to index
      %swap3A_604 = arith.constant 32 : index
      %swap3A_605 = tpu.vector_load %arg9[%swap3A_603, %swap3A_604] {strides = array<i32>} : memref<16x64xf32, #tpu.memory_space<vmem>>, vector<16xf32>,
      tpu.vector_store %arg9[%swap3A_603, %swap3A_604], %get3A_601 {add = true, strides = array<i32>} : memref<16x64xf32, #tpu.memory_space<vmem>>, vector<16xf32>,
      %get3A_606 = arith.constant 15 : i32
      %get3A_607 = arith.index_cast %get3A_606 : i32 to index
      %get3A_608 = arith.constant 48 : index
      %get3A_609 = tpu.vector_load %arg8[%get3A_607, %get3A_608] {strides = array<i32>} : memref<16x64xf32, #tpu.memory_space<vmem>>, vector<16xf32>,
      %swap3A_610 = arith.constant 15 : i32
      %swap3A_611 = arith.index_cast %swap3A_610 : i32 to index
      %swap3A_612 = arith.constant 48 : index
      %swap3A_613 = tpu.vector_load %arg9[%swap3A_611, %swap3A_612] {strides = array<i32>} : memref<16x64xf32, #tpu.memory_space<vmem>>, vector<16xf32>,
      tpu.vector_store %arg9[%swap3A_611, %swap3A_612], %get3A_609 {add = true, strides = array<i32>} : memref<16x64xf32, #tpu.memory_space<vmem>>, vector<16xf32>,
    }
    %scan3A_98 = arith.constant 15 : i32
    %mul3A_99 = arith.constant 16 : i32
    %mul3A_100 = arith.muli %arg1, %mul3A_99 : i32
    "tpu.region"() ({
      %run_scoped3A_101 = tpu.sem_alloc : memref<!tpu.dma_semaphore, #tpu.memory_space<semaphore_mem>>
      %dma_start3A_102 = tpu.memref_slice %arg4[%mul3A_100, %mul3A_0] : memref<256x128xf32, #tpu.memory_space<hbm>> -> memref<16x64xf32, #tpu.memory_space<hbm>>
      %dma_start3A_103 = tpu.memref_slice %arg4[%mul3A_100, %mul3A_0] : memref<256x128xf32, #tpu.memory_space<hbm>> -> memref<16x64xf32, #tpu.memory_space<hbm>>
      tpu.enqueue_dma source(%arg9 : memref<16x64xf32, #tpu.memory_space<vmem>>) target(%dma_start3A_103 : memref<16x64xf32, #tpu.memory_space<hbm>>) target_semaphore(%run_scoped3A_101 : memref<!tpu.dma_semaphore, #tpu.memory_space<semaphore_mem>>)
      %dma_wait3A = tpu.memref_slice %arg4[%mul3A_100, %mul3A_0] : memref<256x128xf32, #tpu.memory_space<hbm>> -> memref<16x64xf32, #tpu.memory_space<hbm>>
      %dma_wait3A_104 = tpu.memref_slice %arg4[%mul3A_100, %mul3A_0] : memref<256x128xf32, #tpu.memory_space<hbm>> -> memref<16x64xf32, #tpu.memory_space<hbm>>
      tpu.wait_dma2 semaphore(%run_scoped3A_101 : memref<!tpu.dma_semaphore, #tpu.memory_space<semaphore_mem>>) src(%arg9 : memref<16x64xf32, #tpu.memory_space<vmem>>) dst(%dma_wait3A_104 : memref<16x64xf32, #tpu.memory_space<hbm>>)
      tpu.yield
    }) : () -> ()
    return
  }
}

</mosaic_0001>

<sc_bundles>
// kernel: _sum_nodes_sc.3.cloned.1.call-start
scs
__scs_entry_jumppad:
0x0: {  	(pc) =	sbr.rel $0x88, $3  }
0x1: {  	(tag) =	ssettag $0x0;
	lr =	simm.s32 $0x1  }
0x2: {  	[smem:$0x3F9F] =	sst lr;
	_ =	strace $0xD0000000  }
0x3: {  	_ = 	snop  }
0x4: {  	_ = 	snop  }
0x5: {  	_ = 	snop  }
0x6: {  	_ = 	snop  }
0x7: {  	_ = 	snop  }
__scs_overlays_trampoline_lowered:
0x8: {  	[smem:$0x3FAE] =	sst s0  }
0x9: {  	[smem:$0x3FAF] =	sst s1  }
0xa: {  	[smem:$0x3FB0] =	sst s2  }
0xb: {  	[smem:$0x3FB1] =	sst s3  }
0xc: {  	[smem:$0x3FB2] =	sst s4  }
0xd: {  	[smem:$0x3FB3] =	sst s5  }
0xe: {  	[smem:$0x3FB4] =	sst s6  }
0xf: {  	[smem:$0x3FB5] =	sst s7  }
0x10: {  	[smem:$0x3FB6] =	sst s8  }
0x11: {  	[smem:$0x3FB7] =	sst s9;
	s0 =	simm.s32 @!p0 $0x0  }
0x12: {  	s1 =	sld [smem:$0x3F9D];
	s0 =	simm.s32 @p0 $0x1  }
0x13: {  	[smem:$0x3FB8] =	sst s0;
	s0 =	simm.s32 @!p1 $0x0  }
0x14: {  	s2 =	sld [smem:$0x3F9C];
	s0 =	simm.s32 @p1 $0x1  }
0x15: {  	[smem:$0x3FB9] =	sst s0;
	s0 =	simm.s32 @!p2 $0x0  }
0x16: {  	s3 =	sld [smem:$0x3FDB];
	s0 =	simm.s32 @p2 $0x1  }
0x17: {  	s4 =	simm.s32 $0x1BF5;
	[smem:$0x3FBB] =	sst s0  }
0x18: {  	s0 =	sld [smem:$0x3F9E];
	_ =	swait.ge [sflag:s4], $0x0  }
0x19: {  	s7 =	sld [smem:$0x3F9F]  }
0x1a: {  	s8 =	sadd.s32 $0xFFFFE003, lr  }
0x1b: {  	s9 =	sadd.s32 $0xFFFFFEF7, lr;
	s5 =	simm.s32 $0xFFFFFFFF;
	p2 =	slt.u32 s8, $0xFFFFF086  }
0x1c: {  	p1 =	slt.u32 s9, $0xF7A;
	s5 =	simm.s32 @!p2 $0x0  }
0x1d: {  	s5 =	simm.s32 @p1 $0x1;
	p0 =	seq.s32 s7, s2  }
0x1e: {  	s7 =	smul.u32 @!p0 $0xF7A, s2;
	p2 =	seq.s32 @!p0 s5, $0x0  }
0x1f: {  	s9 =	smul.u32 $0xF7A, s1;
	s8 =	simm.s32 @!p0 $0x1BF5;
	p2 =	por !p2, p0  }
0x20: {  	[sflag:s8] =	ssyncset.s32 @!p0 $0xFFFFF086;
	s6 =	sadd.s32 @!p0 s3, s7;
	s7 =	simm.s32 @!p0 $0x108  }
0x21: {  	s3 =	sadd.s32 s3, s9;
	s6 =	sadd.s32 @!p0 $0x88, s6;
	s7 =	simm.s32 @p2 $0x1082  }
0x22: {  	[simem:s7], [sflag:s8] =	dma.local @!p0 [hbm:s6], $0xF7A  }
0x23: {  	s9 =	sor.u32 $0xD0000000, s2;
	s6 =	simm.s32 $0x108;
	_ =	swait.ge @!p0 [sflag:s8], $0x0  }
0x24: {  	s3 =	sadd.s32 $0x88, s3;
	s6 =	simm.s32 @!p1 $0x1082;
	[sflag:s4] =	ssyncset.s32 $0xFFFFF086  }
0x25: {  	[simem:s6], [sflag:s4] =	dma.local [hbm:s3], $0xF7A  }
0x26: {  	[smem:$0x3F9F] =	sst s1;
	(tag) =	ssettag s2;
	_ =	strace s9  }
0x27: {  	s1 =	sld [smem:$0x3FAF]  }
0x28: {  	s2 =	sld [smem:$0x3FB0]  }
0x29: {  	s4 =	sld [smem:$0x3FB2]  }
0x2a: {  	p0 =	seq.s32 s5, $0x0;
	s5 =	sld [smem:$0x3FB3]  }
0x2b: {  	s6 =	sld [smem:$0x3FB4]  }
0x2c: {  	s7 =	sld [smem:$0x3FB5]  }
0x2d: {  	s3 =	simm.s32 $0x108;
	s8 =	sld [smem:$0x3FB6]  }
0x2e: {  	s3 =	simm.s32 @!p0 $0x1082;
	s9 =	sld [smem:$0x3FB7]  }
0x2f: {  	lr =	sadd.s32 s0, s3;
	s0 =	sld [smem:$0x3FAE]  }
0x30: {  	s3 =	sld [smem:$0x3FB1]  }
0x31: {  	[smem:$0x3FBA] =	sst s10  }
0x32: {  	s10 =	sld [smem:$0x3FB8];
	_ =	sdelay $0x3  }
0x33: {  	p0 =	seq.s32 s10, $0x1;
	s10 =	sld [smem:$0x3FBA];
	_ =	sdelay $0x3  }
0x34: {  	[smem:$0x3FBA] =	sst s10  }
0x35: {  	s10 =	sld [smem:$0x3FB9];
	_ =	sdelay $0x3  }
0x36: {  	p1 =	seq.s32 s10, $0x1;
	s10 =	sld [smem:$0x3FBA];
	_ =	sdelay $0x3  }
0x37: {  	[smem:$0x3FBA] =	sst s10  }
0x38: {  	s10 =	sld [smem:$0x3FBB]  }
0x39: {  	_ = 	snop;
	(pc) =	sbr.ind lr, $3  }
0x3a: {  	_ = 	snop  }
0x3b: {  	_ = 	snop  }
0x3c: {  	p2 =	seq.s32 s10, $0x1;
	s10 =	sld [smem:$0x3FBA]  }
0x3d: {  	_ =	shalt  }
0x3e: {  	_ =	shalt  }
0x3f: {  	_ =	shalt  }
0x40: {  	_ =	shalt  }
0x41: {  	_ =	shalt  }
0x42: {  	_ =	shalt  }
0x43: {  	_ =	shalt  }
0x44: {  	_ =	shalt  }
0x45: {  	_ =	shalt  }
0x46: {  	_ =	shalt  }
0x47: {  	_ =	shalt  }
0x48: {  	_ =	shalt  }
0x49: {  	_ =	shalt  }
0x4a: {  	_ =	shalt  }
0x4b: {  	_ =	shalt  }
0x4c: {  	_ =	shalt  }
0x4d: {  	_ =	shalt  }
0x4e: {  	_ =	shalt  }
0x4f: {  	_ =	shalt  }
0x50: {  	_ =	shalt  }
0x51: {  	_ =	shalt  }
0x52: {  	_ =	shalt  }
0x53: {  	_ =	shalt  }
0x54: {  	_ =	shalt  }
0x55: {  	_ =	shalt  }
0x56: {  	_ =	shalt  }
0x57: {  	_ =	shalt  }
0x58: {  	_ =	shalt  }
0x59: {  	_ =	shalt  }
0x5a: {  	_ =	shalt  }
0x5b: {  	_ =	shalt  }
0x5c: {  	_ =	shalt  }
0x5d: {  	_ =	shalt  }
0x5e: {  	_ =	shalt  }
0x5f: {  	_ =	shalt  }
0x60: {  	_ =	shalt  }
0x61: {  	_ =	shalt  }
0x62: {  	_ =	shalt  }
0x63: {  	_ =	shalt  }
0x64: {  	_ =	shalt  }
0x65: {  	_ =	shalt  }
0x66: {  	_ =	shalt  }
0x67: {  	_ =	shalt  }
0x68: {  	_ =	shalt  }
0x69: {  	_ =	shalt  }
0x6a: {  	_ =	shalt  }
0x6b: {  	_ =	shalt  }
0x6c: {  	_ =	shalt  }
0x6d: {  	_ =	shalt  }
0x6e: {  	_ =	shalt  }
0x6f: {  	_ =	shalt  }
0x70: {  	_ =	shalt  }
0x71: {  	_ =	shalt  }
0x72: {  	_ =	shalt  }
0x73: {  	_ =	shalt  }
0x74: {  	_ =	shalt  }
0x75: {  	_ =	shalt  }
0x76: {  	_ =	shalt  }
0x77: {  	_ =	shalt  }
0x78: {  	_ =	shalt  }
0x79: {  	_ =	shalt  }
0x7a: {  	_ =	shalt  }
0x7b: {  	_ =	shalt  }
0x7c: {  	_ =	shalt  }
0x7d: {  	_ =	shalt  }
0x7e: {  	_ =	shalt  }
0x7f: {  	_ =	shalt  }
0x80: {  	_ =	shalt  }
0x81: {  	_ =	shalt  }
0x82: {  	_ =	shalt  }
0x83: {  	_ =	shalt  }
0x84: {  	_ =	shalt  }
0x85: {  	_ =	shalt  }
0x86: {  	_ =	shalt  }
0x87: {  	_ =	shalt  }
.Lfunc_end0:
.L_simem_size_0:
called_computation_lowered:
.L_overlay_start_0:
0x88: {  	s2 =	sld [smem:$0x3FD9]  }
0x89: {  	s3 =	sld [smem:$0x3FFE];
	_ =	sdelay $0x1  }
0x8a: {  	s1 =	srdreg.scid  }
0x8b: {  	s0 =	sand.u32 $0x1, s1  }
0x8c: {  	s18 =	sshll.u32 s0, $0xA;
	s2 =	sadd.s32 s3, s2  }
0x8d: {  	s2 =	sadd.s32 s2, s18  }
0x8e: {  	[smem:$0x3FC6] =	sst s2  }
0x8f: {  	_ = 	snop  }
0x90: {  	s2 =	sld [smem:$0x3FC9]  }
0x91: {  	s19 =	sld [smem:$0x3FC8]  }
0x92: {  	s4 =	sld [smem:$0x3FD0];
	(tm) =	ssettm $0x1  }
0x93: {  	s5 =	sld [smem:$0x3FFB];
	_ =	sdelay $0x3  }
0x94: {  	_ =	strace s5  }
0x95: {  	s5 =	sld [smem:$0x3FFC];
	_ =	sdelay $0x3  }
0x96: {  	_ =	strace s5  }
0x97: {  	s5 =	sld [smem:$0x3FFD];
	_ =	sdelay $0x3  }
0x98: {  	_ =	strace s5  }
0x99: {  	_ =	strace $0x8FFFFFFF  }
0x9a: {  	s20 =	sld [smem:$0x3FDB];
	_ =	sdelay $0x1  }
0x9b: {  	s6 =	simm.s32 $_scs_section_size  }
0x9c: {  	s7 =	simm.s32 $_size__tile_overlayer_lowered;
	s8 =	simm.s32 $_tile_overlayer_lowered  }
0x9d: {  	s23 =	simm.s32 $0x1BFF;
	s22 =	sshll.u32 s8, $0x1;
	s5 =	sadd.s32 s6, s20  }
0x9e: {  	s9 =	simm.s32 $0x0;
	s21 =	sshll.u32 s7, $0x1;
	s7 =	sadd.s32 s22, s5  }
0x9f: {  	[timem:s9], [sflag:s23] =	dma.local [hbm:s7], s21  }
0xa0: {  	_ =	swait.ge [sflag:s23], s21  }
0xa1: {  	s6 =	ssub.s32 $0x0, s21;
	[sflag:s23] =	ssyncset.done $0x0  }
0xa2: {  	[sflag:s23] =	ssyncadd.s32 s6;
	_ =	sdelay $0x1  }
0xa3: {  	s24 =	simm.s32 $0x1B8B  }
0xa4: {  	_ =	swait.ge [sflag:s24], $0x1  }
0xa5: {  	[sflag:s24] =	ssyncset.done $0x0  }
0xa6: {  	s25 =	simm.s32 $0x1B8E;
	[sflag:s24] =	ssyncadd.s32 $0xFFFFFFFF  }
0xa7: {  	s26 =	simm.s32 $execute0_lowered;
	[smem:$0x3FD2] =	sst s25  }
0xa8: {  	s6 =	sshll.u32 s26, $0x1;
	_ =	strace $0x80000046;
	[dreg:$0x1] =	wrdreg $0xFFFFFFFF  }
0xa9: {  	s28 =	simm.s32 $_size_execute0_lowered;
	s5 =	sadd.s32 s5, s6;
	[dreg:$0x0] =	wrdreg $0x0  }
0xaa: {  	s6 =	sshll.u32 s28, $0x1;
	[dreg:$0x2] =	wrdreg s5  }
0xab: {  	[dreg:$0x3] =	wrdreg s6  }
0xac: {  	[dreg:$0x4] =	wrdreg $0xC0  }
0xad: {  	_ =	task [dreg:s9], $0x5FFFF  }
0xae: {  	[dreg:$0x1] =	wrdreg $0xFFFFFFFF  }
0xaf: {  	[dreg:$0x0] =	wrdreg $0x60  }
0xb0: {  	[dreg:$0x2] =	wrdreg s2  }
0xb1: {  	[dreg:$0x3] =	wrdreg s19  }
0xb2: {  	[dreg:$0x4] =	wrdreg s4  }
0xb3: {  	[dreg:$0x5] =	wrdreg $0x14C000  }
0xb4: {  	[dreg:$0x6] =	wrdreg $0x9  }
0xb5: {  	_ =	task.clear_ibuf [dreg:s9], $0x7FFFF;
	_ =	strace $0x90000046  }
0xb6: {  	s29 =	simm.s32 $0x9;
	_ =	strace $0x80000048  }
0xb7: {  	_ =	swait.ge [sflag:s29], $0x1  }
0xb8: {  	[sflag:s29] =	ssyncadd.s32 $0xFFFFFFFF  }
0xb9: {  	_ =	strace $0x90000048  }
0xba: {  	_ =	sfence  }
0xbb: {  	s30 =	sld [smem:$0x0];
	_ =	sdelay $0x2  }
0xbc: {  	s31 =	sshll.u32 s1, $0xD;
	s1 =	sshrl.u32 s1, $0x2  }
0xbd: {  	s3 =	sand.u32 $0x4000, s31;
	s1 =	sadd.s32 s1, s30  }
0xbe: {  	s0 =	sor.u32 s3, s0;
	s1 =	sshll.u32 s1, $0x11  }
0xbf: {  	s0 =	sor.u32 s1, s0  }
0xc0: {  	s0 =	sadd.s32 $0x8F2B, s0  }
0xc1: {  	[sflag:s0] =	ssyncadd.remote.s32 $0x1  }
0xc2: {  	_ =	sfence.sel $0xFFFF  }
0xc3: {  	[dreg:$0x0] =	wrdreg $0xFFFFFFFF;
	(pc) =	sbr.abs _section_cstart, $3  }
0xc4: {  	[dreg:$0x1] =	wrdreg $0xFFFFFFFF  }
0xc5: {  	_ =	task.clear_ibuf [dreg:s9], $0x2FFFF;
	_ =	strace $0x9FFFFFFF  }
0xc6: {  	(tm) =	ssettm $0x7FFFFFFF  }
0xc7: {  	_ =	shalt  }
tec
execute0_lowered:
.L_overlay_start_1:
0x0: {  	(tag) =	ssettag $0x1  }
0x1: {  	s11 =	rddreg [dreg:$0x0]  }
0x2: {  	s12 =	rddreg [dreg:$0x1]  }
0x3: {  	s0 =	rddreg [dreg:$0x2]  }
0x4: {  	s1 =	rddreg [dreg:$0x3];
	s3 =	simm.s32 $0x0  }
0x5: {  	s2 =	simm.s32 $0x14400;
	[smem:$0x7FF] =	sst s3  }
0x6: {  	s6 =	simm.s32 $0x14810;
	_ =	strace $0x80000047;
	[dreg:$0x5] =	wrdreg s2  }
0x7: {  	s7 =	simm.s32 $0x14820;
	[dreg:$0x6] =	wrdreg s6  }
0x8: {  	s8 =	simm.s32 $0x14830;
	[dreg:$0x7] =	wrdreg s7  }
0x9: {  	s9 =	simm.s32 $0x14840;
	[dreg:$0x8] =	wrdreg s8  }
0xa: {  	s10 =	simm.s32 $0x14850;
	[dreg:$0x9] =	wrdreg s9  }
0xb: {  	s13 =	simm.s32 $0x14860;
	[dreg:$0xa] =	wrdreg s10  }
0xc: {  	s14 =	simm.s32 $0x14870;
	[dreg:$0xb] =	wrdreg s13  }
0xd: {  	s15 =	simm.s32 $0x14880;
	[dreg:$0xc] =	wrdreg s14  }
0xe: {  	s16 =	simm.s32 $0x14890;
	[dreg:$0xd] =	wrdreg s15  }
0xf: {  	s17 =	simm.s32 $0x148A0;
	[dreg:$0xe] =	wrdreg s16  }
0x10: {  	s18 =	simm.s32 $0x148B0;
	[dreg:$0xf] =	wrdreg s17  }
0x11: {  	s19 =	simm.s32 $0x148D0;
	[dreg:$0x10] =	wrdreg s18  }
0x12: {  	s20 =	simm.s32 $0x148E0;
	[dreg:$0x12] =	wrdreg s19  }
0x13: {  	s21 =	simm.s32 $0x148F0;
	[dreg:$0x13] =	wrdreg s20  }
0x14: {  	s22 =	simm.s32 $0x14900;
	[dreg:$0x14] =	wrdreg s21  }
0x15: {  	s23 =	simm.s32 $0x14920;
	[dreg:$0x15] =	wrdreg s22  }
0x16: {  	s24 =	simm.s32 $0x14940;
	[dreg:$0x17] =	wrdreg s23  }
0x17: {  	s25 =	simm.s32 $0x14950;
	[dreg:$0x19] =	wrdreg s24  }
0x18: {  	s26 =	simm.s32 $0x14960;
	[dreg:$0x1a] =	wrdreg s25  }
0x19: {  	s28 =	simm.s32 $0x14970;
	[dreg:$0x1b] =	wrdreg s26  }
0x1a: {  	s30 =	simm.s32 $0x14980;
	[dreg:$0x1c] =	wrdreg s28  }
0x1b: {  	s7 =	simm.s32 $0x148C0;
	[dreg:$0x1d] =	wrdreg s30  }
0x1c: {  	s8 =	simm.s32 $0x14910;
	[dreg:$0x11] =	wrdreg s7  }
0x1d: {  	s10 =	simm.s32 $0x14930;
	[dreg:$0x16] =	wrdreg s8  }
0x1e: {  	s4 =	srdreg.scid;
	s14 =	simm.s32 $0x149B0;
	[dreg:$0x18] =	wrdreg s10  }
0x1f: {  	s31 =	simm.s32 $0x14AF0;
	s16 =	simm.s32 $0x149C0;
	[smem:$0x7EB] =	sst s14  }
0x20: {  	s4 =	sand.u32 $0x1, s4;
	s17 =	simm.s32 $0x149D0;
	[smem:$0x7EC] =	sst s16  }
0x21: {  	s13 =	stileid.u32;
	s19 =	simm.s32 $0x149E0;
	[smem:$0x7ED] =	sst s17  }
0x22: {  	s5 =	ssub.s32 $0x2, s4;
	s20 =	simm.s32 $0x149F0;
	[smem:$0x7EE] =	sst s19  }
0x23: {  	s21 =	simm.s32 $0x14A00;
	s22 =	simm.s32 $0x14A10;
	[smem:$0x7EF] =	sst s20  }
0x24: {  	s24 =	simm.s32 $0x14A20;
	s25 =	simm.s32 $0x14A30;
	[smem:$0x7F1] =	sst s21  }
0x25: {  	s26 =	simm.s32 $0x14A40;
	s28 =	simm.s32 $0x14A50;
	[smem:$0x7F3] =	sst s22  }
0x26: {  	s30 =	simm.s32 $0x14A70;
	s6 =	sshrl.u32 s5, $0x1;
	[smem:$0x7F4] =	sst s24  }
0x27: {  	p0 =	seq.s32 s13, $0xF;
	s9 =	smul.u32 $0xC3800, s13;
	[smem:$0x7F5] =	sst s25  }
0x28: {  	s8 =	sshll.u32 s4, $0x6;
	s10 =	simm.s32 $0x14990;
	[smem:$0x7F6] =	sst s26  }
0x29: {  	s15 =	sshll.u32 s13, $0xA;
	s18 =	sshll.u32 s13, $0xB;
	[smem:$0x7F7] =	sst s28  }
0x2a: {  	s22 =	simm.s32 $0x80;
	s19 =	simm.s32 $0x5;
	[smem:$0x7F9] =	sst s30  }
0x2b: {  	s16 =	simm.s32 $0x14B40;
	s14 =	simm.s32 $0x14B80;
	s21 =	simm.s32 $0x14BB0  }
0x2c: {  	s20 =	simm.s32 $0x14BC0;
	s17 =	simm.s32 $0x14B00;
	s2 =	ssub.s32 s5, s6  }
0x2d: {  	s5 =	smul.u32 $0x1870, s13;
	s6 =	simm.s32 $0x1810;
	[dreg:$0x1e] =	wrdreg s10  }
0x2e: {  	s4 =	sor.u32 s8, s18;
	[smem:$0x7FD] =	sst s8;
	s18 =	simm.s32 $0x14B10  }
0x2f: {  	s10 =	simm.s32 $0x14B50;
	s6 =	simm.s32 @!p0 $0x1870;
	s23 =	smax.u32 s2, $0x1  }
0x30: {  	s9 =	sor.u32 s8, s9;
	s4 =	sshrl.u32 s4, $0x3;
	[smem:$0x7F2] =	sst s23  }
0x31: {  	s2 =	simm.s32 $0x0;
	s7 =	sadd.s32 $0xFFFFFE00, s6;
	[smem:$0x7FA] =	sst s5  }
0x32: {  	s9 =	sshrl.u32 s9, $0x3;
	s0 =	sadd.s32 s0, s4;
	[smem:$0x7FC] =	sst s6  }
0x33: {  	v12 =	vimm.f32 $0.0e+00;
	v13 =	vimm.s32 $0x0;
	v14 =	vimm.s32 $0x1;
	s29 =	sshrl.u32 s5, $0x3;
	s4 =	simm.s32 $0x40;
	[smem:$0x7F0] =	sst s0  }
0x34: {  	v15 =	vimm.s32 $0x2;
	v16 =	vimm.s32 $0x3;
	v62 =	vimm.s32 $0x4;
	s9 =	sadd.s32 s11, s9;
	s11 =	sshll.u32 s13, $0xE;
	[smem:$0x7FB] =	sst s7  }
0x35: {  	v36 =	vimm.s32 $0x5;
	v55 =	vimm.s32 $0x6;
	v56 =	vimm.s32 $0x7;
	s13 =	simm.s32 $0x14B70;
	[smem:$0x7E8] =	sst s9;
	s9 =	sadd.s32 s12, s29  }
0x36: {  	v11 =	vimm.s32 $0x8;
	v29 =	vimm.s32 $0x9;
	v58 =	vimm.s32 $0xA;
	s12 =	simm.s32 $0x149A0;
	s29 =	simm.s32 $0x14A60;
	[smem:$0x7E9] =	sst s9  }
0x37: {  	v53 =	vimm.s32 $0xB;
	v30 =	vimm.s32 $0xC;
	v32 =	vimm.s32 $0xD;
	s9 =	sadd.s32 s11, s1;
	[dreg:$0x1f] =	wrdreg s12;
	s12 =	sadd.s32 s15, s1  }
0x38: {  	v33 =	vimm.s32 $0xE;
	v35 =	vimm.s32 $0xF;
	v17 =	vlaneseq.u32;
	[smem:$0x7F8] =	sst s29;
	s1 =	simm.s32 $0x14800;
	s11 =	simm.s32 $0x14B60  }
0x39: {  	v18 =	vor.u32 $0x10, v17;
	v19 =	vor.u32 $0x20, v17;
	v20 =	vor.u32 $0x30, v17;
	s15 =	simm.s32 $0x14B20;
	[smem:$0x7EA] =	sst s9;
	s9 =	simm.s32 $0x14B30  }
.LBB2_1:
0x3a: {  	s0 =	sld [smem:$0x7E8];
	_ =	sdelay $0x1  }
0x3b: {  	s23 =	simm.s32 $0x4000;
	s29 =	sld [smem:$0x7E9]  }
0x3c: {  	[tilespmem:s23], [sflag:$0x1] =	stream.strided.gather [hbm4b:s0+s4], $0x8000, s22, s4, $0x38;
	[tilespmem:$0x18C00] =	vst v63  }
0x3d: {  	s30 =	simm.s32 $0x14000;
	s0 =	simm.s32 $0x0  }
0x3e: {  	[tilespmem:s30], [sflag:$0x3] =	stream.linear.gather [hbm4b:s29+s3], $0x200, $0x38;
	[tilespmem:$0x18C00] =	vst v63  }
.LBB2_2:
0x3f: {  	p0 =	seq.s32 s0, $0xFF00  }
.Ltmp0:
0x40: {  	s4 =	sshra.s32 s0, $0x2;
	(pc) =	sbr.rel @!p0 .LBB2_2-.Ltmp0, $4  }
0x41: {  	[tilespmem:s4+$0x0] =	vst v12  }
0x42: {  	[tilespmem:s4+$0x10] =	vst v12  }
0x43: {  	[tilespmem:s4+$0x20] =	vst v12  }
0x44: {  	s0 =	sadd.s32 $0x100, s0;
	[tilespmem:s4+$0x30] =	vst v12  }
.Ltmp1:
0x45: {  	(pc) =	sbr.rel .LBB2_5-.Ltmp1, $2  }
0x46: {  	_ =	sdelay $0x2  }
0x47: {  	[smem:$0x7E7] =	sst s2;
	s22 =	simm.s32 $0x0;
	p0 =	por $0x0, $0x0  }
.LBB2_4:
0x48: {  	p1 =	seq.s32 s22, $0xD  }
.Ltmp2:
0x49: {  	_ = 	snop;
	(pc) =	sbr.rel @p1 .LBB2_15-.Ltmp2, $2  }
0x4a: {  	_ =	sdelay $0x2  }
0x4b: {  	p0 =	por !p0, !p0  }
.LBB2_5:
0x4c: {  	s0 =	smov.u32 s22;
	s23 =	sand.u32 $0x1, s22  }
0x4d: {  	s22 =	sadd.s32 $0x1, s22;
	s4 =	sadd.s32 $0x1, s23;
	p1 =	seq.s32 s0, $0xC  }
0x4e: {  	s28 =	sadd.s32 $0x3, s23;
	_ =	swait.ge [sflag:s4], $0x8000;
	s0 =	sshll.u32 @!p1 s22, $0x9  }
0x4f: {  	s26 =	sand.u32 @!p1 $0x1, s22;
	s30 =	simm.s32 @!p1 $0x80;
	[sflag:s4] =	ssyncset.done $0x0  }
0x50: {  	s24 =	smin.u32 @!p1 s0, s7;
	s0 =	simm.s32 @p1 $0x1A00;
	[sflag:s4] =	ssyncadd.s32 $0xFFFF8000  }
0x51: {  	s24 =	sadd.s32 @!p1 s5, s24;
	s0 =	ssub.s32 s0, s6;
	_ =	swait.ge [sflag:s28], $0x200  }
0x52: {  	s25 =	sshll.u32 @!p1 s24, $0x7;
	s24 =	sshrl.u32 @!p1 s24, $0x3;
	[sflag:s28] =	ssyncset.done $0x0  }
0x53: {  	s4 =	sor.u32 @!p1 s8, s25;
	s25 =	sshll.u32 @!p1 s26, $0xF;
	[sflag:s28] =	ssyncadd.s32 $0xFFFFFE00  }
0x54: {  	s25 =	sor.u32 @!p1 $0x4000, s25;
	s4 =	sshrl.u32 @!p1 s4, $0x3;
	s29 =	rddreg [dreg:$0x0]  }
0x55: {  	s28 =	sadd.s32 @!p1 $0x1, s26;
	s4 =	sadd.s32 @!p1 s29, s4;
	s29 =	simm.s32 @!p1 $0x40  }
0x56: {  	[tilespmem:s25], [sflag:s28] =	stream.strided.gather @!p1 [hbm4b:s4+s29], $0x8000, s30, s29, $0x38;
	[tilespmem:$0x18C00] =	vst v63  }
0x57: {  	s4 =	sshll.u32 @!p1 s26, $0x9;
	s25 =	sadd.s32 @!p1 $0x3, s26;
	s26 =	rddreg [dreg:$0x1]  }
0x58: {  	s4 =	sor.u32 @!p1 $0x14000, s4;
	s24 =	sadd.s32 @!p1 s26, s24;
	s26 =	simm.s32 @!p1 $0x0  }
0x59: {  	[tilespmem:s4], [sflag:s25] =	stream.linear.gather @!p1 [hbm4b:s24+s26], $0x200, $0x38;
	[tilespmem:$0x18C00] =	vst v63  }
0x5a: {  	p1 =	sgt.s32 s0, $0x0  }
0x5b: {  	s0 =	simm.s32 @!p1 $0x0  }
0x5c: {  	s4 =	sshrl.u32 s0, $0x4  }
0x5d: {  	s29 =	ssub.s32 $0x20, s4  }
0x5e: {  	s30 =	sshrl.u32 s29, $0x1F  }
0x5f: {  	s24 =	sadd.s32 s30, s29  }
0x60: {  	s24 =	sand.u32 $0xFFFFFFFE, s24  }
0x61: {  	p1 =	slt.s32 s24, $0x1  }
.Ltmp3:
0x62: {  	_ = 	snop;
	(pc) =	sbr.rel @p1 .LBB2_8-.Ltmp3, $2  }
0x63: {  	_ =	sdelay $0x2  }
0x64: {  	s24 =	sadd.s32 s4, s24  }
0x65: {  	s25 =	simm.s32 $0x1  }
0x66: {  	s28 =	sshll.u32 s4, $0x6;
	s29 =	sshll.u32 s0, $0x2;
	s25 =	simm.s32 @!p0 $0x0  }
0x67: {  	s0 =	sshll.u32 s0, $0x8;
	s2 =	sshll.u32 s4, $0xC;
	s26 =	sshll.u32 s25, $0xB  }
0x68: {  	s25 =	sshll.u32 s25, $0x11;
	s28 =	sadd.s32 s28, s26;
	s26 =	sadd.s32 s29, s26  }
0x69: {  	s0 =	sadd.s32 s0, s25;
	s25 =	sadd.s32 s2, s25;
	s26 =	sshra.s32 s26, $0x2  }
0x6a: {  	s29 =	sshra.s32 s25, $0x2;
	s25 =	sadd.s32 $0x14010, s26  }
0x6b: {  	v5 =	vld [tilespmem:s25+$0x0];
	_ =	sdelay $0x4  }
0x6c: {  	s28 =	sshra.s32 s28, $0x2;
	v0 =	vperm.xlane v5, v13  }
0x6d: {  	s0 =	sshra.s32 s0, $0x2;
	s28 =	sadd.s32 $0x14000, s28  }
0x6e: {  	s0 =	sadd.s32 $0x4430, s0;
	v4 =	vld [tilespmem:s28+$0x0];
	v31 =	vshll.u32 v0, $0x6  }
0x6f: {  	v0 =	vld [tilespmem:s0+$0xFFFFFFD0];
	v1 =	vor.u32 v17, v31;
	_ =	sdelay $0x2  }
0x70: {  	v2 =	vperm.xlane v5, v14;
	_ =	sdelay $0x1  }
0x71: {  	s26 =	sadd.s32 $0x4440, s29;
	v45 =	vshll.u32 v2, $0x6;
	[tilespmem:v1+s3+$0x0] =	vst.idx.add.f32.msk $0xffff, v0;
	v0 =	vperm.xlane v4, v13  }
0x72: {  	v2 =	vor.u32 v17, v45;
	v1 =	vld [tilespmem:s26+$0x0]  }
0x73: {  	v21 =	vshll.u32 v0, $0x6  }
0x74: {  	v0 =	vld [tilespmem:s26+$0xFFFFFBC0];
	v3 =	vor.u32 v17, v21  }
0x75: {  	v6 =	vperm.xlane v5, v15;
	_ =	sdelay $0x1  }
0x76: {  	v47 =	vshll.u32 v6, $0x6;
	[tilespmem:v2+s3+$0x0] =	vst.idx.add.f32.msk $0xffff, v1;
	v1 =	vperm.xlane v4, v14  }
0x77: {  	v6 =	vor.u32 v17, v47;
	v2 =	vld [tilespmem:s26+$0x40]  }
0x78: {  	[tilespmem:v3+s3+$0x0] =	vst.idx.add.f32.msk $0xffff, v0;
	v22 =	vshll.u32 v1, $0x6  }
0x79: {  	v1 =	vld [tilespmem:s26+$0xFFFFFC00];
	v3 =	vor.u32 v17, v22  }
0x7a: {  	v7 =	vperm.xlane v5, v16;
	_ =	sdelay $0x1  }
0x7b: {  	v50 =	vshll.u32 v7, $0x6;
	[tilespmem:v6+s3+$0x0] =	vst.idx.add.f32.msk $0xffff, v2;
	v2 =	vperm.xlane v4, v15  }
0x7c: {  	v7 =	vor.u32 v17, v50;
	v6 =	vld [tilespmem:s26+$0x80]  }
0x7d: {  	[tilespmem:v3+s3+$0x0] =	vst.idx.add.f32.msk $0xffff, v1;
	v23 =	vshll.u32 v2, $0x6  }
0x7e: {  	v1 =	vld [tilespmem:s26+$0xFFFFFC40];
	v2 =	vor.u32 v17, v23  }
0x7f: {  	v3 =	vperm.xlane v5, v62;
	_ =	sdelay $0x1  }
0x80: {  	v52 =	vshll.u32 v3, $0x6;
	v3 =	vperm.xlane v4, v16;
	[tilespmem:v7+s3+$0x0] =	vst.idx.add.f32.msk $0xffff, v6  }
0x81: {  	v7 =	vor.u32 v17, v52;
	v6 =	vld [tilespmem:s26+$0xC0]  }
0x82: {  	v28 =	vshll.u32 v3, $0x6;
	[tilespmem:v2+s3+$0x0] =	vst.idx.add.f32.msk $0xffff, v1  }
0x83: {  	v2 =	vor.u32 v17, v28;
	v1 =	vld [tilespmem:s26+$0xFFFFFC80]  }
0x84: {  	v3 =	vperm.xlane v5, v36;
	_ =	sdelay $0x1  }
0x85: {  	v54 =	vshll.u32 v3, $0x6;
	v3 =	vperm.xlane v4, v62;
	[tilespmem:v7+s3+$0x0] =	vst.idx.add.f32.msk $0xffff, v6  }
0x86: {  	v7 =	vor.u32 v17, v54;
	v6 =	vld [tilespmem:s26+$0x100]  }
0x87: {  	v24 =	vshll.u32 v3, $0x6;
	[tilespmem:v2+s3+$0x0] =	vst.idx.add.f32.msk $0xffff, v1  }
0x88: {  	v2 =	vor.u32 v17, v24;
	v1 =	vld [tilespmem:s26+$0xFFFFFCC0]  }
0x89: {  	v3 =	vperm.xlane v5, v55;
	_ =	sdelay $0x1  }
0x8a: {  	v26 =	vshll.u32 v3, $0x6;
	v3 =	vperm.xlane v4, v36;
	[tilespmem:v7+s3+$0x0] =	vst.idx.add.f32.msk $0xffff, v6  }
0x8b: {  	v7 =	vor.u32 v17, v26;
	v6 =	vld [tilespmem:s26+$0x140]  }
0x8c: {  	v27 =	vshll.u32 v3, $0x6;
	[tilespmem:v2+s3+$0x0] =	vst.idx.add.f32.msk $0xffff, v1  }
0x8d: {  	v2 =	vor.u32 v17, v27;
	v1 =	vld [tilespmem:s26+$0xFFFFFD00]  }
0x8e: {  	v3 =	vperm.xlane v5, v56;
	_ =	sdelay $0x1  }
0x8f: {  	v25 =	vshll.u32 v3, $0x6;
	v3 =	vperm.xlane v4, v55;
	[tilespmem:v7+s3+$0x0] =	vst.idx.add.f32.msk $0xffff, v6  }
0x90: {  	v7 =	vor.u32 v17, v25;
	v6 =	vld [tilespmem:s26+$0x180]  }
0x91: {  	v46 =	vshll.u32 v3, $0x6;
	[tilespmem:v2+s3+$0x0] =	vst.idx.add.f32.msk $0xffff, v1  }
0x92: {  	v2 =	vor.u32 v17, v46;
	v1 =	vld [tilespmem:s26+$0xFFFFFD40]  }
0x93: {  	v3 =	vperm.xlane v5, v11;
	_ =	sdelay $0x1  }
0x94: {  	v63 =	vshll.u32 v3, $0x6;
	v3 =	vperm.xlane v4, v56;
	[tilespmem:v7+s3+$0x0] =	vst.idx.add.f32.msk $0xffff, v6  }
0x95: {  	v7 =	vor.u32 v17, v63;
	v6 =	vld [tilespmem:s26+$0x1C0]  }
0x96: {  	v48 =	vshll.u32 v3, $0x6;
	[tilespmem:v2+s3+$0x0] =	vst.idx.add.f32.msk $0xffff, v1  }
0x97: {  	v2 =	vor.u32 v17, v48;
	v1 =	vld [tilespmem:s26+$0xFFFFFD80]  }
0x98: {  	v3 =	vperm.xlane v5, v29;
	_ =	sdelay $0x1  }
0x99: {  	v42 =	vshll.u32 v3, $0x6;
	v3 =	vperm.xlane v4, v11;
	[tilespmem:v7+s3+$0x0] =	vst.idx.add.f32.msk $0xffff, v6  }
0x9a: {  	v7 =	vor.u32 v17, v42;
	v6 =	vld [tilespmem:s26+$0x200]  }
0x9b: {  	v49 =	vshll.u32 v3, $0x6;
	[tilespmem:v2+s3+$0x0] =	vst.idx.add.f32.msk $0xffff, v1  }
0x9c: {  	v2 =	vor.u32 v17, v49;
	v1 =	vld [tilespmem:s26+$0xFFFFFDC0]  }
0x9d: {  	v3 =	vperm.xlane v5, v58;
	_ =	sdelay $0x1  }
0x9e: {  	v41 =	vshll.u32 v3, $0x6;
	v3 =	vperm.xlane v4, v29;
	[tilespmem:v7+s3+$0x0] =	vst.idx.add.f32.msk $0xffff, v6  }
0x9f: {  	v7 =	vor.u32 v17, v41;
	v6 =	vld [tilespmem:s26+$0x240]  }
0xa0: {  	v60 =	vshll.u32 v3, $0x6;
	[tilespmem:v2+s3+$0x0] =	vst.idx.add.f32.msk $0xffff, v1  }
0xa1: {  	v2 =	vor.u32 v17, v60;
	v1 =	vld [tilespmem:s26+$0xFFFFFE00]  }
0xa2: {  	v3 =	vperm.xlane v5, v53;
	_ =	sdelay $0x1  }
0xa3: {  	v40 =	vshll.u32 v3, $0x6;
	v3 =	vperm.xlane v4, v58;
	[tilespmem:v7+s3+$0x0] =	vst.idx.add.f32.msk $0xffff, v6  }
0xa4: {  	v7 =	vor.u32 v17, v40;
	v6 =	vld [tilespmem:s26+$0x280]  }
0xa5: {  	v0 =	vshll.u32 v3, $0x6;
	[tilespmem:v2+s3+$0x0] =	vst.idx.add.f32.msk $0xffff, v1  }
0xa6: {  	v2 =	vor.u32 v17, v0;
	v1 =	vld [tilespmem:s26+$0xFFFFFE40]  }
0xa7: {  	v3 =	vperm.xlane v5, v30;
	_ =	sdelay $0x1  }
0xa8: {  	v38 =	vshll.u32 v3, $0x6;
	v3 =	vperm.xlane v4, v53;
	[tilespmem:v7+s3+$0x0] =	vst.idx.add.f32.msk $0xffff, v6  }
0xa9: {  	v7 =	vor.u32 v17, v38;
	v6 =	vld [tilespmem:s26+$0x2C0]  }
0xaa: {  	[tilespmem:v2+s3+$0x0] =	vst.idx.add.f32.msk $0xffff, v1;
	v1 =	vshll.u32 v3, $0x6  }
0xab: {  	v2 =	vld [tilespmem:s26+$0xFFFFFE80];
	v3 =	vor.u32 v17, v1  }
0xac: {  	v8 =	vperm.xlane v5, v32;
	_ =	sdelay $0x1  }
0xad: {  	v11 =	vshll.u32 v8, $0x6;
	[tilespmem:v7+s3+$0x0] =	vst.idx.add.f32.msk $0xffff, v6;
	v6 =	vperm.xlane v4, v30  }
0xae: {  	v8 =	vor.u32 v17, v11;
	v7 =	vld [tilespmem:s26+$0x300]  }
0xaf: {  	[tilespmem:v3+s3+$0x0] =	vst.idx.add.f32.msk $0xffff, v2;
	v2 =	vshll.u32 v6, $0x6  }
0xb0: {  	v3 =	vld [tilespmem:s26+$0xFFFFFEC0];
	v6 =	vor.u32 v17, v2  }
0xb1: {  	v9 =	vperm.xlane v5, v33;
	_ =	sdelay $0x1  }
0xb2: {  	v59 =	vshll.u32 v9, $0x6;
	[tilespmem:v8+s3+$0x0] =	vst.idx.add.f32.msk $0xffff, v7;
	v7 =	vperm.xlane v4, v32  }
0xb3: {  	v9 =	vor.u32 v17, v59;
	v8 =	vld [tilespmem:s26+$0x340]  }
0xb4: {  	[tilespmem:v6+s3+$0x0] =	vst.idx.add.f32.msk $0xffff, v3;
	v3 =	vshll.u32 v7, $0x6  }
0xb5: {  	v6 =	vld [tilespmem:s26+$0xFFFFFF00];
	v7 =	vor.u32 v17, v3  }
0xb6: {  	v5 =	vperm.xlane v5, v35;
	_ =	sdelay $0x1  }
0xb7: {  	v43 =	vshll.u32 v5, $0x6;
	v5 =	vperm.xlane v4, v33;
	[tilespmem:v9+s3+$0x0] =	vst.idx.add.f32.msk $0xffff, v8  }
0xb8: {  	v9 =	vor.u32 v17, v43;
	v8 =	vld [tilespmem:s26+$0x380]  }
0xb9: {  	v5 =	vshll.u32 v5, $0x6;
	[tilespmem:v7+s3+$0x0] =	vst.idx.add.f32.msk $0xffff, v6  }
0xba: {  	v7 =	vor.u32 v17, v5;
	v6 =	vld [tilespmem:s26+$0xFFFFFF40];
	_ =	sdelay $0x2  }
0xbb: {  	v4 =	vperm.xlane v4, v35;
	[tilespmem:v9+s3+$0x0] =	vst.idx.add.f32.msk $0xffff, v8  }
0xbc: {  	v9 =	vor.u32 v18, v31;
	v8 =	vld [tilespmem:s0+$0xFFFFFFE0]  }
0xbd: {  	v4 =	vshll.u32 v4, $0x6;
	[tilespmem:v7+s3+$0x0] =	vst.idx.add.f32.msk $0xffff, v6  }
0xbe: {  	v7 =	vor.u32 v17, v4;
	v6 =	vld [tilespmem:s26+$0xFFFFFF80];
	_ =	sdelay $0x2  }
0xbf: {  	[tilespmem:v9+s3+$0x0] =	vst.idx.add.f32.msk $0xffff, v8  }
0xc0: {  	v9 =	vor.u32 v18, v45;
	v8 =	vld [tilespmem:s26+$0x10]  }
0xc1: {  	[tilespmem:v7+s3+$0x0] =	vst.idx.add.f32.msk $0xffff, v6  }
0xc2: {  	v7 =	vor.u32 v18, v21;
	v6 =	vld [tilespmem:s26+$0xFFFFFBD0];
	_ =	sdelay $0x2  }
0xc3: {  	[tilespmem:v9+s3+$0x0] =	vst.idx.add.f32.msk $0xffff, v8  }
0xc4: {  	v9 =	vor.u32 v18, v47;
	v8 =	vld [tilespmem:s26+$0x50]  }
0xc5: {  	[tilespmem:v7+s3+$0x0] =	vst.idx.add.f32.msk $0xffff, v6  }
0xc6: {  	v7 =	vor.u32 v18, v22;
	v6 =	vld [tilespmem:s26+$0xFFFFFC10];
	_ =	sdelay $0x2  }
0xc7: {  	[tilespmem:v9+s3+$0x0] =	vst.idx.add.f32.msk $0xffff, v8  }
0xc8: {  	v9 =	vor.u32 v18, v50;
	v8 =	vld [tilespmem:s26+$0x90]  }
0xc9: {  	[tilespmem:v7+s3+$0x0] =	vst.idx.add.f32.msk $0xffff, v6  }
0xca: {  	v7 =	vor.u32 v18, v23;
	v6 =	vld [tilespmem:s26+$0xFFFFFC50];
	_ =	sdelay $0x2  }
0xcb: {  	[tilespmem:v9+s3+$0x0] =	vst.idx.add.f32.msk $0xffff, v8  }
0xcc: {  	v9 =	vor.u32 v18, v52;
	v8 =	vld [tilespmem:s26+$0xD0]  }
0xcd: {  	[tilespmem:v7+s3+$0x0] =	vst.idx.add.f32.msk $0xffff, v6  }
0xce: {  	s30 =	sadd.s32 $0x2, s4;
	v10 =	vor.u32 v18, v28;
	v6 =	vld [tilespmem:s26+$0xFFFFFC90]  }
0xcf: {  	p2 =	slt.u32 s30, s24  }
.Ltmp4:
0xd0: {  	_ = 	snop;
	(pc) =	sbr.rel @!p2 .LBB2_7-.Ltmp4, $4  }
0xd1: {  	[tilespmem:v9+s3+$0x0] =	vst.idx.add.f32.msk $0xffff, v8  }
0xd2: {  	v7 =	vld [tilespmem:s26+$0x110]  }
0xd3: {  	[tilespmem:v10+s3+$0x0] =	vst.idx.add.f32.msk $0xffff, v6  }
0xd4: {  	p1 =	por $0x0, $0x0;
	s4 =	sadd.s32 $0x20, s28;
	v9 =	vor.u32 v18, v54;
	v10 =	vor.u32 v18, v24;
	v8 =	vld [tilespmem:s26+$0xFFFFFCD0]  }
0xd5: {  	_ =	sdelay $0x3  }
0xd6: {  	[tilespmem:v9+s3+$0x0] =	vst.idx.add.f32.msk $0xffff, v7  }
0xd7: {  	v7 =	vor.u32 v18, v26;
	v6 =	vld [tilespmem:s26+$0x150];
	_ =	sdelay $0x2  }
0xd8: {  	[tilespmem:v10+s3+$0x0] =	vst.idx.add.f32.msk $0xffff, v8  }
0xd9: {  	v9 =	vor.u32 v18, v27;
	v8 =	vld [tilespmem:s26+$0xFFFFFD10]  }
0xda: {  	[tilespmem:v7+s3+$0x0] =	vst.idx.add.f32.msk $0xffff, v6  }
0xdb: {  	v7 =	vor.u32 v18, v25;
	v6 =	vld [tilespmem:s26+$0x190];
	_ =	sdelay $0x2  }
0xdc: {  	[tilespmem:v9+s3+$0x0] =	vst.idx.add.f32.msk $0xffff, v8  }
0xdd: {  	v9 =	vor.u32 v18, v46;
	v8 =	vld [tilespmem:s26+$0xFFFFFD50]  }
0xde: {  	[tilespmem:v7+s3+$0x0] =	vst.idx.add.f32.msk $0xffff, v6  }
0xdf: {  	v7 =	vor.u32 v18, v63;
	v6 =	vld [tilespmem:s26+$0x1D0];
	_ =	sdelay $0x2  }
0xe0: {  	[tilespmem:v9+s3+$0x0] =	vst.idx.add.f32.msk $0xffff, v8  }
0xe1: {  	v9 =	vor.u32 v18, v48;
	v8 =	vld [tilespmem:s26+$0xFFFFFD90]  }
0xe2: {  	[tilespmem:v7+s3+$0x0] =	vst.idx.add.f32.msk $0xffff, v6  }
0xe3: {  	v7 =	vor.u32 v18, v42;
	v6 =	vld [tilespmem:s26+$0x210];
	_ =	sdelay $0x2  }
0xe4: {  	[tilespmem:v9+s3+$0x0] =	vst.idx.add.f32.msk $0xffff, v8  }
0xe5: {  	v9 =	vor.u32 v18, v49;
	v8 =	vld [tilespmem:s26+$0xFFFFFDD0]  }
0xe6: {  	[tilespmem:v7+s3+$0x0] =	vst.idx.add.f32.msk $0xffff, v6  }
0xe7: {  	v7 =	vor.u32 v18, v41;
	v6 =	vld [tilespmem:s26+$0x250];
	_ =	sdelay $0x2  }
0xe8: {  	[tilespmem:v9+s3+$0x0] =	vst.idx.add.f32.msk $0xffff, v8  }
0xe9: {  	v9 =	vor.u32 v18, v60;
	v8 =	vld [tilespmem:s26+$0xFFFFFE10]  }
0xea: {  	[tilespmem:v7+s3+$0x0] =	vst.idx.add.f32.msk $0xffff, v6  }
0xeb: {  	v7 =	vor.u32 v18, v40;
	v6 =	vld [tilespmem:s26+$0x290];
	_ =	sdelay $0x2  }
0xec: {  	[tilespmem:v9+s3+$0x0] =	vst.idx.add.f32.msk $0xffff, v8  }
0xed: {  	v9 =	vor.u32 v18, v0;
	v8 =	vld [tilespmem:s26+$0xFFFFFE50]  }
0xee: {  	[tilespmem:v7+s3+$0x0] =	vst.idx.add.f32.msk $0xffff, v6  }
0xef: {  	v7 =	vor.u32 v18, v38;
	v6 =	vld [tilespmem:s26+$0x2D0];
	_ =	sdelay $0x2  }
0xf0: {  	[tilespmem:v9+s3+$0x0] =	vst.idx.add.f32.msk $0xffff, v8  }
0xf1: {  	v9 =	vor.u32 v18, v1;
	v8 =	vld [tilespmem:s26+$0xFFFFFE90]  }
0xf2: {  	[tilespmem:v7+s3+$0x0] =	vst.idx.add.f32.msk $0xffff, v6  }
0xf3: {  	v7 =	vor.u32 v18, v11;
	v6 =	vld [tilespmem:s26+$0x310];
	_ =	sdelay $0x2  }
0xf4: {  	[tilespmem:v9+s3+$0x0] =	vst.idx.add.f32.msk $0xffff, v8  }
0xf5: {  	v9 =	vor.u32 v18, v2;
	v8 =	vld [tilespmem:s26+$0xFFFFFED0]  }
0xf6: {  	[tilespmem:v7+s3+$0x0] =	vst.idx.add.f32.msk $0xffff, v6  }
0xf7: {  	v7 =	vor.u32 v18, v59;
	v6 =	vld [tilespmem:s26+$0x350];
	_ =	sdelay $0x2  }
0xf8: {  	[tilespmem:v9+s3+$0x0] =	vst.idx.add.f32.msk $0xffff, v8  }
0xf9: {  	v9 =	vor.u32 v18, v3;
	v8 =	vld [tilespmem:s26+$0xFFFFFF10]  }
0xfa: {  	[tilespmem:v7+s3+$0x0] =	vst.idx.add.f32.msk $0xffff, v6  }
0xfb: {  	v7 =	vor.u32 v18, v43;
	v6 =	vld [tilespmem:s26+$0x390];
	_ =	sdelay $0x2  }
0xfc: {  	[tilespmem:v9+s3+$0x0] =	vst.idx.add.f32.msk $0xffff, v8  }
0xfd: {  	v9 =	vor.u32 v18, v5;
	v8 =	vld [tilespmem:s26+$0xFFFFFF50]  }
0xfe: {  	[tilespmem:v7+s3+$0x0] =	vst.idx.add.f32.msk $0xffff, v6  }
0xff: {  	v7 =	vor.u32 v19, v31;
	v6 =	vld [tilespmem:s0+$0xFFFFFFF0];
	_ =	sdelay $0x2  }
0x100: {  	[tilespmem:v9+s3+$0x0] =	vst.idx.add.f32.msk $0xffff, v8  }
0x101: {  	v9 =	vor.u32 v18, v4;
	v8 =	vld [tilespmem:s26+$0xFFFFFF90]  }
0x102: {  	[tilespmem:v7+s3+$0x0] =	vst.idx.add.f32.msk $0xffff, v6  }
0x103: {  	v7 =	vor.u32 v19, v45;
	v6 =	vld [tilespmem:s26+$0x20];
	_ =	sdelay $0x2  }
0x104: {  	[tilespmem:v9+s3+$0x0] =	vst.idx.add.f32.msk $0xffff, v8  }
0x105: {  	v9 =	vor.u32 v19, v21;
	v8 =	vld [tilespmem:s26+$0xFFFFFBE0]  }
0x106: {  	[tilespmem:v7+s3+$0x0] =	vst.idx.add.f32.msk $0xffff, v6  }
0x107: {  	v7 =	vor.u32 v19, v47;
	v6 =	vld [tilespmem:s26+$0x60];
	_ =	sdelay $0x2  }
0x108: {  	[tilespmem:v9+s3+$0x0] =	vst.idx.add.f32.msk $0xffff, v8  }
0x109: {  	v9 =	vor.u32 v19, v22;
	v8 =	vld [tilespmem:s26+$0xFFFFFC20]  }
0x10a: {  	[tilespmem:v7+s3+$0x0] =	vst.idx.add.f32.msk $0xffff, v6  }
0x10b: {  	v7 =	vor.u32 v19, v50;
	v6 =	vld [tilespmem:s26+$0xA0];
	_ =	sdelay $0x2  }
0x10c: {  	[tilespmem:v9+s3+$0x0] =	vst.idx.add.f32.msk $0xffff, v8  }
0x10d: {  	v9 =	vor.u32 v19, v23;
	v8 =	vld [tilespmem:s26+$0xFFFFFC60]  }
0x10e: {  	[tilespmem:v7+s3+$0x0] =	vst.idx.add.f32.msk $0xffff, v6  }
0x10f: {  	v7 =	vor.u32 v19, v52;
	v6 =	vld [tilespmem:s26+$0xE0];
	_ =	sdelay $0x2  }
0x110: {  	[tilespmem:v9+s3+$0x0] =	vst.idx.add.f32.msk $0xffff, v8  }
0x111: {  	v9 =	vor.u32 v19, v28;
	v8 =	vld [tilespmem:s26+$0xFFFFFCA0]  }
0x112: {  	[tilespmem:v7+s3+$0x0] =	vst.idx.add.f32.msk $0xffff, v6  }
0x113: {  	v7 =	vor.u32 v19, v54;
	v6 =	vld [tilespmem:s26+$0x120];
	_ =	sdelay $0x2  }
0x114: {  	[tilespmem:v9+s3+$0x0] =	vst.idx.add.f32.msk $0xffff, v8  }
0x115: {  	v9 =	vor.u32 v19, v24;
	v8 =	vld [tilespmem:s26+$0xFFFFFCE0]  }
0x116: {  	[tilespmem:v7+s3+$0x0] =	vst.idx.add.f32.msk $0xffff, v6  }
0x117: {  	v7 =	vor.u32 v19, v26;
	v6 =	vld [tilespmem:s26+$0x160];
	_ =	sdelay $0x2  }
0x118: {  	[tilespmem:v9+s3+$0x0] =	vst.idx.add.f32.msk $0xffff, v8  }
0x119: {  	v9 =	vor.u32 v19, v27;
	v8 =	vld [tilespmem:s26+$0xFFFFFD20]  }
0x11a: {  	[tilespmem:v7+s3+$0x0] =	vst.idx.add.f32.msk $0xffff, v6  }
0x11b: {  	v7 =	vor.u32 v19, v25;
	v6 =	vld [tilespmem:s26+$0x1A0];
	_ =	sdelay $0x2  }
0x11c: {  	[tilespmem:v9+s3+$0x0] =	vst.idx.add.f32.msk $0xffff, v8  }
0x11d: {  	v9 =	vor.u32 v19, v46;
	v8 =	vld [tilespmem:s26+$0xFFFFFD60]  }
0x11e: {  	[tilespmem:v7+s3+$0x0] =	vst.idx.add.f32.msk $0xffff, v6  }
0x11f: {  	v7 =	vor.u32 v19, v63;
	v6 =	vld [tilespmem:s26+$0x1E0]  }
0x120: {  	s29 =	sadd.s32 $0x20, s25  }
0x121: {  	v35 =	vld [tilespmem:s29+$0x0]  }
0x122: {  	[tilespmem:v9+s3+$0x0] =	vst.idx.add.f32.msk $0xffff, v8  }
0x123: {  	v9 =	vor.u32 v19, v48;
	v8 =	vld [tilespmem:s26+$0xFFFFFDA0]  }
0x124: {  	[tilespmem:v7+s3+$0x0] =	vst.idx.add.f32.msk $0xffff, v6  }
0x125: {  	v7 =	vor.u32 v19, v42;
	v6 =	vld [tilespmem:s26+$0x220];
	_ =	sdelay $0x2  }
0x126: {  	[tilespmem:v9+s3+$0x0] =	vst.idx.add.f32.msk $0xffff, v8  }
0x127: {  	v29 =	vmov v21;
	v21 =	vor.u32 v19, v49;
	v9 =	vld [tilespmem:s26+$0xFFFFFDE0]  }
0x128: {  	v8 =	vperm.xlane v35, v13;
	[tilespmem:v7+s3+$0x0] =	vst.idx.add.f32.msk $0xffff, v6  }
0x129: {  	s28 =	sadd.s32 $0x800, s0;
	v10 =	vor.u32 v19, v41;
	v7 =	vld [tilespmem:s26+$0x260]  }
0x12a: {  	v37 =	vshll.u32 v8, $0x6;
	v8 =	vld [tilespmem:s28+$0xFFFFFFD0]  }
0x12b: {  	v6 =	vld [tilespmem:s4+$0x0];
	[tilespmem:$0x1FFD0] =	vst v59  }
0x12c: {  	[tilespmem:v21+s3+$0x0] =	vst.idx.add.f32.msk $0xffff, v9  }
0x12d: {  	v21 =	vld [tilespmem:s26+$0xFFFFFE20]  }
0x12e: {  	v61 =	vmovc v11;
	v11 =	vmov v59;
	v59 =	vmov v22;
	v22 =	vor.u32 v17, v37;
	[tilespmem:v10+s3+$0x0] =	vst.idx.add.f32.msk $0xffff, v7  }
0x12f: {  	v7 =	vld [tilespmem:s26+$0x2A0];
	[tilespmem:$0x1FF80] =	vst v46  }
0x130: {  	v10 =	vor.u32 v19, v40;
	[tilespmem:$0x1FF90] =	vst v48  }
0x131: {  	[tilespmem:$0x1FFE0] =	vst v0;
	v0 =	vmov v24;
	v24 =	vmov v23;
	v23 =	vor.u32 v19, v60  }
0x132: {  	v9 =	vperm.xlane v35, v14;
	[tilespmem:$0x1FFA0] =	vst v49  }
0x133: {  	s25 =	sadd.s32 $0x800, s26;
	[tilespmem:v22+s3+$0x0] =	vst.idx.add.f32.msk $0xffff, v8  }
0x134: {  	v12 =	vmov v38;
	v38 =	vshll.u32 v9, $0x6;
	v8 =	vld [tilespmem:s25+$0x0]  }
0x135: {  	v9 =	vor.u32 v17, v38;
	v22 =	vperm.xlane v6, v13;
	[tilespmem:v10+s3+$0x0] =	vst.idx.add.f32.msk $0xffff, v7  }
0x136: {  	[tilespmem:v23+s3+$0x0] =	vst.idx.add.f32.msk $0xffff, v21  }
0x137: {  	v10 =	vor.u32 v19, v12;
	v21 =	vshll.u32 v22, $0x6;
	v7 =	vld [tilespmem:s26+$0x2E0]  }
0x138: {  	v30 =	vmov v28;
	v22 =	vperm.xlane v35, v15;
	v23 =	vld [tilespmem:s25+$0xFFFFFBC0];
	v28 =	vor.u32 v17, v21;
	_ =	sdelay $0x1  }
0x139: {  	[tilespmem:v9+s3+$0x0] =	vst.idx.add.f32.msk $0xffff, v8;
	v39 =	vshll.u32 v22, $0x6  }
0x13a: {  	v8 =	vld [tilespmem:s25+$0x40];
	v9 =	vor.u32 v17, v39  }
0x13b: {  	v22 =	vperm.xlane v6, v14;
	[tilespmem:v10+s3+$0x0] =	vst.idx.add.f32.msk $0xffff, v7  }
0x13c: {  	[tilespmem:v28+s3+$0x0] =	vst.idx.add.f32.msk $0xffff, v23  }
0x13d: {  	v22 =	vshll.u32 v22, $0x6;
	v10 =	vor.u32 v19, v61;
	v7 =	vld [tilespmem:s26+$0x320]  }
0x13e: {  	v32 =	vor.u32 v17, v22;
	v23 =	vperm.xlane v35, v16;
	v28 =	vld [tilespmem:s25+$0xFFFFFC00]  }
0x13f: {  	[tilespmem:v9+s3+$0x0] =	vst.idx.add.f32.msk $0xffff, v8  }
0x140: {  	[tilespmem:$0x1FFC0] =	vst v40;
	v40 =	vshll.u32 v23, $0x6  }
0x141: {  	v8 =	vld [tilespmem:s25+$0x80];
	v9 =	vor.u32 v17, v40  }
0x142: {  	v23 =	vperm.xlane v6, v15;
	[tilespmem:v10+s3+$0x0] =	vst.idx.add.f32.msk $0xffff, v7  }
0x143: {  	[tilespmem:v32+s3+$0x0] =	vst.idx.add.f32.msk $0xffff, v28  }
0x144: {  	v23 =	vshll.u32 v23, $0x6;
	v10 =	vor.u32 v19, v11;
	v7 =	vld [tilespmem:s26+$0x360]  }
0x145: {  	v33 =	vor.u32 v17, v23;
	v32 =	vld [tilespmem:s25+$0xFFFFFC40]  }
0x146: {  	v28 =	vperm.xlane v35, v62;
	[tilespmem:v9+s3+$0x0] =	vst.idx.add.f32.msk $0xffff, v8  }
0x147: {  	[tilespmem:$0x1FFB0] =	vst v41  }
0x148: {  	v41 =	vshll.u32 v28, $0x6;
	v8 =	vld [tilespmem:s25+$0xC0]  }
0x149: {  	v28 =	vperm.xlane v6, v16;
	v9 =	vor.u32 v17, v41;
	[tilespmem:v10+s3+$0x0] =	vst.idx.add.f32.msk $0xffff, v7  }
0x14a: {  	[tilespmem:v33+s3+$0x0] =	vst.idx.add.f32.msk $0xffff, v32  }
0x14b: {  	v10 =	vor.u32 v19, v43;
	v28 =	vshll.u32 v28, $0x6;
	v7 =	vld [tilespmem:s26+$0x3A0]  }
0x14c: {  	v48 =	vperm.xlane v35, v36;
	v33 =	vld [tilespmem:s25+$0xFFFFFC80];
	v34 =	vor.u32 v17, v28;
	_ =	sdelay $0x1  }
0x14d: {  	v11 =	vmov v42;
	v42 =	vshll.u32 v48, $0x6;
	[tilespmem:v9+s3+$0x0] =	vst.idx.add.f32.msk $0xffff, v8  }
0x14e: {  	v9 =	vor.u32 v17, v42;
	v8 =	vld [tilespmem:s25+$0x100]  }
0x14f: {  	[tilespmem:v10+s3+$0x0] =	vst.idx.add.f32.msk $0xffff, v7  }
0x150: {  	v44 =	vperm.xlane v6, v62;
	[tilespmem:v34+s3+$0x0] =	vst.idx.add.f32.msk $0xffff, v33  }
0x151: {  	v10 =	vor.u32 v20, v31;
	v7 =	vld [tilespmem:s0+$0x0]  }
0x152: {  	v46 =	vperm.xlane v35, v55;
	v31 =	vshll.u32 v44, $0x6;
	v33 =	vld [tilespmem:s25+$0xFFFFFCC0]  }
0x153: {  	v48 =	vor.u32 v17, v31;
	[tilespmem:v9+s3+$0x0] =	vst.idx.add.f32.msk $0xffff, v8  }
0x154: {  	[tilespmem:$0x1FFF0] =	vst v43;
	v43 =	vshll.u32 v46, $0x6  }
0x155: {  	v8 =	vld [tilespmem:s25+$0x140];
	v9 =	vor.u32 v17, v43  }
0x156: {  	v46 =	vperm.xlane v6, v36;
	[tilespmem:v10+s3+$0x0] =	vst.idx.add.f32.msk $0xffff, v7  }
0x157: {  	v10 =	vor.u32 v20, v45;
	v7 =	vld [tilespmem:s26+$0x30]  }
0x158: {  	[tilespmem:v48+s3+$0x0] =	vst.idx.add.f32.msk $0xffff, v33;
	v48 =	vperm.xlane v35, v56;
	v44 =	vshll.u32 v46, $0x6  }
0x159: {  	v33 =	vld [tilespmem:s25+$0xFFFFFD00];
	v36 =	vor.u32 v17, v44  }
0x15a: {  	v45 =	vshll.u32 v48, $0x6;
	[tilespmem:v9+s3+$0x0] =	vst.idx.add.f32.msk $0xffff, v8  }
0x15b: {  	v9 =	vor.u32 v17, v45;
	v8 =	vld [tilespmem:s25+$0x180]  }
0x15c: {  	v46 =	vperm.xlane v6, v55;
	[tilespmem:v10+s3+$0x0] =	vst.idx.add.f32.msk $0xffff, v7  }
0x15d: {  	v49 =	vimm.s32 $0x8;
	v10 =	vor.u32 v20, v47;
	v7 =	vld [tilespmem:s26+$0x70]  }
0x15e: {  	v46 =	vshll.u32 v46, $0x6;
	v47 =	vperm.xlane v35, v49;
	[tilespmem:v36+s3+$0x0] =	vst.idx.add.f32.msk $0xffff, v33  }
0x15f: {  	v48 =	vor.u32 v17, v46;
	v33 =	vld [tilespmem:s25+$0xFFFFFD40]  }
0x160: {  	v47 =	vshll.u32 v47, $0x6;
	[tilespmem:v9+s3+$0x0] =	vst.idx.add.f32.msk $0xffff, v8  }
0x161: {  	v9 =	vor.u32 v17, v47;
	v8 =	vld [tilespmem:s25+$0x1C0]  }
0x162: {  	v55 =	vperm.xlane v6, v56;
	[tilespmem:v10+s3+$0x0] =	vst.idx.add.f32.msk $0xffff, v7  }
0x163: {  	v51 =	vimm.s32 $0x9;
	v10 =	vor.u32 v20, v50;
	v7 =	vld [tilespmem:s26+$0xB0]  }
0x164: {  	v56 =	vperm.xlane v35, v51;
	[tilespmem:v48+s3+$0x0] =	vst.idx.add.f32.msk $0xffff, v33;
	v48 =	vshll.u32 v55, $0x6  }
0x165: {  	v33 =	vld [tilespmem:s25+$0xFFFFFD80];
	v36 =	vor.u32 v17, v48  }
0x166: {  	v50 =	vshll.u32 v56, $0x6;
	[tilespmem:v9+s3+$0x0] =	vst.idx.add.f32.msk $0xffff, v8  }
0x167: {  	v9 =	vor.u32 v17, v50;
	v8 =	vld [tilespmem:s25+$0x200]  }
0x168: {  	v55 =	vperm.xlane v6, v49;
	[tilespmem:v10+s3+$0x0] =	vst.idx.add.f32.msk $0xffff, v7  }
0x169: {  	v10 =	vor.u32 v20, v52;
	v7 =	vld [tilespmem:s26+$0xF0]  }
0x16a: {  	v56 =	vperm.xlane v35, v58;
	v49 =	vshll.u32 v55, $0x6;
	[tilespmem:v36+s3+$0x0] =	vst.idx.add.f32.msk $0xffff, v33  }
0x16b: {  	v36 =	vor.u32 v17, v49;
	v33 =	vld [tilespmem:s25+$0xFFFFFDC0]  }
0x16c: {  	v52 =	vshll.u32 v56, $0x6;
	[tilespmem:v9+s3+$0x0] =	vst.idx.add.f32.msk $0xffff, v8  }
0x16d: {  	v9 =	vor.u32 v17, v52;
	v8 =	vld [tilespmem:s25+$0x240]  }
0x16e: {  	v55 =	vperm.xlane v6, v51;
	[tilespmem:v10+s3+$0x0] =	vst.idx.add.f32.msk $0xffff, v7  }
0x16f: {  	v10 =	vor.u32 v20, v54;
	v7 =	vld [tilespmem:s26+$0x130]  }
0x170: {  	v51 =	vshll.u32 v55, $0x6;
	v56 =	vperm.xlane v35, v53;
	[tilespmem:v36+s3+$0x0] =	vst.idx.add.f32.msk $0xffff, v33  }
0x171: {  	v36 =	vor.u32 v17, v51;
	v33 =	vld [tilespmem:s25+$0xFFFFFE00]  }
0x172: {  	v54 =	vshll.u32 v56, $0x6;
	[tilespmem:v9+s3+$0x0] =	vst.idx.add.f32.msk $0xffff, v8  }
0x173: {  	v9 =	vor.u32 v17, v54;
	v8 =	vld [tilespmem:s25+$0x280]  }
0x174: {  	v55 =	vperm.xlane v6, v58;
	[tilespmem:v10+s3+$0x0] =	vst.idx.add.f32.msk $0xffff, v7  }
0x175: {  	v57 =	vimm.s32 $0xC;
	v10 =	vor.u32 v20, v26;
	v7 =	vld [tilespmem:s26+$0x170]  }
0x176: {  	v53 =	vshll.u32 v55, $0x6;
	v56 =	vperm.xlane v35, v57;
	[tilespmem:v36+s3+$0x0] =	vst.idx.add.f32.msk $0xffff, v33  }
0x177: {  	v58 =	vor.u32 v17, v53;
	v33 =	vld [tilespmem:s25+$0xFFFFFE40]  }
0x178: {  	v55 =	vshll.u32 v56, $0x6;
	[tilespmem:v9+s3+$0x0] =	vst.idx.add.f32.msk $0xffff, v8  }
0x179: {  	v26 =	vimm.s32 $0xB;
	v9 =	vor.u32 v17, v55;
	v8 =	vld [tilespmem:s25+$0x2C0]  }
0x17a: {  	v36 =	vperm.xlane v6, v26;
	[tilespmem:v10+s3+$0x0] =	vst.idx.add.f32.msk $0xffff, v7  }
0x17b: {  	v10 =	vor.u32 v20, v25;
	v25 =	vimm.s32 $0xD;
	v7 =	vld [tilespmem:s26+$0x1B0]  }
0x17c: {  	v32 =	vshll.u32 v36, $0x6;
	[tilespmem:v58+s3+$0x0] =	vst.idx.add.f32.msk $0xffff, v33;
	v56 =	vperm.xlane v35, v25  }
0x17d: {  	v36 =	vor.u32 v17, v32;
	v34 =	vld [tilespmem:s25+$0xFFFFFE80]  }
0x17e: {  	v56 =	vshll.u32 v56, $0x6;
	[tilespmem:v9+s3+$0x0] =	vst.idx.add.f32.msk $0xffff, v8  }
0x17f: {  	v9 =	vor.u32 v17, v56;
	v8 =	vld [tilespmem:s25+$0x300]  }
0x180: {  	[tilespmem:v10+s3+$0x0] =	vst.idx.add.f32.msk $0xffff, v7  }
0x181: {  	v10 =	vor.u32 v20, v63;
	v7 =	vld [tilespmem:s26+$0x1F0]  }
0x182: {  	v26 =	vimm.s32 $0xE;
	v58 =	vperm.xlane v6, v57;
	[tilespmem:v36+s3+$0x0] =	vst.idx.add.f32.msk $0xffff, v34  }
0x183: {  	v63 =	vperm.xlane v35, v26;
	v36 =	vld [tilespmem:s25+$0xFFFFFEC0]  }
0x184: {  	v33 =	vshll.u32 v58, $0x6;
	[tilespmem:v9+s3+$0x0] =	vst.idx.add.f32.msk $0xffff, v8  }
0x185: {  	v58 =	vor.u32 v17, v33;
	v57 =	vshll.u32 v63, $0x6;
	v8 =	vld [tilespmem:s25+$0x340]  }
0x186: {  	v9 =	vor.u32 v17, v57;
	[tilespmem:v10+s3+$0x0] =	vst.idx.add.f32.msk $0xffff, v7  }
0x187: {  	v63 =	vor.u32 v20, v11;
	v10 =	vld [tilespmem:s26+$0x230];
	_ =	sdelay $0x2  }
0x188: {  	[tilespmem:v58+s3+$0x0] =	vst.idx.add.f32.msk $0xffff, v36  }
0x189: {  	[tilespmem:v9+s3+$0x0] =	vst.idx.add.f32.msk $0xffff, v8  }
0x18a: {  	v7 =	vperm.xlane v6, v25;
	[tilespmem:v63+s3+$0x0] =	vst.idx.add.f32.msk $0xffff, v10  }
0x18b: {  	v11 =	vimm.s32 $0xF;
	v25 =	vld [tilespmem:$0x1FFB0]  }
0x18c: {  	v34 =	vshll.u32 v7, $0x6;
	v7 =	vperm.xlane v35, v11  }
0x18d: {  	v35 =	vld [tilespmem:s25+$0xFFFFFF00];
	v36 =	vor.u32 v17, v34  }
0x18e: {  	v58 =	vshll.u32 v7, $0x6  }
0x18f: {  	v8 =	vor.u32 v17, v58;
	v7 =	vld [tilespmem:s25+$0x380]  }
0x190: {  	v10 =	vld [tilespmem:s26+$0x270];
	v63 =	vor.u32 v20, v25  }
0x191: {  	v9 =	vperm.xlane v6, v26  }
0x192: {  	[tilespmem:v36+s3+$0x0] =	vst.idx.add.f32.msk $0xffff, v35  }
0x193: {  	v35 =	vshll.u32 v9, $0x6;
	v9 =	vld [tilespmem:s25+$0xFFFFFF40]  }
0x194: {  	v36 =	vor.u32 v17, v35;
	[tilespmem:v8+s3+$0x0] =	vst.idx.add.f32.msk $0xffff, v7  }
0x195: {  	[tilespmem:v63+s3+$0x0] =	vst.idx.add.f32.msk $0xffff, v10  }
0x196: {  	v6 =	vperm.xlane v6, v11;
	v11 =	vld [tilespmem:$0x1FFC0]  }
0x197: {  	v8 =	vor.u32 v18, v37;
	v7 =	vld [tilespmem:s28+$0xFFFFFFE0];
	_ =	sdelay $0x1  }
0x198: {  	[tilespmem:v36+s3+$0x0] =	vst.idx.add.f32.msk $0xffff, v9;
	v36 =	vshll.u32 v6, $0x6  }
0x199: {  	v6 =	vld [tilespmem:s25+$0xFFFFFF80];
	v9 =	vor.u32 v17, v36  }
0x19a: {  	v10 =	vld [tilespmem:s26+$0x2B0];
	v63 =	vor.u32 v20, v11  }
0x19b: {  	[tilespmem:v8+s3+$0x0] =	vst.idx.add.f32.msk $0xffff, v7  }
0x19c: {  	v8 =	vor.u32 v18, v38;
	v7 =	vld [tilespmem:s25+$0x10];
	_ =	sdelay $0x1  }
0x19d: {  	[tilespmem:v9+s3+$0x0] =	vst.idx.add.f32.msk $0xffff, v6  }
0x19e: {  	[tilespmem:v63+s3+$0x0] =	vst.idx.add.f32.msk $0xffff, v10  }
0x19f: {  	v63 =	vor.u32 v20, v12;
	v10 =	vld [tilespmem:s26+$0x2F0]  }
0x1a0: {  	[tilespmem:v8+s3+$0x0] =	vst.idx.add.f32.msk $0xffff, v7  }
0x1a1: {  	v9 =	vor.u32 v18, v21;
	v6 =	vld [tilespmem:s25+$0xFFFFFBD0]  }
0x1a2: {  	v8 =	vor.u32 v18, v39;
	v7 =	vld [tilespmem:s25+$0x50];
	_ =	sdelay $0x1  }
0x1a3: {  	[tilespmem:v63+s3+$0x0] =	vst.idx.add.f32.msk $0xffff, v10  }
0x1a4: {  	v63 =	vor.u32 v20, v61;
	v10 =	vld [tilespmem:s26+$0x330]  }
0x1a5: {  	[tilespmem:v9+s3+$0x0] =	vst.idx.add.f32.msk $0xffff, v6  }
0x1a6: {  	[tilespmem:v8+s3+$0x0] =	vst.idx.add.f32.msk $0xffff, v7  }
0x1a7: {  	v12 =	vld [tilespmem:s25+$0xFFFFFC10]  }
0x1a8: {  	v7 =	vld [tilespmem:s25+$0x90]  }
0x1a9: {  	v9 =	vor.u32 v18, v22;
	[tilespmem:v63+s3+$0x0] =	vst.idx.add.f32.msk $0xffff, v10  }
0x1aa: {  	v8 =	vor.u32 v18, v40;
	v6 =	vld [tilespmem:$0x1FFD0];
	_ =	sdelay $0x2  }
0x1ab: {  	v63 =	vld [tilespmem:s26+$0x370]  }
0x1ac: {  	[tilespmem:v9+s3+$0x0] =	vst.idx.add.f32.msk $0xffff, v12  }
0x1ad: {  	[tilespmem:v8+s3+$0x0] =	vst.idx.add.f32.msk $0xffff, v7;
	v6 =	vor.u32 v20, v6  }
0x1ae: {  	v7 =	vld [tilespmem:$0x1FFE0];
	_ =	sdelay $0x1  }
0x1af: {  	v9 =	vor.u32 v18, v23;
	v10 =	vld [tilespmem:s25+$0xFFFFFC50]  }
0x1b0: {  	v11 =	vld [tilespmem:s26+$0xFFFFFE60]  }
0x1b1: {  	[tilespmem:v6+s3+$0x0] =	vst.idx.add.f32.msk $0xffff, v63  }
0x1b2: {  	v8 =	vor.u32 v19, v7;
	v6 =	vld [tilespmem:$0x1FFF0]  }
0x1b3: {  	v12 =	vld [tilespmem:s25+$0xD0];
	v61 =	vmov v7;
	v7 =	vor.u32 v18, v41  }
0x1b4: {  	[tilespmem:v9+s3+$0x0] =	vst.idx.add.f32.msk $0xffff, v10  }
0x1b5: {  	v10 =	vor.u32 v18, v28;
	v9 =	vld [tilespmem:s25+$0xFFFFFC90]  }
0x1b6: {  	v63 =	vld [tilespmem:s26+$0x3B0]  }
0x1b7: {  	s31 =	sadd.s32 $0x2, s30;
	[tilespmem:v8+s3+$0x0] =	vst.idx.add.f32.msk $0xffff, v11;
	v6 =	vor.u32 v20, v6  }
0x1b8: {  	p2 =	slt.u32 s31, s24;
	[tilespmem:v7+s3+$0x0] =	vst.idx.add.f32.msk $0xffff, v12  }
.Ltmp5:
0x1b9: {  	v7 =	vld [tilespmem:s25+$0x110];
	(pc) =	sbr.rel @!p2 .LBB2_11-.Ltmp5, $4  }
0x1ba: {  	[tilespmem:v10+s3+$0x0] =	vst.idx.add.f32.msk $0xffff, v9  }
0x1bb: {  	v8 =	vld [tilespmem:s25+$0xFFFFFCD0]  }
0x1bc: {  	v9 =	vor.u32 v18, v42;
	[tilespmem:v6+s3+$0x0] =	vst.idx.add.f32.msk $0xffff, v63  }
0x1bd: {  	p1 =	por $0x1, $0x1;
	s30 =	smov.u32 s28;
	s0 =	sadd.s32 $0x20, s4;
	v10 =	vor.u32 v18, v31;
	v6 =	vld [tilespmem:s26+$0xFFFFFEA0]  }
.LBB2_12:
0x1be: {  	_ =	sdelay $0x1  }
0x1bf: {  	v63 =	vld [tilespmem:s0+$0x0]  }
0x1c0: {  	v11 =	vor.u32 v19, v1;
	[tilespmem:v9+s3+$0x0] =	vst.idx.add.f32.msk $0xffff, v7  }
0x1c1: {  	[tilespmem:v10+s3+$0x0] =	vst.idx.add.f32.msk $0xffff, v8  }
0x1c2: {  	v9 =	vor.u32 v18, v43;
	v7 =	vld [tilespmem:s25+$0x150]  }
0x1c3: {  	v10 =	vor.u32 v18, v44;
	v8 =	vld [tilespmem:s25+$0xFFFFFD10];
	_ =	sdelay $0x1  }
0x1c4: {  	[tilespmem:v11+s3+$0x0] =	vst.idx.add.f32.msk $0xffff, v6  }
0x1c5: {  	v6 =	vld [tilespmem:s26+$0xFFFFFEE0]  }
0x1c6: {  	v11 =	vor.u32 v19, v2;
	[tilespmem:v9+s3+$0x0] =	vst.idx.add.f32.msk $0xffff, v7  }
0x1c7: {  	[tilespmem:v10+s3+$0x0] =	vst.idx.add.f32.msk $0xffff, v8  }
0x1c8: {  	v9 =	vor.u32 v18, v45;
	v7 =	vld [tilespmem:s25+$0x190]  }
0x1c9: {  	v10 =	vor.u32 v18, v46;
	v8 =	vld [tilespmem:s25+$0xFFFFFD50];
	_ =	sdelay $0x1  }
0x1ca: {  	[tilespmem:v11+s3+$0x0] =	vst.idx.add.f32.msk $0xffff, v6  }
0x1cb: {  	v6 =	vld [tilespmem:s26+$0xFFFFFF20]  }
0x1cc: {  	v11 =	vor.u32 v19, v3;
	[tilespmem:v9+s3+$0x0] =	vst.idx.add.f32.msk $0xffff, v7  }
0x1cd: {  	[tilespmem:v10+s3+$0x0] =	vst.idx.add.f32.msk $0xffff, v8  }
0x1ce: {  	v9 =	vor.u32 v18, v47;
	v7 =	vld [tilespmem:s25+$0x1D0]  }
0x1cf: {  	v10 =	vor.u32 v18, v48;
	v8 =	vld [tilespmem:s25+$0xFFFFFD90];
	_ =	sdelay $0x1  }
0x1d0: {  	[tilespmem:v11+s3+$0x0] =	vst.idx.add.f32.msk $0xffff, v6  }
0x1d1: {  	v6 =	vld [tilespmem:s26+$0xFFFFFF60]  }
0x1d2: {  	v11 =	vor.u32 v19, v5;
	[tilespmem:v9+s3+$0x0] =	vst.idx.add.f32.msk $0xffff, v7  }
0x1d3: {  	[tilespmem:v10+s3+$0x0] =	vst.idx.add.f32.msk $0xffff, v8  }
0x1d4: {  	v9 =	vor.u32 v18, v50;
	v7 =	vld [tilespmem:s25+$0x210]  }
0x1d5: {  	v10 =	vor.u32 v18, v49;
	v8 =	vld [tilespmem:s25+$0xFFFFFDD0];
	_ =	sdelay $0x1  }
0x1d6: {  	[tilespmem:v11+s3+$0x0] =	vst.idx.add.f32.msk $0xffff, v6  }
0x1d7: {  	v6 =	vld [tilespmem:s26+$0xFFFFFFA0]  }
0x1d8: {  	v11 =	vor.u32 v19, v4;
	[tilespmem:v9+s3+$0x0] =	vst.idx.add.f32.msk $0xffff, v7  }
0x1d9: {  	[tilespmem:v10+s3+$0x0] =	vst.idx.add.f32.msk $0xffff, v8  }
0x1da: {  	v9 =	vor.u32 v18, v52;
	v7 =	vld [tilespmem:s25+$0x250]  }
0x1db: {  	v10 =	vor.u32 v18, v51;
	v8 =	vld [tilespmem:s25+$0xFFFFFE10];
	_ =	sdelay $0x1  }
0x1dc: {  	[tilespmem:v11+s3+$0x0] =	vst.idx.add.f32.msk $0xffff, v6  }
0x1dd: {  	v6 =	vld [tilespmem:s26+$0xFFFFFBF0]  }
0x1de: {  	v11 =	vor.u32 v20, v29;
	[tilespmem:v9+s3+$0x0] =	vst.idx.add.f32.msk $0xffff, v7  }
0x1df: {  	[tilespmem:v10+s3+$0x0] =	vst.idx.add.f32.msk $0xffff, v8  }
0x1e0: {  	v9 =	vor.u32 v18, v54;
	v7 =	vld [tilespmem:s25+$0x290]  }
0x1e1: {  	v10 =	vor.u32 v18, v53;
	v8 =	vld [tilespmem:s25+$0xFFFFFE50];
	_ =	sdelay $0x1  }
0x1e2: {  	[tilespmem:v11+s3+$0x0] =	vst.idx.add.f32.msk $0xffff, v6  }
0x1e3: {  	v6 =	vld [tilespmem:s26+$0xFFFFFC30]  }
0x1e4: {  	v11 =	vor.u32 v20, v59;
	[tilespmem:v9+s3+$0x0] =	vst.idx.add.f32.msk $0xffff, v7  }
0x1e5: {  	[tilespmem:v10+s3+$0x0] =	vst.idx.add.f32.msk $0xffff, v8  }
0x1e6: {  	v9 =	vor.u32 v18, v55;
	v7 =	vld [tilespmem:s25+$0x2D0]  }
0x1e7: {  	v10 =	vor.u32 v18, v32;
	v8 =	vld [tilespmem:s25+$0xFFFFFE90];
	_ =	sdelay $0x1  }
0x1e8: {  	[tilespmem:v11+s3+$0x0] =	vst.idx.add.f32.msk $0xffff, v6  }
0x1e9: {  	v6 =	vld [tilespmem:s26+$0xFFFFFC70]  }
0x1ea: {  	v11 =	vor.u32 v20, v24;
	[tilespmem:v9+s3+$0x0] =	vst.idx.add.f32.msk $0xffff, v7  }
0x1eb: {  	[tilespmem:v10+s3+$0x0] =	vst.idx.add.f32.msk $0xffff, v8  }
0x1ec: {  	v9 =	vor.u32 v18, v56;
	v7 =	vld [tilespmem:s25+$0x310]  }
0x1ed: {  	v10 =	vor.u32 v18, v33;
	v8 =	vld [tilespmem:s25+$0xFFFFFED0];
	_ =	sdelay $0x1  }
0x1ee: {  	[tilespmem:v11+s3+$0x0] =	vst.idx.add.f32.msk $0xffff, v6  }
0x1ef: {  	v6 =	vld [tilespmem:s26+$0xFFFFFCB0]  }
0x1f0: {  	v11 =	vor.u32 v20, v30;
	[tilespmem:v9+s3+$0x0] =	vst.idx.add.f32.msk $0xffff, v7  }
0x1f1: {  	[tilespmem:v10+s3+$0x0] =	vst.idx.add.f32.msk $0xffff, v8  }
0x1f2: {  	v9 =	vor.u32 v18, v57;
	v7 =	vld [tilespmem:s25+$0x350]  }
0x1f3: {  	v10 =	vor.u32 v18, v34;
	v8 =	vld [tilespmem:s25+$0xFFFFFF10];
	_ =	sdelay $0x1  }
0x1f4: {  	[tilespmem:v11+s3+$0x0] =	vst.idx.add.f32.msk $0xffff, v6  }
0x1f5: {  	v11 =	vor.u32 v20, v0;
	v6 =	vld [tilespmem:s26+$0xFFFFFCF0]  }
0x1f6: {  	[tilespmem:v9+s3+$0x0] =	vst.idx.add.f32.msk $0xffff, v7  }
0x1f7: {  	[tilespmem:v10+s3+$0x0] =	vst.idx.add.f32.msk $0xffff, v8  }
0x1f8: {  	v9 =	vor.u32 v18, v58;
	v7 =	vld [tilespmem:s25+$0x390]  }
0x1f9: {  	v10 =	vor.u32 v18, v35;
	v8 =	vld [tilespmem:s25+$0xFFFFFF50]  }
0x1fa: {  	[tilespmem:v11+s3+$0x0] =	vst.idx.add.f32.msk $0xffff, v6  }
0x1fb: {  	v11 =	vor.u32 v20, v27;
	v6 =	vld [tilespmem:s26+$0xFFFFFD30];
	_ =	sdelay $0x1  }
0x1fc: {  	[tilespmem:v9+s3+$0x0] =	vst.idx.add.f32.msk $0xffff, v7  }
0x1fd: {  	[tilespmem:v10+s3+$0x0] =	vst.idx.add.f32.msk $0xffff, v8  }
0x1fe: {  	v8 =	vld [tilespmem:s25+$0xFFFFFF90]  }
0x1ff: {  	[tilespmem:v11+s3+$0x0] =	vst.idx.add.f32.msk $0xffff, v6  }
0x200: {  	v11 =	vld [tilespmem:$0x1FF80]  }
0x201: {  	v9 =	vor.u32 v19, v37;
	v7 =	vld [tilespmem:s28+$0xFFFFFFF0]  }
0x202: {  	v10 =	vor.u32 v18, v36;
	_ =	sdelay $0x2  }
0x203: {  	v6 =	vld [tilespmem:s26+$0xFFFFFD70];
	v11 =	vor.u32 v20, v11  }
0x204: {  	[tilespmem:v9+s3+$0x0] =	vst.idx.add.f32.msk $0xffff, v7  }
0x205: {  	[tilespmem:v10+s3+$0x0] =	vst.idx.add.f32.msk $0xffff, v8  }
0x206: {  	v9 =	vor.u32 v19, v38;
	v7 =	vld [tilespmem:s25+$0x20]  }
0x207: {  	v8 =	vld [tilespmem:s25+$0xFFFFFBE0]  }
0x208: {  	[tilespmem:v11+s3+$0x0] =	vst.idx.add.f32.msk $0xffff, v6  }
0x209: {  	v29 =	vmov v21;
	v11 =	vld [tilespmem:$0x1FF90]  }
0x20a: {  	v10 =	vor.u32 v19, v29  }
0x20b: {  	[tilespmem:v9+s3+$0x0] =	vst.idx.add.f32.msk $0xffff, v7  }
0x20c: {  	v9 =	vor.u32 v19, v39;
	v7 =	vld [tilespmem:s25+$0x60];
	_ =	sdelay $0x1  }
0x20d: {  	v6 =	vld [tilespmem:s26+$0xFFFFFDB0];
	v11 =	vor.u32 v20, v11  }
0x20e: {  	[tilespmem:v10+s3+$0x0] =	vst.idx.add.f32.msk $0xffff, v8  }
0x20f: {  	v8 =	vld [tilespmem:s25+$0xFFFFFC20]  }
0x210: {  	[tilespmem:v9+s3+$0x0] =	vst.idx.add.f32.msk $0xffff, v7  }
0x211: {  	v9 =	vor.u32 v19, v40;
	v7 =	vld [tilespmem:s25+$0xA0]  }
0x212: {  	[tilespmem:v11+s3+$0x0] =	vst.idx.add.f32.msk $0xffff, v6  }
0x213: {  	v11 =	vld [tilespmem:$0x1FFA0]  }
0x214: {  	v59 =	vmov v22  }
0x215: {  	v10 =	vor.u32 v19, v59  }
0x216: {  	[tilespmem:v9+s3+$0x0] =	vst.idx.add.f32.msk $0xffff, v7  }
0x217: {  	v9 =	vor.u32 v19, v41;
	v7 =	vld [tilespmem:s25+$0xE0]  }
0x218: {  	v6 =	vld [tilespmem:s26+$0xFFFFFDF0];
	v11 =	vor.u32 v20, v11;
	_ =	sdelay $0x1  }
0x219: {  	[tilespmem:v10+s3+$0x0] =	vst.idx.add.f32.msk $0xffff, v8  }
0x21a: {  	v24 =	vmov v23;
	v8 =	vld [tilespmem:s25+$0xFFFFFC60]  }
0x21b: {  	v10 =	vor.u32 v19, v24;
	[tilespmem:v9+s3+$0x0] =	vst.idx.add.f32.msk $0xffff, v7  }
0x21c: {  	[tilespmem:v11+s3+$0x0] =	vst.idx.add.f32.msk $0xffff, v6  }
0x21d: {  	v9 =	vor.u32 v19, v42;
	v7 =	vld [tilespmem:s25+$0x120]  }
0x21e: {  	v11 =	vor.u32 v20, v60;
	v6 =	vld [tilespmem:s26+$0xFFFFFE30];
	_ =	sdelay $0x1  }
0x21f: {  	[tilespmem:v10+s3+$0x0] =	vst.idx.add.f32.msk $0xffff, v8  }
0x220: {  	v30 =	vmov v28;
	v8 =	vld [tilespmem:s25+$0xFFFFFCA0]  }
0x221: {  	v10 =	vor.u32 v19, v30;
	[tilespmem:v9+s3+$0x0] =	vst.idx.add.f32.msk $0xffff, v7  }
0x222: {  	[tilespmem:v11+s3+$0x0] =	vst.idx.add.f32.msk $0xffff, v6  }
0x223: {  	v9 =	vor.u32 v19, v43;
	v7 =	vld [tilespmem:s25+$0x160]  }
0x224: {  	v11 =	vor.u32 v20, v61;
	v6 =	vld [tilespmem:s26+$0xFFFFFE70];
	_ =	sdelay $0x1  }
0x225: {  	[tilespmem:v10+s3+$0x0] =	vst.idx.add.f32.msk $0xffff, v8  }
0x226: {  	v0 =	vmov v31;
	v8 =	vld [tilespmem:s25+$0xFFFFFCE0]  }
0x227: {  	v10 =	vor.u32 v19, v0;
	[tilespmem:v9+s3+$0x0] =	vst.idx.add.f32.msk $0xffff, v7  }
0x228: {  	[tilespmem:v11+s3+$0x0] =	vst.idx.add.f32.msk $0xffff, v6  }
0x229: {  	v9 =	vor.u32 v19, v45;
	v7 =	vld [tilespmem:s25+$0x1A0]  }
0x22a: {  	v11 =	vor.u32 v20, v1;
	v6 =	vld [tilespmem:s26+$0xFFFFFEB0];
	_ =	sdelay $0x1  }
0x22b: {  	v27 =	vmov v44;
	[tilespmem:v10+s3+$0x0] =	vst.idx.add.f32.msk $0xffff, v8  }
0x22c: {  	v10 =	vor.u32 v19, v27;
	v8 =	vld [tilespmem:s25+$0xFFFFFD20]  }
0x22d: {  	[tilespmem:v9+s3+$0x0] =	vst.idx.add.f32.msk $0xffff, v7  }
0x22e: {  	[tilespmem:v11+s3+$0x0] =	vst.idx.add.f32.msk $0xffff, v6  }
0x22f: {  	v11 =	vor.u32 v20, v2;
	v6 =	vld [tilespmem:s26+$0xFFFFFEF0]  }
0x230: {  	v7 =	vld [tilespmem:s25+$0x1E0]  }
0x231: {  	v21 =	vmov v46;
	v9 =	vor.u32 v19, v47;
	[tilespmem:v10+s3+$0x0] =	vst.idx.add.f32.msk $0xffff, v8  }
0x232: {  	v10 =	vor.u32 v19, v21;
	v8 =	vld [tilespmem:s25+$0xFFFFFD60];
	_ =	sdelay $0x1  }
0x233: {  	[tilespmem:v11+s3+$0x0] =	vst.idx.add.f32.msk $0xffff, v6  }
0x234: {  	v11 =	vor.u32 v20, v3;
	v6 =	vld [tilespmem:s26+$0xFFFFFF30]  }
0x235: {  	[tilespmem:v9+s3+$0x0] =	vst.idx.add.f32.msk $0xffff, v7  }
0x236: {  	v12 =	vmov v48;
	[tilespmem:v10+s3+$0x0] =	vst.idx.add.f32.msk $0xffff, v8  }
0x237: {  	v10 =	vor.u32 v19, v12;
	v8 =	vld [tilespmem:s25+$0xFFFFFDA0]  }
0x238: {  	v9 =	vld [tilespmem:s25+$0x220]  }
0x239: {  	[tilespmem:v11+s3+$0x0] =	vst.idx.add.f32.msk $0xffff, v6;
	v11 =	vor.u32 v19, v50  }
0x23a: {  	s29 =	sadd.s32 $0x20, s29;
	v7 =	vor.u32 v20, v5;
	v6 =	vld [tilespmem:s26+$0xFFFFFF70]  }
0x23b: {  	v5 =	vmov v35;
	v35 =	vld [tilespmem:s29+$0x0]  }
0x23c: {  	v22 =	vmov v49;
	[tilespmem:v10+s3+$0x0] =	vst.idx.add.f32.msk $0xffff, v8  }
0x23d: {  	v10 =	vor.u32 v19, v22;
	v8 =	vld [tilespmem:s25+$0xFFFFFDE0]  }
0x23e: {  	[tilespmem:v11+s3+$0x0] =	vst.idx.add.f32.msk $0xffff, v9  }
0x23f: {  	[tilespmem:v7+s3+$0x0] =	vst.idx.add.f32.msk $0xffff, v6  }
0x240: {  	v6 =	vld [tilespmem:s25+$0x260];
	v7 =	vor.u32 v19, v52  }
0x241: {  	v9 =	vperm.xlane v35, v13;
	v11 =	vld [tilespmem:s26+$0xFFFFFFB0]  }
0x242: {  	v60 =	vmov v51;
	[tilespmem:v10+s3+$0x0] =	vst.idx.add.f32.msk $0xffff, v8;
	v8 =	vor.u32 v20, v4  }
0x243: {  	[tilespmem:$0x1FF80] =	vst v21;
	s28 =	sadd.s32 $0x800, s28;
	v21 =	vor.u32 v19, v60;
	v9 =	vshll.u32 v9, $0x6;
	v10 =	vld [tilespmem:s25+$0xFFFFFE20]  }
0x244: {  	[tilespmem:$0x1FFA0] =	vst v22;
	v22 =	vld [tilespmem:s28+$0xFFFFFFD0];
	v23 =	vor.u32 v17, v9  }
0x245: {  	[tilespmem:v7+s3+$0x0] =	vst.idx.add.f32.msk $0xffff, v6  }
0x246: {  	v6 =	vld [tilespmem:s25+$0x2A0]  }
0x247: {  	v28 =	vperm.xlane v35, v14;
	v7 =	vor.u32 v19, v54;
	[tilespmem:v8+s3+$0x0] =	vst.idx.add.f32.msk $0xffff, v11  }
0x248: {  	[tilespmem:v21+s3+$0x0] =	vst.idx.add.f32.msk $0xffff, v10  }
0x249: {  	s26 =	smov.u32 s25;
	v8 =	vshll.u32 v28, $0x6;
	s25 =	sadd.s32 $0x800, s25;
	[tilespmem:v23+s3+$0x0] =	vst.idx.add.f32.msk $0xffff, v22;
	v21 =	vperm.xlane v63, v13  }
0x24a: {  	v11 =	vor.u32 v17, v8;
	v10 =	vld [tilespmem:s25+$0x0]  }
0x24b: {  	v23 =	vld [tilespmem:s25+$0xFFFFFBC0];
	v21 =	vshll.u32 v21, $0x6  }
0x24c: {  	v31 =	vor.u32 v17, v21;
	[tilespmem:v7+s3+$0x0] =	vst.idx.add.f32.msk $0xffff, v6  }
0x24d: {  	v22 =	vor.u32 v19, v55;
	v7 =	vld [tilespmem:s26+$0x2E0]  }
0x24e: {  	v28 =	vperm.xlane v35, v15;
	v6 =	vld [tilespmem:s26+$0xFFFFFE60]  }
0x24f: {  	[tilespmem:v11+s3+$0x0] =	vst.idx.add.f32.msk $0xffff, v10  }
0x250: {  	v10 =	vshll.u32 v28, $0x6;
	v11 =	vld [tilespmem:s25+$0x40]  }
0x251: {  	v44 =	vperm.xlane v63, v14;
	v28 =	vor.u32 v17, v10;
	[tilespmem:v31+s3+$0x0] =	vst.idx.add.f32.msk $0xffff, v23  }
0x252: {  	[tilespmem:v22+s3+$0x0] =	vst.idx.add.f32.msk $0xffff, v7  }
0x253: {  	v46 =	vor.u32 v19, v56;
	v22 =	vshll.u32 v44, $0x6;
	v7 =	vld [tilespmem:s26+$0x320]  }
0x254: {  	v1 =	vmov v32;
	v31 =	vld [tilespmem:s25+$0xFFFFFC00];
	v32 =	vor.u32 v17, v22  }
0x255: {  	v23 =	vperm.xlane v35, v16  }
0x256: {  	[tilespmem:v28+s3+$0x0] =	vst.idx.add.f32.msk $0xffff, v11  }
0x257: {  	v11 =	vshll.u32 v23, $0x6;
	v28 =	vld [tilespmem:s25+$0x80]  }
0x258: {  	v23 =	vperm.xlane v63, v15;
	v48 =	vor.u32 v17, v11;
	[tilespmem:v46+s3+$0x0] =	vst.idx.add.f32.msk $0xffff, v7  }
0x259: {  	[tilespmem:v32+s3+$0x0] =	vst.idx.add.f32.msk $0xffff, v31  }
0x25a: {  	v49 =	vor.u32 v19, v57;
	v23 =	vshll.u32 v23, $0x6;
	v7 =	vld [tilespmem:s26+$0x360]  }
0x25b: {  	v51 =	vor.u32 v17, v23;
	v32 =	vld [tilespmem:s25+$0xFFFFFC40]  }
0x25c: {  	v31 =	vperm.xlane v35, v62  }
0x25d: {  	[tilespmem:v48+s3+$0x0] =	vst.idx.add.f32.msk $0xffff, v28  }
0x25e: {  	v3 =	vmov v34;
	v34 =	vshll.u32 v31, $0x6;
	v31 =	vld [tilespmem:s25+$0xC0]  }
0x25f: {  	v25 =	vmov v53;
	v28 =	vperm.xlane v63, v16;
	v53 =	vor.u32 v17, v34;
	[tilespmem:v49+s3+$0x0] =	vst.idx.add.f32.msk $0xffff, v7  }
0x260: {  	[tilespmem:v51+s3+$0x0] =	vst.idx.add.f32.msk $0xffff, v32  }
0x261: {  	v61 =	vor.u32 v19, v58;
	v28 =	vshll.u32 v28, $0x6;
	v7 =	vld [tilespmem:s26+$0x3A0]  }
0x262: {  	v4 =	vmov v36;
	v13 =	vimm.s32 $0x5;
	v46 =	vor.u32 v17, v28;
	v36 =	vld [tilespmem:s25+$0xFFFFFC80]  }
0x263: {  	v51 =	vperm.xlane v35, v13  }
0x264: {  	[tilespmem:v53+s3+$0x0] =	vst.idx.add.f32.msk $0xffff, v31  }
0x265: {  	v32 =	vshll.u32 v51, $0x6;
	v44 =	vld [tilespmem:s25+$0x100]  }
0x266: {  	v31 =	vperm.xlane v63, v62;
	v53 =	vor.u32 v17, v32;
	[tilespmem:v61+s3+$0x0] =	vst.idx.add.f32.msk $0xffff, v7  }
0x267: {  	[tilespmem:v46+s3+$0x0] =	vst.idx.add.f32.msk $0xffff, v36  }
0x268: {  	v31 =	vshll.u32 v31, $0x6;
	v61 =	vor.u32 v20, v37;
	v7 =	vld [tilespmem:s30+$0x0]  }
0x269: {  	[tilespmem:$0x1FF90] =	vst v12;
	v12 =	vimm.s32 $0x6;
	v46 =	vor.u32 v17, v31;
	v36 =	vld [tilespmem:s25+$0xFFFFFCC0]  }
0x26a: {  	v37 =	vmov v9;
	v9 =	vperm.xlane v35, v12  }
0x26b: {  	[tilespmem:v53+s3+$0x0] =	vst.idx.add.f32.msk $0xffff, v44  }
0x26c: {  	v9 =	vshll.u32 v9, $0x6;
	v48 =	vld [tilespmem:s25+$0x140]  }
0x26d: {  	v53 =	vperm.xlane v63, v13;
	v62 =	vor.u32 v17, v9;
	[tilespmem:v61+s3+$0x0] =	vst.idx.add.f32.msk $0xffff, v7  }
0x26e: {  	[tilespmem:v46+s3+$0x0] =	vst.idx.add.f32.msk $0xffff, v36  }
0x26f: {  	v44 =	vshll.u32 v53, $0x6;
	v61 =	vor.u32 v20, v38;
	v7 =	vld [tilespmem:s26+$0x30]  }
0x270: {  	v13 =	vimm.s32 $0x7;
	v46 =	vor.u32 v17, v44;
	v36 =	vld [tilespmem:s25+$0xFFFFFD00]  }
0x271: {  	v38 =	vmov v8;
	v8 =	vperm.xlane v35, v13  }
0x272: {  	[tilespmem:v62+s3+$0x0] =	vst.idx.add.f32.msk $0xffff, v48  }
0x273: {  	v8 =	vshll.u32 v8, $0x6;
	v48 =	vld [tilespmem:s25+$0x180]  }
0x274: {  	v62 =	vperm.xlane v63, v12;
	v49 =	vor.u32 v17, v8;
	[tilespmem:v61+s3+$0x0] =	vst.idx.add.f32.msk $0xffff, v7  }
0x275: {  	[tilespmem:v46+s3+$0x0] =	vst.idx.add.f32.msk $0xffff, v36  }
0x276: {  	v61 =	vor.u32 v20, v39;
	v46 =	vshll.u32 v62, $0x6;
	v7 =	vld [tilespmem:s26+$0x70]  }
0x277: {  	v14 =	vimm.s32 $0x8;
	v36 =	vld [tilespmem:s25+$0xFFFFFD40];
	v51 =	vor.u32 v17, v46  }
0x278: {  	v39 =	vmov v10;
	v10 =	vperm.xlane v35, v14  }
0x279: {  	[tilespmem:v49+s3+$0x0] =	vst.idx.add.f32.msk $0xffff, v48  }
0x27a: {  	v10 =	vshll.u32 v10, $0x6;
	v49 =	vld [tilespmem:s25+$0x1C0]  }
0x27b: {  	v62 =	vperm.xlane v63, v13;
	v53 =	vor.u32 v17, v10;
	[tilespmem:v61+s3+$0x0] =	vst.idx.add.f32.msk $0xffff, v7  }
0x27c: {  	[tilespmem:v51+s3+$0x0] =	vst.idx.add.f32.msk $0xffff, v36  }
0x27d: {  	v2 =	vmov v33;
	v33 =	vor.u32 v20, v40;
	v48 =	vshll.u32 v62, $0x6;
	v7 =	vld [tilespmem:s26+$0xB0]  }
0x27e: {  	v13 =	vimm.s32 $0x9;
	v61 =	vor.u32 v17, v48;
	v36 =	vld [tilespmem:s25+$0xFFFFFD80]  }
0x27f: {  	v40 =	vmov v11;
	v11 =	vperm.xlane v35, v13  }
0x280: {  	[tilespmem:v53+s3+$0x0] =	vst.idx.add.f32.msk $0xffff, v49  }
0x281: {  	v11 =	vshll.u32 v11, $0x6;
	v53 =	vld [tilespmem:s25+$0x200]  }
0x282: {  	v62 =	vperm.xlane v63, v14;
	v12 =	vor.u32 v17, v11;
	[tilespmem:v33+s3+$0x0] =	vst.idx.add.f32.msk $0xffff, v7  }
0x283: {  	[tilespmem:v61+s3+$0x0] =	vst.idx.add.f32.msk $0xffff, v36  }
0x284: {  	v49 =	vshll.u32 v62, $0x6;
	v33 =	vor.u32 v20, v41;
	v7 =	vld [tilespmem:s26+$0xF0]  }
0x285: {  	v16 =	vimm.s32 $0xA;
	v51 =	vor.u32 v17, v49;
	v36 =	vld [tilespmem:s25+$0xFFFFFDC0]  }
0x286: {  	v61 =	vperm.xlane v35, v16  }
0x287: {  	[tilespmem:v12+s3+$0x0] =	vst.idx.add.f32.msk $0xffff, v53  }
0x288: {  	v41 =	vmov v34;
	v12 =	vshll.u32 v61, $0x6;
	v34 =	vld [tilespmem:s25+$0x240]  }
0x289: {  	v13 =	vperm.xlane v63, v13;
	v62 =	vor.u32 v17, v12;
	[tilespmem:v33+s3+$0x0] =	vst.idx.add.f32.msk $0xffff, v7  }
0x28a: {  	[tilespmem:v51+s3+$0x0] =	vst.idx.add.f32.msk $0xffff, v36  }
0x28b: {  	v61 =	vor.u32 v20, v42;
	v51 =	vshll.u32 v13, $0x6;
	v7 =	vld [tilespmem:s26+$0x130]  }
0x28c: {  	v15 =	vimm.s32 $0xB;
	v42 =	vmov v32;
	v32 =	vld [tilespmem:s25+$0xFFFFFE00];
	v36 =	vor.u32 v17, v51  }
0x28d: {  	v13 =	vperm.xlane v35, v15  }
0x28e: {  	[tilespmem:v62+s3+$0x0] =	vst.idx.add.f32.msk $0xffff, v34  }
0x28f: {  	v13 =	vshll.u32 v13, $0x6;
	v34 =	vld [tilespmem:s25+$0x280]  }
0x290: {  	v62 =	vperm.xlane v63, v16;
	v14 =	vor.u32 v17, v13;
	[tilespmem:v61+s3+$0x0] =	vst.idx.add.f32.msk $0xffff, v7  }
0x291: {  	[tilespmem:v36+s3+$0x0] =	vst.idx.add.f32.msk $0xffff, v32  }
0x292: {  	v53 =	vshll.u32 v62, $0x6;
	v61 =	vor.u32 v20, v43;
	v7 =	vld [tilespmem:s26+$0x170]  }
0x293: {  	v16 =	vimm.s32 $0xC;
	v62 =	vor.u32 v17, v53;
	v32 =	vld [tilespmem:s25+$0xFFFFFE40]  }
0x294: {  	v43 =	vmov v9;
	v9 =	vperm.xlane v35, v16  }
0x295: {  	[tilespmem:v14+s3+$0x0] =	vst.idx.add.f32.msk $0xffff, v34  }
0x296: {  	v9 =	vshll.u32 v9, $0x6;
	v14 =	vld [tilespmem:s25+$0x2C0]  }
0x297: {  	v15 =	vperm.xlane v63, v15;
	v34 =	vor.u32 v17, v9;
	[tilespmem:v61+s3+$0x0] =	vst.idx.add.f32.msk $0xffff, v7  }
0x298: {  	[tilespmem:v62+s3+$0x0] =	vst.idx.add.f32.msk $0xffff, v32  }
0x299: {  	v33 =	vor.u32 v20, v45;
	v32 =	vshll.u32 v15, $0x6;
	v7 =	vld [tilespmem:s26+$0x1B0]  }
0x29a: {  	v61 =	vimm.s32 $0xD;
	v15 =	vld [tilespmem:s25+$0xFFFFFE80];
	v36 =	vor.u32 v17, v32  }
0x29b: {  	v45 =	vmov v8;
	v8 =	vperm.xlane v35, v61  }
0x29c: {  	[tilespmem:v34+s3+$0x0] =	vst.idx.add.f32.msk $0xffff, v14  }
0x29d: {  	v8 =	vshll.u32 v8, $0x6;
	v14 =	vld [tilespmem:s25+$0x300]  }
0x29e: {  	v16 =	vperm.xlane v63, v16;
	v34 =	vor.u32 v17, v8;
	[tilespmem:v33+s3+$0x0] =	vst.idx.add.f32.msk $0xffff, v7  }
0x29f: {  	[tilespmem:v36+s3+$0x0] =	vst.idx.add.f32.msk $0xffff, v15  }
0x2a0: {  	v62 =	vor.u32 v20, v47;
	v33 =	vshll.u32 v16, $0x6;
	v7 =	vld [tilespmem:s26+$0x1F0]  }
0x2a1: {  	v26 =	vimm.s32 $0xE;
	v15 =	vld [tilespmem:s25+$0xFFFFFEC0];
	v16 =	vor.u32 v17, v33  }
0x2a2: {  	v47 =	vmov v10;
	v10 =	vperm.xlane v35, v26  }
0x2a3: {  	[tilespmem:v34+s3+$0x0] =	vst.idx.add.f32.msk $0xffff, v14  }
0x2a4: {  	v10 =	vshll.u32 v10, $0x6;
	v14 =	vld [tilespmem:s25+$0x340]  }
0x2a5: {  	v36 =	vor.u32 v17, v10;
	v34 =	vperm.xlane v63, v61;
	[tilespmem:v62+s3+$0x0] =	vst.idx.add.f32.msk $0xffff, v7  }
0x2a6: {  	[tilespmem:v16+s3+$0x0] =	vst.idx.add.f32.msk $0xffff, v15  }
0x2a7: {  	v34 =	vshll.u32 v34, $0x6;
	v62 =	vor.u32 v20, v50;
	v7 =	vld [tilespmem:s26+$0x230]  }
0x2a8: {  	v61 =	vimm.s32 $0xF;
	v16 =	vor.u32 v17, v34;
	v15 =	vld [tilespmem:s25+$0xFFFFFF00]  }
0x2a9: {  	v50 =	vmov v11;
	v11 =	vperm.xlane v35, v61  }
0x2aa: {  	[tilespmem:v36+s3+$0x0] =	vst.idx.add.f32.msk $0xffff, v14  }
0x2ab: {  	v11 =	vshll.u32 v11, $0x6;
	v14 =	vld [tilespmem:s25+$0x380]  }
0x2ac: {  	v35 =	vperm.xlane v63, v26;
	v36 =	vor.u32 v17, v11;
	[tilespmem:v62+s3+$0x0] =	vst.idx.add.f32.msk $0xffff, v7  }
0x2ad: {  	[tilespmem:v16+s3+$0x0] =	vst.idx.add.f32.msk $0xffff, v15  }
0x2ae: {  	v35 =	vshll.u32 v35, $0x6;
	v62 =	vor.u32 v20, v52;
	v7 =	vld [tilespmem:s26+$0x270]  }
0x2af: {  	v52 =	vmov v12;
	v15 =	vor.u32 v17, v35;
	v12 =	vld [tilespmem:s25+$0xFFFFFF40];
	_ =	sdelay $0x1  }
0x2b0: {  	[tilespmem:v36+s3+$0x0] =	vst.idx.add.f32.msk $0xffff, v14  }
0x2b1: {  	v14 =	vld [tilespmem:s28+$0xFFFFFFE0]  }
0x2b2: {  	v16 =	vor.u32 v18, v37;
	v36 =	vperm.xlane v63, v61;
	[tilespmem:v62+s3+$0x0] =	vst.idx.add.f32.msk $0xffff, v7  }
0x2b3: {  	[tilespmem:v15+s3+$0x0] =	vst.idx.add.f32.msk $0xffff, v12  }
0x2b4: {  	v36 =	vshll.u32 v36, $0x6;
	v62 =	vor.u32 v20, v54;
	v7 =	vld [tilespmem:s26+$0x2B0]  }
0x2b5: {  	v54 =	vmov v13;
	v13 =	vor.u32 v17, v36;
	v12 =	vld [tilespmem:s25+$0xFFFFFF80];
	_ =	sdelay $0x1  }
0x2b6: {  	[tilespmem:v16+s3+$0x0] =	vst.idx.add.f32.msk $0xffff, v14  }
0x2b7: {  	v14 =	vld [tilespmem:s25+$0x10]  }
0x2b8: {  	v15 =	vor.u32 v18, v38;
	[tilespmem:v62+s3+$0x0] =	vst.idx.add.f32.msk $0xffff, v7  }
0x2b9: {  	[tilespmem:v13+s3+$0x0] =	vst.idx.add.f32.msk $0xffff, v12  }
0x2ba: {  	v16 =	vor.u32 v20, v55;
	v7 =	vld [tilespmem:s26+$0x2F0]  }
0x2bb: {  	v55 =	vmov v9;
	v12 =	vor.u32 v18, v21;
	v9 =	vld [tilespmem:s25+$0xFFFFFBD0];
	_ =	sdelay $0x1  }
0x2bc: {  	[tilespmem:v15+s3+$0x0] =	vst.idx.add.f32.msk $0xffff, v14  }
0x2bd: {  	v13 =	vld [tilespmem:s25+$0x50]  }
0x2be: {  	v14 =	vor.u32 v18, v39;
	[tilespmem:v16+s3+$0x0] =	vst.idx.add.f32.msk $0xffff, v7  }
0x2bf: {  	[tilespmem:v12+s3+$0x0] =	vst.idx.add.f32.msk $0xffff, v9  }
0x2c0: {  	v15 =	vor.u32 v20, v56;
	v7 =	vld [tilespmem:s26+$0x330]  }
0x2c1: {  	v56 =	vmov v8;
	v9 =	vor.u32 v18, v22;
	v8 =	vld [tilespmem:s25+$0xFFFFFC10];
	_ =	sdelay $0x1  }
0x2c2: {  	[tilespmem:v14+s3+$0x0] =	vst.idx.add.f32.msk $0xffff, v13  }
0x2c3: {  	v12 =	vld [tilespmem:s25+$0x90]  }
0x2c4: {  	v13 =	vor.u32 v18, v40;
	[tilespmem:v15+s3+$0x0] =	vst.idx.add.f32.msk $0xffff, v7  }
0x2c5: {  	[tilespmem:v9+s3+$0x0] =	vst.idx.add.f32.msk $0xffff, v8  }
0x2c6: {  	v14 =	vor.u32 v20, v57;
	v7 =	vld [tilespmem:s26+$0x370]  }
0x2c7: {  	v9 =	vor.u32 v18, v23;
	v8 =	vld [tilespmem:s25+$0xFFFFFC50];
	_ =	sdelay $0x1  }
0x2c8: {  	[tilespmem:v13+s3+$0x0] =	vst.idx.add.f32.msk $0xffff, v12  }
0x2c9: {  	v57 =	vmov v10;
	v10 =	vld [tilespmem:s25+$0xD0]  }
0x2ca: {  	v12 =	vor.u32 v19, v25;
	[tilespmem:v14+s3+$0x0] =	vst.idx.add.f32.msk $0xffff, v7  }
0x2cb: {  	v13 =	vor.u32 v18, v41;
	[tilespmem:v9+s3+$0x0] =	vst.idx.add.f32.msk $0xffff, v8  }
0x2cc: {  	v14 =	vor.u32 v20, v58;
	v7 =	vld [tilespmem:s26+$0x3B0]  }
0x2cd: {  	v58 =	vmov v11;
	v11 =	vor.u32 v18, v28;
	v8 =	vld [tilespmem:s25+$0xFFFFFC90];
	_ =	sdelay $0x1  }
0x2ce: {  	s31 =	sadd.s32 $0x2, s31;
	[tilespmem:v12+s3+$0x0] =	vst.idx.add.f32.msk $0xffff, v6  }
0x2cf: {  	p2 =	slt.u32 s31, s24;
	[tilespmem:v13+s3+$0x0] =	vst.idx.add.f32.msk $0xffff, v10  }
.Ltmp6:
0x2d0: {  	[tilespmem:v14+s3+$0x0] =	vst.idx.add.f32.msk $0xffff, v7;
	(pc) =	sbr.rel @p2 .LBB2_12-.Ltmp6, $4  }
0x2d1: {  	[tilespmem:v11+s3+$0x0] =	vst.idx.add.f32.msk $0xffff, v8  }
0x2d2: {  	v62 =	vimm.s32 $0x4;
	v7 =	vld [tilespmem:s25+$0x110]  }
0x2d3: {  	v16 =	vimm.s32 $0x3;
	v15 =	vimm.s32 $0x2;
	v9 =	vor.u32 v18, v42;
	v8 =	vld [tilespmem:s25+$0xFFFFFCD0]  }
0x2d4: {  	s0 =	sadd.s32 $0x20, s0;
	s30 =	smov.u32 s28;
	v61 =	vmovc v25;
	v13 =	vimm.s32 $0x0;
	v10 =	vor.u32 v18, v31;
	v14 =	vimm.s32 $0x1;
	v6 =	vld [tilespmem:s26+$0xFFFFFEA0]  }
0x2d5: {  	[tilespmem:$0x1FEF0] =	vst v1  }
0x2d6: {  	[tilespmem:$0x1FF00] =	vst v2  }
0x2d7: {  	[tilespmem:$0x1FF10] =	vst v3  }
0x2d8: {  	[tilespmem:$0x1FF40] =	vst v59  }
0x2d9: {  	[tilespmem:$0x1FF60] =	vst v30;
	v30 =	vmov v43  }
0x2da: {  	[tilespmem:$0x1FF70] =	vst v0;
	v25 =	vmovc v45;
	v63 =	vmovc v47;
	v12 =	vmov v50;
	v0 =	vmov v52;
	v1 =	vmov v32  }
0x2db: {  	[tilespmem:$0x1FF50] =	vst v24;
	v11 =	vmovc v56;
	v2 =	vmovc v33;
	v59 =	vmov v57;
	v3 =	vmov v34;
	v24 =	vmov v31  }
0x2dc: {  	[tilespmem:$0x1FF20] =	vst v5;
	v43 =	vmovc v58;
	v58 =	vmovc v4;
	v5 =	vmov v35;
	v31 =	vmov v37;
	v4 =	vmov v36  }
0x2dd: {  	v45 =	vmovc v38;
	v38 =	vmovc v55;
	v47 =	vmov v39;
	v50 =	vmov v40;
	v40 =	vmov v54;
	v26 =	vld [tilespmem:$0x1FF80]  }
0x2de: {  	v52 =	vmovc v41;
	v54 =	vmovc v42;
	v36 =	vimm.s32 $0x5;
	v55 =	vimm.s32 $0x6;
	v57 =	vmov v27;
	v27 =	vld [tilespmem:$0x1FF90]  }
0x2df: {  	[tilespmem:$0x1FF30] =	vst v29;
	s0 =	smov.u32 s28;
	s31 =	simm.s32 $0x14AF0;
	v56 =	vimm.s32 $0x7;
	v35 =	vimm.s32 $0xF;
	v29 =	vld [tilespmem:$0x1FFA0];
	v41 =	vmovc v0;
	v42 =	vmovc v12;
	v12 =	vimm.f32 $0.0e+00  }
.LBB2_14:
0x2e0: {  	_ =	sdelay $0x3  }
0x2e1: {  	[tilespmem:v10+s3+$0x0] =	vst.idx.add.f32.msk $0xffff, v8  }
0x2e2: {  	v10 =	vor.u32 v18, v44;
	v8 =	vld [tilespmem:s25+$0xFFFFFD10];
	_ =	sdelay $0x2  }
0x2e3: {  	[tilespmem:v9+s3+$0x0] =	vst.idx.add.f32.msk $0xffff, v7  }
0x2e4: {  	v9 =	vor.u32 v18, v30;
	v7 =	vld [tilespmem:s25+$0x150]  }
0x2e5: {  	[tilespmem:v10+s3+$0x0] =	vst.idx.add.f32.msk $0xffff, v8  }
0x2e6: {  	v10 =	vor.u32 v18, v46;
	v8 =	vld [tilespmem:s25+$0xFFFFFD50];
	_ =	sdelay $0x2  }
0x2e7: {  	[tilespmem:v9+s3+$0x0] =	vst.idx.add.f32.msk $0xffff, v7  }
0x2e8: {  	v9 =	vor.u32 v18, v25;
	v7 =	vld [tilespmem:s25+$0x190]  }
0x2e9: {  	[tilespmem:v10+s3+$0x0] =	vst.idx.add.f32.msk $0xffff, v8  }
0x2ea: {  	v10 =	vor.u32 v18, v48;
	v8 =	vld [tilespmem:s25+$0xFFFFFD90];
	_ =	sdelay $0x2  }
0x2eb: {  	[tilespmem:v9+s3+$0x0] =	vst.idx.add.f32.msk $0xffff, v7  }
0x2ec: {  	v9 =	vor.u32 v18, v63;
	v7 =	vld [tilespmem:s25+$0x1D0]  }
0x2ed: {  	[tilespmem:v10+s3+$0x0] =	vst.idx.add.f32.msk $0xffff, v8  }
0x2ee: {  	v10 =	vor.u32 v18, v49;
	v8 =	vld [tilespmem:s25+$0xFFFFFDD0];
	_ =	sdelay $0x2  }
0x2ef: {  	[tilespmem:v9+s3+$0x0] =	vst.idx.add.f32.msk $0xffff, v7  }
0x2f0: {  	v9 =	vor.u32 v18, v42;
	v7 =	vld [tilespmem:s25+$0x210]  }
0x2f1: {  	[tilespmem:v10+s3+$0x0] =	vst.idx.add.f32.msk $0xffff, v8  }
0x2f2: {  	v10 =	vor.u32 v18, v51;
	v8 =	vld [tilespmem:s25+$0xFFFFFE10];
	_ =	sdelay $0x2  }
0x2f3: {  	[tilespmem:v9+s3+$0x0] =	vst.idx.add.f32.msk $0xffff, v7  }
0x2f4: {  	v9 =	vor.u32 v18, v41;
	v7 =	vld [tilespmem:s25+$0x250]  }
0x2f5: {  	[tilespmem:v10+s3+$0x0] =	vst.idx.add.f32.msk $0xffff, v8  }
0x2f6: {  	v10 =	vor.u32 v18, v53;
	v8 =	vld [tilespmem:s25+$0xFFFFFE50];
	_ =	sdelay $0x2  }
0x2f7: {  	[tilespmem:v9+s3+$0x0] =	vst.idx.add.f32.msk $0xffff, v7  }
0x2f8: {  	v9 =	vor.u32 v18, v40;
	v7 =	vld [tilespmem:s25+$0x290]  }
0x2f9: {  	[tilespmem:v10+s3+$0x0] =	vst.idx.add.f32.msk $0xffff, v8  }
0x2fa: {  	v10 =	vor.u32 v18, v1;
	v8 =	vld [tilespmem:s25+$0xFFFFFE90];
	_ =	sdelay $0x2  }
0x2fb: {  	[tilespmem:v9+s3+$0x0] =	vst.idx.add.f32.msk $0xffff, v7  }
0x2fc: {  	v9 =	vor.u32 v18, v38;
	v7 =	vld [tilespmem:s25+$0x2D0]  }
0x2fd: {  	[tilespmem:v10+s3+$0x0] =	vst.idx.add.f32.msk $0xffff, v8  }
0x2fe: {  	v10 =	vor.u32 v18, v2;
	v8 =	vld [tilespmem:s25+$0xFFFFFED0];
	_ =	sdelay $0x2  }
0x2ff: {  	[tilespmem:v9+s3+$0x0] =	vst.idx.add.f32.msk $0xffff, v7  }
0x300: {  	v9 =	vor.u32 v18, v11;
	v7 =	vld [tilespmem:s25+$0x310]  }
0x301: {  	[tilespmem:v10+s3+$0x0] =	vst.idx.add.f32.msk $0xffff, v8  }
0x302: {  	v10 =	vor.u32 v18, v3;
	v8 =	vld [tilespmem:s25+$0xFFFFFF10];
	_ =	sdelay $0x2  }
0x303: {  	[tilespmem:v9+s3+$0x0] =	vst.idx.add.f32.msk $0xffff, v7  }
0x304: {  	v9 =	vor.u32 v18, v59;
	v7 =	vld [tilespmem:s25+$0x350]  }
0x305: {  	[tilespmem:v10+s3+$0x0] =	vst.idx.add.f32.msk $0xffff, v8  }
0x306: {  	v10 =	vor.u32 v18, v5;
	v8 =	vld [tilespmem:s25+$0xFFFFFF50];
	_ =	sdelay $0x2  }
0x307: {  	[tilespmem:v9+s3+$0x0] =	vst.idx.add.f32.msk $0xffff, v7  }
0x308: {  	v9 =	vor.u32 v18, v43;
	v7 =	vld [tilespmem:s25+$0x390]  }
0x309: {  	[tilespmem:v10+s3+$0x0] =	vst.idx.add.f32.msk $0xffff, v8  }
0x30a: {  	v10 =	vor.u32 v18, v4;
	v8 =	vld [tilespmem:s25+$0xFFFFFF90];
	_ =	sdelay $0x2  }
0x30b: {  	[tilespmem:v9+s3+$0x0] =	vst.idx.add.f32.msk $0xffff, v7  }
0x30c: {  	v9 =	vor.u32 v19, v31;
	v7 =	vld [tilespmem:s0+$0xFFFFFFF0]  }
0x30d: {  	[tilespmem:v10+s3+$0x0] =	vst.idx.add.f32.msk $0xffff, v8  }
0x30e: {  	v10 =	vor.u32 v19, v21;
	v8 =	vld [tilespmem:s25+$0xFFFFFBE0];
	_ =	sdelay $0x2  }
0x30f: {  	[tilespmem:v9+s3+$0x0] =	vst.idx.add.f32.msk $0xffff, v7  }
0x310: {  	v9 =	vor.u32 v19, v45;
	v7 =	vld [tilespmem:s25+$0x20]  }
0x311: {  	[tilespmem:v10+s3+$0x0] =	vst.idx.add.f32.msk $0xffff, v8  }
0x312: {  	v10 =	vor.u32 v19, v22;
	v8 =	vld [tilespmem:s25+$0xFFFFFC20];
	_ =	sdelay $0x2  }
0x313: {  	[tilespmem:v9+s3+$0x0] =	vst.idx.add.f32.msk $0xffff, v7  }
0x314: {  	v9 =	vor.u32 v19, v47;
	v7 =	vld [tilespmem:s25+$0x60]  }
0x315: {  	[tilespmem:v10+s3+$0x0] =	vst.idx.add.f32.msk $0xffff, v8  }
0x316: {  	v10 =	vor.u32 v19, v23;
	v8 =	vld [tilespmem:s25+$0xFFFFFC60];
	_ =	sdelay $0x2  }
0x317: {  	[tilespmem:v9+s3+$0x0] =	vst.idx.add.f32.msk $0xffff, v7  }
0x318: {  	v9 =	vor.u32 v19, v50;
	v7 =	vld [tilespmem:s25+$0xA0]  }
0x319: {  	[tilespmem:v10+s3+$0x0] =	vst.idx.add.f32.msk $0xffff, v8  }
0x31a: {  	v10 =	vor.u32 v19, v28;
	v8 =	vld [tilespmem:s25+$0xFFFFFCA0];
	_ =	sdelay $0x2  }
0x31b: {  	[tilespmem:v9+s3+$0x0] =	vst.idx.add.f32.msk $0xffff, v7  }
0x31c: {  	v9 =	vor.u32 v19, v52;
	v7 =	vld [tilespmem:s25+$0xE0]  }
0x31d: {  	[tilespmem:v10+s3+$0x0] =	vst.idx.add.f32.msk $0xffff, v8  }
0x31e: {  	v10 =	vor.u32 v19, v24;
	v8 =	vld [tilespmem:s25+$0xFFFFFCE0];
	_ =	sdelay $0x2  }
0x31f: {  	[tilespmem:v9+s3+$0x0] =	vst.idx.add.f32.msk $0xffff, v7  }
0x320: {  	v9 =	vor.u32 v19, v54;
	v7 =	vld [tilespmem:s25+$0x120]  }
0x321: {  	[tilespmem:v10+s3+$0x0] =	vst.idx.add.f32.msk $0xffff, v8  }
0x322: {  	v10 =	vor.u32 v19, v44;
	v8 =	vld [tilespmem:s25+$0xFFFFFD20];
	_ =	sdelay $0x2  }
0x323: {  	[tilespmem:v9+s3+$0x0] =	vst.idx.add.f32.msk $0xffff, v7  }
0x324: {  	v9 =	vor.u32 v19, v30;
	v7 =	vld [tilespmem:s25+$0x160]  }
0x325: {  	[tilespmem:v10+s3+$0x0] =	vst.idx.add.f32.msk $0xffff, v8  }
0x326: {  	v10 =	vor.u32 v19, v46;
	v8 =	vld [tilespmem:s25+$0xFFFFFD60];
	_ =	sdelay $0x2  }
0x327: {  	[tilespmem:v9+s3+$0x0] =	vst.idx.add.f32.msk $0xffff, v7  }
0x328: {  	v9 =	vor.u32 v19, v25;
	v7 =	vld [tilespmem:s25+$0x1A0]  }
0x329: {  	[tilespmem:v10+s3+$0x0] =	vst.idx.add.f32.msk $0xffff, v8  }
0x32a: {  	v10 =	vor.u32 v19, v48;
	v8 =	vld [tilespmem:s25+$0xFFFFFDA0];
	_ =	sdelay $0x2  }
0x32b: {  	[tilespmem:v9+s3+$0x0] =	vst.idx.add.f32.msk $0xffff, v7  }
0x32c: {  	v9 =	vor.u32 v19, v63;
	v7 =	vld [tilespmem:s25+$0x1E0]  }
0x32d: {  	[tilespmem:v10+s3+$0x0] =	vst.idx.add.f32.msk $0xffff, v8  }
0x32e: {  	v10 =	vor.u32 v19, v49;
	v8 =	vld [tilespmem:s25+$0xFFFFFDE0];
	_ =	sdelay $0x2  }
0x32f: {  	[tilespmem:v9+s3+$0x0] =	vst.idx.add.f32.msk $0xffff, v7  }
0x330: {  	v7 =	vld [tilespmem:s25+$0x220]  }
0x331: {  	v9 =	vor.u32 v19, v42;
	[tilespmem:v10+s3+$0x0] =	vst.idx.add.f32.msk $0xffff, v8  }
0x332: {  	v10 =	vor.u32 v19, v51;
	v8 =	vld [tilespmem:s25+$0xFFFFFE20];
	_ =	sdelay $0x3  }
0x333: {  	[tilespmem:v9+s3+$0x0] =	vst.idx.add.f32.msk $0xffff, v7  }
0x334: {  	[tilespmem:v10+s3+$0x0] =	vst.idx.add.f32.msk $0xffff, v8  }
0x335: {  	v34 =	vld [tilespmem:$0x1FEF0];
	_ =	sdelay $0x2  }
0x336: {  	v9 =	vor.u32 v19, v41;
	v7 =	vld [tilespmem:s25+$0x260]  }
0x337: {  	v10 =	vor.u32 v19, v53;
	v8 =	vld [tilespmem:s25+$0xFFFFFE60]  }
0x338: {  	v37 =	vmov v11;
	v11 =	vor.u32 @p1 v19, v34;
	_ =	sdelay $0x2  }
0x339: {  	[tilespmem:v9+s3+$0x0] =	vst.idx.add.f32.msk $0xffff, v7  }
0x33a: {  	[tilespmem:v10+s3+$0x0] =	vst.idx.add.f32.msk $0xffff, v8  }
0x33b: {  	[tilespmem:v11+s3+$0x0] =	vst.idx.add.f32.msk @p1 $0xffff, v6  }
0x33c: {  	v33 =	vld [tilespmem:$0x1FF00];
	_ =	sdelay $0x2  }
0x33d: {  	v9 =	vor.u32 v19, v40;
	v7 =	vld [tilespmem:s25+$0x2A0]  }
0x33e: {  	v10 =	vor.u32 v19, v1;
	v8 =	vld [tilespmem:s25+$0xFFFFFEA0]  }
0x33f: {  	v6 =	vld @p1 [tilespmem:s26+$0xFFFFFEE0];
	v11 =	vor.u32 @p1 v19, v33;
	_ =	sdelay $0x2  }
0x340: {  	[tilespmem:v9+s3+$0x0] =	vst.idx.add.f32.msk $0xffff, v7  }
0x341: {  	[tilespmem:v10+s3+$0x0] =	vst.idx.add.f32.msk $0xffff, v8  }
0x342: {  	[tilespmem:v11+s3+$0x0] =	vst.idx.add.f32.msk @p1 $0xffff, v6  }
0x343: {  	v32 =	vld [tilespmem:$0x1FF10];
	_ =	sdelay $0x2  }
0x344: {  	v9 =	vor.u32 v19, v38;
	v7 =	vld [tilespmem:s25+$0x2E0]  }
0x345: {  	v10 =	vor.u32 v19, v2;
	v8 =	vld [tilespmem:s25+$0xFFFFFEE0]  }
0x346: {  	v6 =	vld @p1 [tilespmem:s26+$0xFFFFFF20];
	v11 =	vor.u32 @p1 v19, v32;
	_ =	sdelay $0x2  }
0x347: {  	[tilespmem:v9+s3+$0x0] =	vst.idx.add.f32.msk $0xffff, v7  }
0x348: {  	[tilespmem:v10+s3+$0x0] =	vst.idx.add.f32.msk $0xffff, v8  }
0x349: {  	[tilespmem:v11+s3+$0x0] =	vst.idx.add.f32.msk @p1 $0xffff, v6  }
0x34a: {  	v39 =	vld [tilespmem:$0x1FF20]  }
0x34b: {  	v9 =	vor.u32 v19, v37;
	v7 =	vld [tilespmem:s25+$0x320]  }
0x34c: {  	v10 =	vor.u32 v19, v3;
	v8 =	vld [tilespmem:s25+$0xFFFFFF20];
	_ =	sdelay $0x2  }
0x34d: {  	v6 =	vld @p1 [tilespmem:s26+$0xFFFFFF60];
	v11 =	vor.u32 @p1 v19, v39  }
0x34e: {  	[tilespmem:v9+s3+$0x0] =	vst.idx.add.f32.msk $0xffff, v7  }
0x34f: {  	[tilespmem:v10+s3+$0x0] =	vst.idx.add.f32.msk $0xffff, v8  }
0x350: {  	v7 =	vld [tilespmem:s25+$0x360]  }
0x351: {  	v9 =	vor.u32 v19, v59;
	v8 =	vld [tilespmem:s25+$0xFFFFFF60]  }
0x352: {  	v10 =	vor.u32 v19, v5;
	[tilespmem:v11+s3+$0x0] =	vst.idx.add.f32.msk @p1 $0xffff, v6  }
0x353: {  	v11 =	vor.u32 @p1 v19, v58;
	v6 =	vld @p1 [tilespmem:s26+$0xFFFFFFA0];
	_ =	sdelay $0x2  }
0x354: {  	[tilespmem:v9+s3+$0x0] =	vst.idx.add.f32.msk $0xffff, v7  }
0x355: {  	[tilespmem:v10+s3+$0x0] =	vst.idx.add.f32.msk $0xffff, v8  }
0x356: {  	[tilespmem:v11+s3+$0x0] =	vst.idx.add.f32.msk @p1 $0xffff, v6  }
0x357: {  	v0 =	vld [tilespmem:$0x1FF30];
	_ =	sdelay $0x2  }
0x358: {  	v9 =	vor.u32 v19, v43;
	v7 =	vld [tilespmem:s25+$0x3A0]  }
0x359: {  	v10 =	vor.u32 v19, v4;
	v8 =	vld [tilespmem:s25+$0xFFFFFFA0]  }
0x35a: {  	v6 =	vld @p1 [tilespmem:s26+$0xFFFFFBF0];
	v11 =	vor.u32 @p1 v20, v0;
	_ =	sdelay $0x2  }
0x35b: {  	[tilespmem:v9+s3+$0x0] =	vst.idx.add.f32.msk $0xffff, v7  }
0x35c: {  	[tilespmem:v10+s3+$0x0] =	vst.idx.add.f32.msk $0xffff, v8  }
0x35d: {  	[tilespmem:v11+s3+$0x0] =	vst.idx.add.f32.msk @p1 $0xffff, v6  }
0x35e: {  	v0 =	vld [tilespmem:$0x1FF40];
	_ =	sdelay $0x2  }
0x35f: {  	v9 =	vor.u32 v20, v31;
	v7 =	vld [tilespmem:s30+$0x0]  }
0x360: {  	v10 =	vor.u32 v20, v21;
	v8 =	vld [tilespmem:s25+$0xFFFFFBF0]  }
0x361: {  	v6 =	vld @p1 [tilespmem:s26+$0xFFFFFC30];
	v11 =	vor.u32 @p1 v20, v0;
	_ =	sdelay $0x2  }
0x362: {  	[tilespmem:v9+s3+$0x0] =	vst.idx.add.f32.msk $0xffff, v7  }
0x363: {  	[tilespmem:v10+s3+$0x0] =	vst.idx.add.f32.msk $0xffff, v8  }
0x364: {  	[tilespmem:v11+s3+$0x0] =	vst.idx.add.f32.msk @p1 $0xffff, v6  }
0x365: {  	v10 =	vld [tilespmem:$0x1FF50];
	_ =	sdelay $0x1  }
0x366: {  	v9 =	vor.u32 v20, v45;
	v7 =	vld [tilespmem:s25+$0x30]  }
0x367: {  	v45 =	vor.u32 v20, v22;
	v8 =	vld [tilespmem:s25+$0xFFFFFC30];
	_ =	sdelay $0x1  }
0x368: {  	v6 =	vld @p1 [tilespmem:s26+$0xFFFFFC70];
	v10 =	vor.u32 @p1 v20, v10;
	_ =	sdelay $0x1  }
0x369: {  	[tilespmem:v9+s3+$0x0] =	vst.idx.add.f32.msk $0xffff, v7  }
0x36a: {  	[tilespmem:v45+s3+$0x0] =	vst.idx.add.f32.msk $0xffff, v8  }
0x36b: {  	v7 =	vld [tilespmem:s25+$0x70]  }
0x36c: {  	[tilespmem:v10+s3+$0x0] =	vst.idx.add.f32.msk @p1 $0xffff, v6  }
0x36d: {  	v9 =	vor.u32 v20, v47;
	v10 =	vld [tilespmem:$0x1FF60]  }
0x36e: {  	v8 =	vor.u32 v20, v23;
	v0 =	vld [tilespmem:s25+$0xFFFFFC70];
	_ =	sdelay $0x2  }
0x36f: {  	v6 =	vld @p1 [tilespmem:s26+$0xFFFFFCB0]  }
0x370: {  	[tilespmem:v9+s3+$0x0] =	vst.idx.add.f32.msk $0xffff, v7;
	v10 =	vor.u32 @p1 v20, v10  }
0x371: {  	[tilespmem:v8+s3+$0x0] =	vst.idx.add.f32.msk $0xffff, v0  }
0x372: {  	v9 =	vor.u32 v20, v50;
	v7 =	vld [tilespmem:s25+$0xB0]  }
0x373: {  	v8 =	vor.u32 v20, v28;
	v0 =	vld [tilespmem:s25+$0xFFFFFCB0];
	_ =	sdelay $0x1  }
0x374: {  	[tilespmem:v10+s3+$0x0] =	vst.idx.add.f32.msk @p1 $0xffff, v6  }
0x375: {  	v10 =	vld [tilespmem:$0x1FF70]  }
0x376: {  	[tilespmem:v9+s3+$0x0] =	vst.idx.add.f32.msk $0xffff, v7  }
0x377: {  	[tilespmem:v8+s3+$0x0] =	vst.idx.add.f32.msk $0xffff, v0  }
0x378: {  	v9 =	vor.u32 v20, v52;
	v7 =	vld [tilespmem:s25+$0xF0]  }
0x379: {  	v8 =	vor.u32 v20, v24;
	v0 =	vld [tilespmem:s25+$0xFFFFFCF0];
	_ =	sdelay $0x2  }
0x37a: {  	v6 =	vld @p1 [tilespmem:s26+$0xFFFFFCF0]  }
0x37b: {  	v10 =	vor.u32 @p1 v20, v10;
	[tilespmem:v9+s3+$0x0] =	vst.idx.add.f32.msk $0xffff, v7  }
0x37c: {  	[tilespmem:v8+s3+$0x0] =	vst.idx.add.f32.msk $0xffff, v0  }
0x37d: {  	v9 =	vor.u32 v20, v54;
	v7 =	vld [tilespmem:s25+$0x130]  }
0x37e: {  	v8 =	vor.u32 v20, v44;
	v0 =	vld [tilespmem:s25+$0xFFFFFD30];
	_ =	sdelay $0x1  }
0x37f: {  	[tilespmem:v10+s3+$0x0] =	vst.idx.add.f32.msk @p1 $0xffff, v6  }
0x380: {  	v6 =	vld @p1 [tilespmem:s26+$0xFFFFFD30]  }
0x381: {  	v10 =	vor.u32 @p1 v20, v57;
	[tilespmem:v9+s3+$0x0] =	vst.idx.add.f32.msk $0xffff, v7  }
0x382: {  	[tilespmem:v8+s3+$0x0] =	vst.idx.add.f32.msk $0xffff, v0  }
0x383: {  	v9 =	vor.u32 v20, v30;
	v7 =	vld [tilespmem:s25+$0x170]  }
0x384: {  	v8 =	vor.u32 v20, v46;
	v0 =	vld [tilespmem:s25+$0xFFFFFD70];
	_ =	sdelay $0x1  }
0x385: {  	[tilespmem:v10+s3+$0x0] =	vst.idx.add.f32.msk @p1 $0xffff, v6  }
0x386: {  	v6 =	vld @p1 [tilespmem:s26+$0xFFFFFD70]  }
0x387: {  	v10 =	vor.u32 @p1 v20, v26;
	[tilespmem:v9+s3+$0x0] =	vst.idx.add.f32.msk $0xffff, v7  }
0x388: {  	[tilespmem:v8+s3+$0x0] =	vst.idx.add.f32.msk $0xffff, v0  }
0x389: {  	v9 =	vor.u32 v20, v25;
	v7 =	vld [tilespmem:s25+$0x1B0]  }
0x38a: {  	v8 =	vor.u32 v20, v48;
	v0 =	vld [tilespmem:s25+$0xFFFFFDB0];
	_ =	sdelay $0x1  }
0x38b: {  	[tilespmem:v10+s3+$0x0] =	vst.idx.add.f32.msk @p1 $0xffff, v6  }
0x38c: {  	v6 =	vld @p1 [tilespmem:s26+$0xFFFFFDB0]  }
0x38d: {  	v10 =	vor.u32 @p1 v20, v27;
	[tilespmem:v9+s3+$0x0] =	vst.idx.add.f32.msk $0xffff, v7  }
0x38e: {  	[tilespmem:v8+s3+$0x0] =	vst.idx.add.f32.msk $0xffff, v0  }
0x38f: {  	v9 =	vor.u32 v20, v63;
	v7 =	vld [tilespmem:s25+$0x1F0]  }
0x390: {  	v8 =	vor.u32 v20, v49;
	v0 =	vld [tilespmem:s25+$0xFFFFFDF0];
	_ =	sdelay $0x1  }
0x391: {  	[tilespmem:v10+s3+$0x0] =	vst.idx.add.f32.msk @p1 $0xffff, v6  }
0x392: {  	v6 =	vld @p1 [tilespmem:s26+$0xFFFFFDF0]  }
0x393: {  	v10 =	vor.u32 @p1 v20, v29;
	[tilespmem:v9+s3+$0x0] =	vst.idx.add.f32.msk $0xffff, v7  }
0x394: {  	[tilespmem:v8+s3+$0x0] =	vst.idx.add.f32.msk $0xffff, v0  }
0x395: {  	v9 =	vor.u32 v20, v42;
	v7 =	vld [tilespmem:s25+$0x230]  }
0x396: {  	v8 =	vor.u32 v20, v51;
	v0 =	vld [tilespmem:s25+$0xFFFFFE30];
	_ =	sdelay $0x1  }
0x397: {  	[tilespmem:v10+s3+$0x0] =	vst.idx.add.f32.msk @p1 $0xffff, v6  }
0x398: {  	v6 =	vld @p1 [tilespmem:s26+$0xFFFFFE30]  }
0x399: {  	v10 =	vor.u32 @p1 v20, v60;
	[tilespmem:v9+s3+$0x0] =	vst.idx.add.f32.msk $0xffff, v7  }
0x39a: {  	[tilespmem:v8+s3+$0x0] =	vst.idx.add.f32.msk $0xffff, v0  }
0x39b: {  	v9 =	vor.u32 v20, v41;
	v7 =	vld [tilespmem:s25+$0x270]  }
0x39c: {  	v8 =	vor.u32 v20, v53;
	v0 =	vld [tilespmem:s25+$0xFFFFFE70];
	_ =	sdelay $0x1  }
0x39d: {  	[tilespmem:v10+s3+$0x0] =	vst.idx.add.f32.msk @p1 $0xffff, v6  }
0x39e: {  	v6 =	vld @p1 [tilespmem:s26+$0xFFFFFE70]  }
0x39f: {  	v10 =	vor.u32 @p1 v20, v61;
	[tilespmem:v9+s3+$0x0] =	vst.idx.add.f32.msk $0xffff, v7  }
0x3a0: {  	[tilespmem:v8+s3+$0x0] =	vst.idx.add.f32.msk $0xffff, v0  }
0x3a1: {  	v9 =	vor.u32 v20, v40;
	v7 =	vld [tilespmem:s25+$0x2B0]  }
0x3a2: {  	v51 =	vor.u32 v20, v1;
	v0 =	vld [tilespmem:s25+$0xFFFFFEB0];
	_ =	sdelay $0x1  }
0x3a3: {  	[tilespmem:v10+s3+$0x0] =	vst.idx.add.f32.msk @p1 $0xffff, v6  }
0x3a4: {  	v6 =	vld @p1 [tilespmem:s26+$0xFFFFFEB0]  }
0x3a5: {  	v10 =	vor.u32 @p1 v20, v34;
	[tilespmem:v9+s3+$0x0] =	vst.idx.add.f32.msk $0xffff, v7  }
0x3a6: {  	[tilespmem:v51+s3+$0x0] =	vst.idx.add.f32.msk $0xffff, v0  }
0x3a7: {  	v9 =	vor.u32 v20, v38;
	v7 =	vld [tilespmem:s25+$0x2F0]  }
0x3a8: {  	v52 =	vor.u32 v20, v2;
	v0 =	vld [tilespmem:s25+$0xFFFFFEF0];
	_ =	sdelay $0x1  }
0x3a9: {  	[tilespmem:v10+s3+$0x0] =	vst.idx.add.f32.msk @p1 $0xffff, v6  }
0x3aa: {  	v8 =	vor.u32 @p1 v20, v33;
	v6 =	vld @p1 [tilespmem:s26+$0xFFFFFEF0]  }
0x3ab: {  	[tilespmem:v9+s3+$0x0] =	vst.idx.add.f32.msk $0xffff, v7  }
0x3ac: {  	[tilespmem:v52+s3+$0x0] =	vst.idx.add.f32.msk $0xffff, v0  }
0x3ad: {  	v53 =	vor.u32 v20, v3;
	v0 =	vld [tilespmem:s25+$0xFFFFFF30]  }
0x3ae: {  	v7 =	vld [tilespmem:s25+$0x330]  }
0x3af: {  	[tilespmem:v8+s3+$0x0] =	vst.idx.add.f32.msk @p1 $0xffff, v6;
	v8 =	vor.u32 v20, v37  }
0x3b0: {  	v6 =	vor.u32 @p1 v20, v32;
	v2 =	vld @p1 [tilespmem:s26+$0xFFFFFF30];
	_ =	sdelay $0x1  }
0x3b1: {  	[tilespmem:v53+s3+$0x0] =	vst.idx.add.f32.msk $0xffff, v0  }
0x3b2: {  	v0 =	vld [tilespmem:s25+$0xFFFFFF70]  }
0x3b3: {  	v57 =	vor.u32 v20, v59;
	v59 =	vor.u32 v20, v5;
	[tilespmem:v8+s3+$0x0] =	vst.idx.add.f32.msk $0xffff, v7  }
0x3b4: {  	[tilespmem:v6+s3+$0x0] =	vst.idx.add.f32.msk @p1 $0xffff, v2  }
0x3b5: {  	v54 =	vld [tilespmem:s25+$0x370]  }
0x3b6: {  	v3 =	vor.u32 @p1 v20, v39;
	v2 =	vld @p1 [tilespmem:s26+$0xFFFFFF70];
	_ =	sdelay $0x1  }
0x3b7: {  	[tilespmem:v59+s3+$0x0] =	vst.idx.add.f32.msk $0xffff, v0  }
0x3b8: {  	v0 =	vld [tilespmem:s25+$0xFFFFFFB0]  }
0x3b9: {  	[tilespmem:v57+s3+$0x0] =	vst.idx.add.f32.msk $0xffff, v54  }
0x3ba: {  	v63 =	vor.u32 v20, v4;
	[tilespmem:v3+s3+$0x0] =	vst.idx.add.f32.msk @p1 $0xffff, v2  }
0x3bb: {  	v61 =	vor.u32 v20, v43;
	v60 =	vld [tilespmem:s25+$0x3B0]  }
0x3bc: {  	v3 =	vor.u32 @p1 v20, v58;
	v2 =	vld @p1 [tilespmem:s26+$0xFFFFFFB0];
	_ =	sdelay $0x2  }
0x3bd: {  	v11 =	vimm.s32 $0x8;
	[tilespmem:v63+s3+$0x0] =	vst.idx.add.f32.msk $0xffff, v0  }
0x3be: {  	v30 =	vimm.s32 $0xC;
	v29 =	vimm.s32 $0x9;
	v33 =	vimm.s32 $0xE;
	[tilespmem:v61+s3+$0x0] =	vst.idx.add.f32.msk $0xffff, v60  }
0x3bf: {  	v32 =	vimm.s32 $0xD;
	v53 =	vimm.s32 $0xB;
	v58 =	vimm.s32 $0xA;
	[tilespmem:v3+s3+$0x0] =	vst.idx.add.f32.msk @p1 $0xffff, v2  }
.LBB2_8:
0x3c0: {  	p1 =	sgt.s32 s24, $0x1F  }
.Ltmp7:
0x3c1: {  	_ = 	snop;
	(pc) =	sbr.rel @p1 .LBB2_4-.Ltmp7, $1  }
0x3c2: {  	_ =	sdelay $0x3  }
0x3c3: {  	s0 =	sshll.u32 s24, $0x6  }
0x3c4: {  	s4 =	sshll.u32 s23, $0x9;
	s0 =	sshra.s32 s0, $0x2  }
0x3c5: {  	s0 =	sadd.s32 s0, s4  }
0x3c6: {  	v7 =	vld [tilespmem:s0+$0x14000];
	_ =	sdelay $0x4  }
0x3c7: {  	s29 =	sshll.u32 s24, $0xC;
	v0 =	vperm.xlane v7, v13  }
0x3c8: {  	s30 =	sshll.u32 s23, $0xF;
	s0 =	sshra.s32 s29, $0x2  }
0x3c9: {  	s0 =	sadd.s32 s0, s30;
	v0 =	vshll.u32 v0, $0x6  }
0x3ca: {  	v1 =	vld [tilespmem:s0+$0x4000];
	v2 =	vor.u32 v17, v0;
	_ =	sdelay $0x2  }
0x3cb: {  	v3 =	vperm.xlane v7, v14;
	_ =	sdelay $0x1  }
0x3cc: {  	v39 =	vshll.u32 v3, $0x6;
	[tilespmem:v2+s3+$0x0] =	vst.idx.add.f32.msk $0xffff, v1  }
0x3cd: {  	v3 =	vor.u32 v17, v39;
	v2 =	vld [tilespmem:s0+$0x4040];
	_ =	sdelay $0x2  }
0x3ce: {  	v4 =	vperm.xlane v7, v15;
	_ =	sdelay $0x1  }
0x3cf: {  	v40 =	vshll.u32 v4, $0x6;
	[tilespmem:v3+s3+$0x0] =	vst.idx.add.f32.msk $0xffff, v2  }
0x3d0: {  	v4 =	vor.u32 v17, v40;
	v3 =	vld [tilespmem:s0+$0x4080];
	_ =	sdelay $0x2  }
0x3d1: {  	v5 =	vperm.xlane v7, v16;
	_ =	sdelay $0x1  }
0x3d2: {  	v41 =	vshll.u32 v5, $0x6;
	[tilespmem:v4+s3+$0x0] =	vst.idx.add.f32.msk $0xffff, v3  }
0x3d3: {  	v5 =	vor.u32 v17, v41;
	v4 =	vld [tilespmem:s0+$0x40C0];
	_ =	sdelay $0x2  }
0x3d4: {  	v6 =	vperm.xlane v7, v62;
	_ =	sdelay $0x1  }
0x3d5: {  	v42 =	vshll.u32 v6, $0x6;
	[tilespmem:v5+s3+$0x0] =	vst.idx.add.f32.msk $0xffff, v4  }
0x3d6: {  	v6 =	vor.u32 v17, v42;
	v5 =	vld [tilespmem:s0+$0x4100];
	_ =	sdelay $0x2  }
0x3d7: {  	v8 =	vperm.xlane v7, v36;
	_ =	sdelay $0x1  }
0x3d8: {  	v43 =	vshll.u32 v8, $0x6;
	[tilespmem:v6+s3+$0x0] =	vst.idx.add.f32.msk $0xffff, v5  }
0x3d9: {  	v8 =	vor.u32 v17, v43;
	v6 =	vld [tilespmem:s0+$0x4140];
	_ =	sdelay $0x2  }
0x3da: {  	v9 =	vperm.xlane v7, v55;
	_ =	sdelay $0x1  }
0x3db: {  	v44 =	vshll.u32 v9, $0x6;
	[tilespmem:v8+s3+$0x0] =	vst.idx.add.f32.msk $0xffff, v6  }
0x3dc: {  	v9 =	vor.u32 v17, v44;
	v8 =	vld [tilespmem:s0+$0x4180];
	_ =	sdelay $0x2  }
0x3dd: {  	v10 =	vperm.xlane v7, v56;
	_ =	sdelay $0x1  }
0x3de: {  	v21 =	vshll.u32 v10, $0x6;
	[tilespmem:v9+s3+$0x0] =	vst.idx.add.f32.msk $0xffff, v8  }
0x3df: {  	v9 =	vor.u32 v17, v21;
	v8 =	vld [tilespmem:s0+$0x41C0];
	_ =	sdelay $0x2  }
0x3e0: {  	v10 =	vperm.xlane v7, v11;
	_ =	sdelay $0x1  }
0x3e1: {  	v22 =	vshll.u32 v10, $0x6;
	[tilespmem:v9+s3+$0x0] =	vst.idx.add.f32.msk $0xffff, v8  }
0x3e2: {  	v9 =	vor.u32 v17, v22;
	v8 =	vld [tilespmem:s0+$0x4200];
	_ =	sdelay $0x2  }
0x3e3: {  	v10 =	vperm.xlane v7, v29;
	_ =	sdelay $0x1  }
0x3e4: {  	v23 =	vshll.u32 v10, $0x6;
	[tilespmem:v9+s3+$0x0] =	vst.idx.add.f32.msk $0xffff, v8  }
0x3e5: {  	v9 =	vor.u32 v17, v23;
	v8 =	vld [tilespmem:s0+$0x4240];
	_ =	sdelay $0x2  }
0x3e6: {  	v10 =	vperm.xlane v7, v58;
	_ =	sdelay $0x1  }
0x3e7: {  	v24 =	vshll.u32 v10, $0x6;
	[tilespmem:v9+s3+$0x0] =	vst.idx.add.f32.msk $0xffff, v8  }
0x3e8: {  	v9 =	vor.u32 v17, v24;
	v8 =	vld [tilespmem:s0+$0x4280];
	_ =	sdelay $0x2  }
0x3e9: {  	v10 =	vperm.xlane v7, v53;
	_ =	sdelay $0x1  }
0x3ea: {  	v25 =	vshll.u32 v10, $0x6;
	[tilespmem:v9+s3+$0x0] =	vst.idx.add.f32.msk $0xffff, v8  }
0x3eb: {  	v9 =	vor.u32 v17, v25;
	v8 =	vld [tilespmem:s0+$0x42C0];
	_ =	sdelay $0x2  }
0x3ec: {  	v10 =	vperm.xlane v7, v30;
	_ =	sdelay $0x1  }
0x3ed: {  	v26 =	vshll.u32 v10, $0x6;
	[tilespmem:v9+s3+$0x0] =	vst.idx.add.f32.msk $0xffff, v8  }
0x3ee: {  	v9 =	vor.u32 v17, v26;
	v8 =	vld [tilespmem:s0+$0x4300];
	_ =	sdelay $0x2  }
0x3ef: {  	v10 =	vperm.xlane v7, v32;
	_ =	sdelay $0x1  }
0x3f0: {  	v27 =	vshll.u32 v10, $0x6;
	[tilespmem:v9+s3+$0x0] =	vst.idx.add.f32.msk $0xffff, v8  }
0x3f1: {  	v9 =	vor.u32 v17, v27;
	v8 =	vld [tilespmem:s0+$0x4340];
	_ =	sdelay $0x2  }
0x3f2: {  	v10 =	vperm.xlane v7, v33;
	_ =	sdelay $0x1  }
0x3f3: {  	v28 =	vshll.u32 v10, $0x6;
	[tilespmem:v9+s3+$0x0] =	vst.idx.add.f32.msk $0xffff, v8  }
0x3f4: {  	v9 =	vor.u32 v17, v28;
	v8 =	vld [tilespmem:s0+$0x4380];
	_ =	sdelay $0x2  }
0x3f5: {  	v7 =	vperm.xlane v7, v35;
	_ =	sdelay $0x1  }
0x3f6: {  	v7 =	vshll.u32 v7, $0x6;
	[tilespmem:v9+s3+$0x0] =	vst.idx.add.f32.msk $0xffff, v8  }
0x3f7: {  	v9 =	vor.u32 v17, v7;
	v8 =	vld [tilespmem:s0+$0x43C0];
	_ =	sdelay $0x4  }
0x3f8: {  	[tilespmem:v9+s3+$0x0] =	vst.idx.add.f32.msk $0xffff, v8  }
0x3f9: {  	v9 =	vor.u32 v18, v0;
	v8 =	vld [tilespmem:s0+$0x4010];
	_ =	sdelay $0x4  }
0x3fa: {  	[tilespmem:v9+s3+$0x0] =	vst.idx.add.f32.msk $0xffff, v8  }
0x3fb: {  	v9 =	vor.u32 v18, v39;
	v8 =	vld [tilespmem:s0+$0x4050];
	_ =	sdelay $0x4  }
0x3fc: {  	[tilespmem:v9+s3+$0x0] =	vst.idx.add.f32.msk $0xffff, v8  }
0x3fd: {  	v9 =	vor.u32 v18, v40;
	v8 =	vld [tilespmem:s0+$0x4090];
	_ =	sdelay $0x4  }
0x3fe: {  	[tilespmem:v9+s3+$0x0] =	vst.idx.add.f32.msk $0xffff, v8  }
0x3ff: {  	v9 =	vor.u32 v18, v41;
	v8 =	vld [tilespmem:s0+$0x40D0];
	_ =	sdelay $0x4  }
0x400: {  	[tilespmem:v9+s3+$0x0] =	vst.idx.add.f32.msk $0xffff, v8  }
0x401: {  	v9 =	vor.u32 v18, v42;
	v8 =	vld [tilespmem:s0+$0x4110];
	_ =	sdelay $0x4  }
0x402: {  	[tilespmem:v9+s3+$0x0] =	vst.idx.add.f32.msk $0xffff, v8  }
0x403: {  	v9 =	vor.u32 v18, v43;
	v8 =	vld [tilespmem:s0+$0x4150];
	_ =	sdelay $0x4  }
0x404: {  	[tilespmem:v9+s3+$0x0] =	vst.idx.add.f32.msk $0xffff, v8  }
0x405: {  	v9 =	vor.u32 v18, v44;
	v8 =	vld [tilespmem:s0+$0x4190];
	_ =	sdelay $0x4  }
0x406: {  	[tilespmem:v9+s3+$0x0] =	vst.idx.add.f32.msk $0xffff, v8  }
0x407: {  	v9 =	vor.u32 v18, v21;
	v8 =	vld [tilespmem:s0+$0x41D0];
	_ =	sdelay $0x4  }
0x408: {  	[tilespmem:v9+s3+$0x0] =	vst.idx.add.f32.msk $0xffff, v8  }
0x409: {  	v9 =	vor.u32 v18, v22;
	v8 =	vld [tilespmem:s0+$0x4210];
	_ =	sdelay $0x4  }
0x40a: {  	[tilespmem:v9+s3+$0x0] =	vst.idx.add.f32.msk $0xffff, v8  }
0x40b: {  	v9 =	vor.u32 v18, v23;
	v8 =	vld [tilespmem:s0+$0x4250];
	_ =	sdelay $0x4  }
0x40c: {  	[tilespmem:v9+s3+$0x0] =	vst.idx.add.f32.msk $0xffff, v8  }
0x40d: {  	v9 =	vor.u32 v18, v24;
	v8 =	vld [tilespmem:s0+$0x4290];
	_ =	sdelay $0x4  }
0x40e: {  	[tilespmem:v9+s3+$0x0] =	vst.idx.add.f32.msk $0xffff, v8  }
0x40f: {  	v9 =	vor.u32 v18, v25;
	v8 =	vld [tilespmem:s0+$0x42D0];
	_ =	sdelay $0x4  }
0x410: {  	[tilespmem:v9+s3+$0x0] =	vst.idx.add.f32.msk $0xffff, v8  }
0x411: {  	v9 =	vor.u32 v18, v26;
	v8 =	vld [tilespmem:s0+$0x4310];
	_ =	sdelay $0x4  }
0x412: {  	[tilespmem:v9+s3+$0x0] =	vst.idx.add.f32.msk $0xffff, v8  }
0x413: {  	v9 =	vor.u32 v18, v27;
	v8 =	vld [tilespmem:s0+$0x4350];
	_ =	sdelay $0x4  }
0x414: {  	[tilespmem:v9+s3+$0x0] =	vst.idx.add.f32.msk $0xffff, v8  }
0x415: {  	v9 =	vor.u32 v18, v28;
	v8 =	vld [tilespmem:s0+$0x4390];
	_ =	sdelay $0x4  }
0x416: {  	[tilespmem:v9+s3+$0x0] =	vst.idx.add.f32.msk $0xffff, v8  }
0x417: {  	v9 =	vor.u32 v18, v7;
	v8 =	vld [tilespmem:s0+$0x43D0];
	_ =	sdelay $0x4  }
0x418: {  	[tilespmem:v9+s3+$0x0] =	vst.idx.add.f32.msk $0xffff, v8  }
0x419: {  	v9 =	vor.u32 v19, v0;
	v8 =	vld [tilespmem:s0+$0x4020];
	_ =	sdelay $0x4  }
0x41a: {  	[tilespmem:v9+s3+$0x0] =	vst.idx.add.f32.msk $0xffff, v8  }
0x41b: {  	v9 =	vor.u32 v19, v39;
	v8 =	vld [tilespmem:s0+$0x4060];
	_ =	sdelay $0x4  }
0x41c: {  	[tilespmem:v9+s3+$0x0] =	vst.idx.add.f32.msk $0xffff, v8  }
0x41d: {  	v9 =	vor.u32 v19, v40;
	v8 =	vld [tilespmem:s0+$0x40A0];
	_ =	sdelay $0x4  }
0x41e: {  	[tilespmem:v9+s3+$0x0] =	vst.idx.add.f32.msk $0xffff, v8  }
0x41f: {  	v9 =	vor.u32 v19, v41;
	v8 =	vld [tilespmem:s0+$0x40E0];
	_ =	sdelay $0x4  }
0x420: {  	[tilespmem:v9+s3+$0x0] =	vst.idx.add.f32.msk $0xffff, v8  }
0x421: {  	v9 =	vor.u32 v19, v42;
	v8 =	vld [tilespmem:s0+$0x4120];
	_ =	sdelay $0x4  }
0x422: {  	[tilespmem:v9+s3+$0x0] =	vst.idx.add.f32.msk $0xffff, v8  }
0x423: {  	v9 =	vor.u32 v19, v43;
	v8 =	vld [tilespmem:s0+$0x4160];
	_ =	sdelay $0x4  }
0x424: {  	[tilespmem:v9+s3+$0x0] =	vst.idx.add.f32.msk $0xffff, v8  }
0x425: {  	v9 =	vor.u32 v19, v44;
	v8 =	vld [tilespmem:s0+$0x41A0];
	_ =	sdelay $0x4  }
0x426: {  	[tilespmem:v9+s3+$0x0] =	vst.idx.add.f32.msk $0xffff, v8  }
0x427: {  	v9 =	vor.u32 v19, v21;
	v8 =	vld [tilespmem:s0+$0x41E0];
	_ =	sdelay $0x4  }
0x428: {  	[tilespmem:v9+s3+$0x0] =	vst.idx.add.f32.msk $0xffff, v8  }
0x429: {  	v9 =	vor.u32 v19, v22;
	v8 =	vld [tilespmem:s0+$0x4220];
	_ =	sdelay $0x4  }
0x42a: {  	[tilespmem:v9+s3+$0x0] =	vst.idx.add.f32.msk $0xffff, v8  }
0x42b: {  	v9 =	vor.u32 v19, v23;
	v8 =	vld [tilespmem:s0+$0x4260];
	_ =	sdelay $0x4  }
0x42c: {  	[tilespmem:v9+s3+$0x0] =	vst.idx.add.f32.msk $0xffff, v8  }
0x42d: {  	v9 =	vor.u32 v19, v24;
	v8 =	vld [tilespmem:s0+$0x42A0];
	_ =	sdelay $0x4  }
0x42e: {  	[tilespmem:v9+s3+$0x0] =	vst.idx.add.f32.msk $0xffff, v8  }
0x42f: {  	v9 =	vor.u32 v19, v25;
	v8 =	vld [tilespmem:s0+$0x42E0];
	_ =	sdelay $0x4  }
0x430: {  	[tilespmem:v9+s3+$0x0] =	vst.idx.add.f32.msk $0xffff, v8  }
0x431: {  	v9 =	vor.u32 v19, v26;
	v8 =	vld [tilespmem:s0+$0x4320];
	_ =	sdelay $0x4  }
0x432: {  	[tilespmem:v9+s3+$0x0] =	vst.idx.add.f32.msk $0xffff, v8  }
0x433: {  	v9 =	vor.u32 v19, v27;
	v8 =	vld [tilespmem:s0+$0x4360];
	_ =	sdelay $0x4  }
0x434: {  	[tilespmem:v9+s3+$0x0] =	vst.idx.add.f32.msk $0xffff, v8  }
0x435: {  	v9 =	vor.u32 v19, v28;
	v8 =	vld [tilespmem:s0+$0x43A0];
	_ =	sdelay $0x4  }
0x436: {  	[tilespmem:v9+s3+$0x0] =	vst.idx.add.f32.msk $0xffff, v8  }
0x437: {  	v9 =	vor.u32 v19, v7;
	v8 =	vld [tilespmem:s0+$0x43E0];
	_ =	sdelay $0x4  }
0x438: {  	[tilespmem:v9+s3+$0x0] =	vst.idx.add.f32.msk $0xffff, v8  }
0x439: {  	v0 =	vor.u32 v20, v0;
	v8 =	vld [tilespmem:s0+$0x4030];
	_ =	sdelay $0x4  }
0x43a: {  	[tilespmem:v0+s3+$0x0] =	vst.idx.add.f32.msk $0xffff, v8  }
0x43b: {  	v1 =	vor.u32 v20, v39;
	v0 =	vld [tilespmem:s0+$0x4070];
	_ =	sdelay $0x4  }
0x43c: {  	[tilespmem:v1+s3+$0x0] =	vst.idx.add.f32.msk $0xffff, v0  }
0x43d: {  	v45 =	vor.u32 v20, v40;
	v0 =	vld [tilespmem:s0+$0x40B0];
	_ =	sdelay $0x4  }
0x43e: {  	[tilespmem:v45+s3+$0x0] =	vst.idx.add.f32.msk $0xffff, v0  }
0x43f: {  	v46 =	vor.u32 v20, v41;
	v0 =	vld [tilespmem:s0+$0x40F0];
	_ =	sdelay $0x4  }
0x440: {  	[tilespmem:v46+s3+$0x0] =	vst.idx.add.f32.msk $0xffff, v0  }
0x441: {  	v47 =	vor.u32 v20, v42;
	v0 =	vld [tilespmem:s0+$0x4130];
	_ =	sdelay $0x4  }
0x442: {  	[tilespmem:v47+s3+$0x0] =	vst.idx.add.f32.msk $0xffff, v0  }
0x443: {  	v48 =	vor.u32 v20, v43;
	v0 =	vld [tilespmem:s0+$0x4170];
	_ =	sdelay $0x4  }
0x444: {  	[tilespmem:v48+s3+$0x0] =	vst.idx.add.f32.msk $0xffff, v0  }
0x445: {  	v49 =	vor.u32 v20, v44;
	v0 =	vld [tilespmem:s0+$0x41B0];
	_ =	sdelay $0x4  }
0x446: {  	[tilespmem:v49+s3+$0x0] =	vst.idx.add.f32.msk $0xffff, v0  }
0x447: {  	v50 =	vor.u32 v20, v21;
	v0 =	vld [tilespmem:s0+$0x41F0];
	_ =	sdelay $0x4  }
0x448: {  	[tilespmem:v50+s3+$0x0] =	vst.idx.add.f32.msk $0xffff, v0  }
0x449: {  	v51 =	vor.u32 v20, v22;
	v0 =	vld [tilespmem:s0+$0x4230];
	_ =	sdelay $0x4  }
0x44a: {  	[tilespmem:v51+s3+$0x0] =	vst.idx.add.f32.msk $0xffff, v0  }
0x44b: {  	v52 =	vor.u32 v20, v23;
	v0 =	vld [tilespmem:s0+$0x4270];
	_ =	sdelay $0x4  }
0x44c: {  	[tilespmem:v52+s3+$0x0] =	vst.idx.add.f32.msk $0xffff, v0  }
0x44d: {  	v54 =	vor.u32 v20, v24;
	v0 =	vld [tilespmem:s0+$0x42B0];
	_ =	sdelay $0x4  }
0x44e: {  	[tilespmem:v54+s3+$0x0] =	vst.idx.add.f32.msk $0xffff, v0  }
0x44f: {  	v57 =	vor.u32 v20, v25;
	v0 =	vld [tilespmem:s0+$0x42F0];
	_ =	sdelay $0x4  }
0x450: {  	[tilespmem:v57+s3+$0x0] =	vst.idx.add.f32.msk $0xffff, v0  }
0x451: {  	v59 =	vor.u32 v20, v26;
	v0 =	vld [tilespmem:s0+$0x4330];
	_ =	sdelay $0x4  }
0x452: {  	[tilespmem:v59+s3+$0x0] =	vst.idx.add.f32.msk $0xffff, v0  }
0x453: {  	v60 =	vor.u32 v20, v27;
	v0 =	vld [tilespmem:s0+$0x4370];
	_ =	sdelay $0x4  }
0x454: {  	[tilespmem:v60+s3+$0x0] =	vst.idx.add.f32.msk $0xffff, v0  }
0x455: {  	v61 =	vor.u32 v20, v28;
	v0 =	vld [tilespmem:s0+$0x43B0];
	_ =	sdelay $0x4  }
0x456: {  	[tilespmem:v61+s3+$0x0] =	vst.idx.add.f32.msk $0xffff, v0  }
0x457: {  	v63 =	vor.u32 v20, v7;
	v0 =	vld [tilespmem:s0+$0x43F0]  }
.Ltmp8:
0x458: {  	_ = 	snop;
	(pc) =	sbr.rel .LBB2_4-.Ltmp8, $2  }
0x459: {  	_ =	sdelay $0x2  }
0x45a: {  	[tilespmem:v63+s3+$0x0] =	vst.idx.add.f32.msk $0xffff, v0  }
.LBB2_7:
0x45b: {  	v53 =	vmov v0  }
0x45c: {  	_ = 	snop  }
0x45d: {  	_ = 	snop  }
0x45e: {  	_ = 	snop  }
.Ltmp9:
0x45f: {  	(pc) =	sbr.rel .LBB2_14-.Ltmp9, $4  }
0x460: {  	_ = 	snop  }
0x461: {  	_ = 	snop  }
0x462: {  	_ = 	snop  }
0x463: {  	s25 =	smov.u32 s26;
	v44 =	vmov v27;
	v51 =	vmov v60;
	v30 =	vmov v26;
	s30 =	smov.u32 s0  }
.LBB2_11:
0x464: {  	[tilespmem:$0x1FEF0] =	vst v1  }
0x465: {  	[tilespmem:$0x1FF00] =	vst v2  }
0x466: {  	[tilespmem:$0x1FF10] =	vst v3  }
0x467: {  	[tilespmem:$0x1FF40] =	vst v59  }
0x468: {  	[tilespmem:$0x1FF60] =	vst v30;
	v30 =	vmov v43  }
0x469: {  	[tilespmem:$0x1FF70] =	vst v0;
	v25 =	vmovc v45;
	v63 =	vmovc v47;
	v12 =	vmov v50;
	v0 =	vmov v52;
	v1 =	vmov v32  }
.Ltmp10:
0x46a: {  	[tilespmem:$0x1FF50] =	vst v24;
	v11 =	vmovc v56;
	v2 =	vmovc v33;
	v59 =	vmov v57;
	v3 =	vmov v34;
	v24 =	vmov v31;
	(pc) =	sbr.rel .LBB2_14-.Ltmp10, $4  }
0x46b: {  	[tilespmem:$0x1FF20] =	vst v5;
	v43 =	vmovc v58;
	v58 =	vmovc v4;
	v5 =	vmov v35;
	v31 =	vmov v37;
	v4 =	vmov v36  }
0x46c: {  	v45 =	vmovc v38;
	v38 =	vmovc v55;
	v47 =	vmov v39;
	v50 =	vmov v40;
	v40 =	vmov v54;
	v26 =	vld [tilespmem:$0x1FF80]  }
0x46d: {  	v52 =	vmovc v41;
	v54 =	vmovc v42;
	v36 =	vimm.s32 $0x5;
	v55 =	vimm.s32 $0x6;
	v57 =	vmov v27;
	v27 =	vld [tilespmem:$0x1FF90]  }
0x46e: {  	[tilespmem:$0x1FF30] =	vst v29;
	s0 =	smov.u32 s28;
	s30 =	smov.u32 s28;
	s31 =	simm.s32 $0x14AF0;
	v56 =	vimm.s32 $0x7;
	v35 =	vimm.s32 $0xF;
	v29 =	vld [tilespmem:$0x1FFA0];
	v41 =	vmovc v0;
	v42 =	vmovc v12;
	v12 =	vimm.f32 $0.0e+00  }
.LBB2_15:
0x46f: {  	s0 =	sld [smem:$0x7EA];
	_ =	sdelay $0x2  }
0x470: {  	[spmem:s0] =	stream.linear.scatter [tilespmem:s3], [sflag:$0x5], $0x4000, $0x38;
	[tilespmem:$0x18C00] =	vst v63  }
0x471: {  	s23 =	simm.s32 $0x14A80;
	s24 =	simm.s32 $0x14A90;
	_ =	swait.ge [sflag:s19], $0x4000  }
0x472: {  	s25 =	simm.s32 $0x14AA0;
	s26 =	simm.s32 $0x14AB0;
	[sflag:s19] =	ssyncset.done $0x0  }
0x473: {  	s28 =	simm.s32 $0x14AC0;
	s29 =	simm.s32 $0x14AD0;
	[sflag:s19] =	ssyncadd.s32 $0xFFFFC000  }
0x474: {  	s30 =	simm.s32 $0x14AE0;
	s7 =	simm.s32 $0x14BD0;
	[bflag:$0x0] =	sbarrier.arrive $0xFFFF  }
0x475: {  	[tilespmem:s1], [sflag:$0x5] =	stream.linear.gather [spmem:s12], $0x400, $0x38;
	[tilespmem:$0x18C00] =	vst v63  }
0x476: {  	s6 =	simm.s32 $0x14BE0;
	s8 =	simm.s32 $0x14BF0;
	_ =	swait.ge [sflag:s19], $0x400  }
0x477: {  	s2 =	simm.s32 $0x14BA0;
	s5 =	simm.s32 $0x14800;
	[sflag:s19] =	ssyncset.done $0x0  }
0x478: {  	s0 =	simm.s32 $0x10000;
	s1 =	simm.s32 $0x14B90;
	[sflag:s19] =	ssyncadd.s32 $0xFFFFFC00  }
.LBB2_16:
0x479: {  	s22 =	sshra.s32 s0, $0x2  }
0x47a: {  	s4 =	rddreg [dreg:$0x5];
	s22 =	sadd.s32 s22, s12  }
0x47b: {  	[tilespmem:s4], [sflag:$0x5] =	stream.linear.gather [spmem:s22], $0x400, $0x38;
	[tilespmem:$0x18C00] =	vst v63  }
0x47c: {  	_ =	swait.ge [sflag:s19], $0x400  }
0x47d: {  	[sflag:s19] =	ssyncset.done $0x0  }
0x47e: {  	[sflag:s19] =	ssyncadd.s32 $0xFFFFFC00  }
0x47f: {  	v0 =	vld [tilespmem:$0x14400];
	_ =	sdelay $0x4  }
0x480: {  	[tilespmem:s5+$0x0] =	vst.add.f32.msk $0xffff, v0  }
0x481: {  	v0 =	vld [tilespmem:$0x14410];
	_ =	sdelay $0x3  }
0x482: {  	s22 =	rddreg [dreg:$0x6]  }
0x483: {  	[tilespmem:s22+$0x0] =	vst.add.f32.msk $0xffff, v0  }
0x484: {  	v0 =	vld [tilespmem:$0x14420];
	_ =	sdelay $0x3  }
0x485: {  	s22 =	rddreg [dreg:$0x7]  }
0x486: {  	[tilespmem:s22+$0x0] =	vst.add.f32.msk $0xffff, v0  }
0x487: {  	v0 =	vld [tilespmem:$0x14430];
	_ =	sdelay $0x3  }
0x488: {  	s22 =	rddreg [dreg:$0x8]  }
0x489: {  	[tilespmem:s22+$0x0] =	vst.add.f32.msk $0xffff, v0  }
0x48a: {  	v0 =	vld [tilespmem:$0x14440];
	_ =	sdelay $0x3  }
0x48b: {  	s22 =	rddreg [dreg:$0x9]  }
0x48c: {  	[tilespmem:s22+$0x0] =	vst.add.f32.msk $0xffff, v0  }
0x48d: {  	v0 =	vld [tilespmem:$0x14450];
	_ =	sdelay $0x3  }
0x48e: {  	s22 =	rddreg [dreg:$0xa]  }
0x48f: {  	[tilespmem:s22+$0x0] =	vst.add.f32.msk $0xffff, v0  }
0x490: {  	v0 =	vld [tilespmem:$0x14460];
	_ =	sdelay $0x3  }
0x491: {  	s22 =	rddreg [dreg:$0xb]  }
0x492: {  	[tilespmem:s22+$0x0] =	vst.add.f32.msk $0xffff, v0  }
0x493: {  	v0 =	vld [tilespmem:$0x14470];
	_ =	sdelay $0x3  }
0x494: {  	s22 =	rddreg [dreg:$0xc]  }
0x495: {  	[tilespmem:s22+$0x0] =	vst.add.f32.msk $0xffff, v0  }
0x496: {  	v0 =	vld [tilespmem:$0x14480];
	_ =	sdelay $0x3  }
0x497: {  	s22 =	rddreg [dreg:$0xd]  }
0x498: {  	[tilespmem:s22+$0x0] =	vst.add.f32.msk $0xffff, v0  }
0x499: {  	v0 =	vld [tilespmem:$0x14490];
	_ =	sdelay $0x3  }
0x49a: {  	s22 =	rddreg [dreg:$0xe]  }
0x49b: {  	[tilespmem:s22+$0x0] =	vst.add.f32.msk $0xffff, v0  }
0x49c: {  	v0 =	vld [tilespmem:$0x144A0];
	_ =	sdelay $0x3  }
0x49d: {  	s22 =	rddreg [dreg:$0xf]  }
0x49e: {  	[tilespmem:s22+$0x0] =	vst.add.f32.msk $0xffff, v0  }
0x49f: {  	v0 =	vld [tilespmem:$0x144B0];
	_ =	sdelay $0x3  }
0x4a0: {  	s22 =	rddreg [dreg:$0x10]  }
0x4a1: {  	[tilespmem:s22+$0x0] =	vst.add.f32.msk $0xffff, v0  }
0x4a2: {  	v0 =	vld [tilespmem:$0x144C0];
	_ =	sdelay $0x3  }
0x4a3: {  	s22 =	rddreg [dreg:$0x11]  }
0x4a4: {  	[tilespmem:s22+$0x0] =	vst.add.f32.msk $0xffff, v0  }
0x4a5: {  	v0 =	vld [tilespmem:$0x144D0];
	_ =	sdelay $0x3  }
0x4a6: {  	s22 =	rddreg [dreg:$0x12]  }
0x4a7: {  	[tilespmem:s22+$0x0] =	vst.add.f32.msk $0xffff, v0  }
0x4a8: {  	v0 =	vld [tilespmem:$0x144E0];
	_ =	sdelay $0x3  }
0x4a9: {  	s22 =	rddreg [dreg:$0x13]  }
0x4aa: {  	[tilespmem:s22+$0x0] =	vst.add.f32.msk $0xffff, v0  }
0x4ab: {  	v0 =	vld [tilespmem:$0x144F0];
	_ =	sdelay $0x3  }
0x4ac: {  	s22 =	rddreg [dreg:$0x14]  }
0x4ad: {  	[tilespmem:s22+$0x0] =	vst.add.f32.msk $0xffff, v0  }
0x4ae: {  	v0 =	vld [tilespmem:$0x14500];
	_ =	sdelay $0x3  }
0x4af: {  	s22 =	rddreg [dreg:$0x15]  }
0x4b0: {  	[tilespmem:s22+$0x0] =	vst.add.f32.msk $0xffff, v0  }
0x4b1: {  	v0 =	vld [tilespmem:$0x14510];
	_ =	sdelay $0x3  }
0x4b2: {  	s22 =	rddreg [dreg:$0x16]  }
0x4b3: {  	[tilespmem:s22+$0x0] =	vst.add.f32.msk $0xffff, v0  }
0x4b4: {  	v0 =	vld [tilespmem:$0x14520];
	_ =	sdelay $0x3  }
0x4b5: {  	s22 =	rddreg [dreg:$0x17]  }
0x4b6: {  	[tilespmem:s22+$0x0] =	vst.add.f32.msk $0xffff, v0  }
0x4b7: {  	v0 =	vld [tilespmem:$0x14530];
	_ =	sdelay $0x3  }
0x4b8: {  	s22 =	rddreg [dreg:$0x18]  }
0x4b9: {  	[tilespmem:s22+$0x0] =	vst.add.f32.msk $0xffff, v0  }
0x4ba: {  	v0 =	vld [tilespmem:$0x14540];
	_ =	sdelay $0x3  }
0x4bb: {  	s22 =	rddreg [dreg:$0x19]  }
0x4bc: {  	[tilespmem:s22+$0x0] =	vst.add.f32.msk $0xffff, v0  }
0x4bd: {  	v0 =	vld [tilespmem:$0x14550];
	_ =	sdelay $0x3  }
0x4be: {  	s22 =	rddreg [dreg:$0x1a]  }
0x4bf: {  	[tilespmem:s22+$0x0] =	vst.add.f32.msk $0xffff, v0  }
0x4c0: {  	v0 =	vld [tilespmem:$0x14560];
	_ =	sdelay $0x3  }
0x4c1: {  	s22 =	rddreg [dreg:$0x1b]  }
0x4c2: {  	[tilespmem:s22+$0x0] =	vst.add.f32.msk $0xffff, v0  }
0x4c3: {  	v0 =	vld [tilespmem:$0x14570];
	_ =	sdelay $0x3  }
0x4c4: {  	s22 =	rddreg [dreg:$0x1c]  }
0x4c5: {  	[tilespmem:s22+$0x0] =	vst.add.f32.msk $0xffff, v0  }
0x4c6: {  	v0 =	vld [tilespmem:$0x14580];
	_ =	sdelay $0x3  }
0x4c7: {  	s22 =	rddreg [dreg:$0x1d]  }
0x4c8: {  	[tilespmem:s22+$0x0] =	vst.add.f32.msk $0xffff, v0  }
0x4c9: {  	v0 =	vld [tilespmem:$0x14590];
	_ =	sdelay $0x3  }
0x4ca: {  	s22 =	rddreg [dreg:$0x1e]  }
0x4cb: {  	[tilespmem:s22+$0x0] =	vst.add.f32.msk $0xffff, v0  }
0x4cc: {  	v0 =	vld [tilespmem:$0x145A0];
	_ =	sdelay $0x3  }
0x4cd: {  	s22 =	rddreg [dreg:$0x1f]  }
0x4ce: {  	[tilespmem:s22+$0x0] =	vst.add.f32.msk $0xffff, v0  }
0x4cf: {  	v0 =	vld [tilespmem:$0x145B0];
	_ =	sdelay $0x1  }
0x4d0: {  	s22 =	sld [smem:$0x7EB];
	_ =	sdelay $0x2  }
0x4d1: {  	[tilespmem:s22+$0x0] =	vst.add.f32.msk $0xffff, v0  }
0x4d2: {  	v0 =	vld [tilespmem:$0x145C0];
	_ =	sdelay $0x1  }
0x4d3: {  	s22 =	sld [smem:$0x7EC];
	_ =	sdelay $0x2  }
0x4d4: {  	[tilespmem:s22+$0x0] =	vst.add.f32.msk $0xffff, v0  }
0x4d5: {  	v0 =	vld [tilespmem:$0x145D0];
	_ =	sdelay $0x1  }
0x4d6: {  	s22 =	sld [smem:$0x7ED];
	_ =	sdelay $0x2  }
0x4d7: {  	[tilespmem:s22+$0x0] =	vst.add.f32.msk $0xffff, v0  }
0x4d8: {  	v0 =	vld [tilespmem:$0x145E0];
	_ =	sdelay $0x1  }
0x4d9: {  	s22 =	sld [smem:$0x7EE];
	_ =	sdelay $0x2  }
0x4da: {  	[tilespmem:s22+$0x0] =	vst.add.f32.msk $0xffff, v0  }
0x4db: {  	v0 =	vld [tilespmem:$0x145F0];
	_ =	sdelay $0x1  }
0x4dc: {  	s22 =	sld [smem:$0x7EF];
	_ =	sdelay $0x2  }
0x4dd: {  	[tilespmem:s22+$0x0] =	vst.add.f32.msk $0xffff, v0  }
0x4de: {  	v0 =	vld [tilespmem:$0x14600];
	_ =	sdelay $0x1  }
0x4df: {  	s22 =	sld [smem:$0x7F1];
	_ =	sdelay $0x2  }
0x4e0: {  	[tilespmem:s22+$0x0] =	vst.add.f32.msk $0xffff, v0  }
0x4e1: {  	v0 =	vld [tilespmem:$0x14610];
	_ =	sdelay $0x1  }
0x4e2: {  	s22 =	sld [smem:$0x7F3];
	_ =	sdelay $0x2  }
0x4e3: {  	[tilespmem:s22+$0x0] =	vst.add.f32.msk $0xffff, v0  }
0x4e4: {  	v0 =	vld [tilespmem:$0x14620];
	_ =	sdelay $0x1  }
0x4e5: {  	s22 =	sld [smem:$0x7F4];
	_ =	sdelay $0x2  }
0x4e6: {  	[tilespmem:s22+$0x0] =	vst.add.f32.msk $0xffff, v0  }
0x4e7: {  	v0 =	vld [tilespmem:$0x14630];
	_ =	sdelay $0x1  }
0x4e8: {  	s22 =	sld [smem:$0x7F5];
	_ =	sdelay $0x2  }
0x4e9: {  	[tilespmem:s22+$0x0] =	vst.add.f32.msk $0xffff, v0  }
0x4ea: {  	v0 =	vld [tilespmem:$0x14640];
	_ =	sdelay $0x1  }
0x4eb: {  	s22 =	sld [smem:$0x7F6];
	_ =	sdelay $0x2  }
0x4ec: {  	[tilespmem:s22+$0x0] =	vst.add.f32.msk $0xffff, v0  }
0x4ed: {  	v0 =	vld [tilespmem:$0x14650];
	_ =	sdelay $0x1  }
0x4ee: {  	s22 =	sld [smem:$0x7F7];
	_ =	sdelay $0x2  }
0x4ef: {  	[tilespmem:s22+$0x0] =	vst.add.f32.msk $0xffff, v0  }
0x4f0: {  	v0 =	vld [tilespmem:$0x14660];
	_ =	sdelay $0x1  }
0x4f1: {  	s22 =	sld [smem:$0x7F8];
	_ =	sdelay $0x2  }
0x4f2: {  	[tilespmem:s22+$0x0] =	vst.add.f32.msk $0xffff, v0  }
0x4f3: {  	v0 =	vld [tilespmem:$0x14670];
	_ =	sdelay $0x1  }
0x4f4: {  	s22 =	sld [smem:$0x7F9];
	_ =	sdelay $0x2  }
0x4f5: {  	[tilespmem:s22+$0x0] =	vst.add.f32.msk $0xffff, v0  }
0x4f6: {  	v0 =	vld [tilespmem:$0x14680];
	_ =	sdelay $0x4  }
0x4f7: {  	[tilespmem:s23+$0x0] =	vst.add.f32.msk $0xffff, v0  }
0x4f8: {  	v0 =	vld [tilespmem:$0x14690];
	_ =	sdelay $0x4  }
0x4f9: {  	[tilespmem:s24+$0x0] =	vst.add.f32.msk $0xffff, v0  }
0x4fa: {  	v0 =	vld [tilespmem:$0x146A0];
	_ =	sdelay $0x4  }
0x4fb: {  	[tilespmem:s25+$0x0] =	vst.add.f32.msk $0xffff, v0  }
0x4fc: {  	v0 =	vld [tilespmem:$0x146B0];
	_ =	sdelay $0x4  }
0x4fd: {  	[tilespmem:s26+$0x0] =	vst.add.f32.msk $0xffff, v0  }
0x4fe: {  	v0 =	vld [tilespmem:$0x146C0];
	_ =	sdelay $0x4  }
0x4ff: {  	[tilespmem:s28+$0x0] =	vst.add.f32.msk $0xffff, v0  }
0x500: {  	v0 =	vld [tilespmem:$0x146D0];
	_ =	sdelay $0x4  }
0x501: {  	[tilespmem:s29+$0x0] =	vst.add.f32.msk $0xffff, v0  }
0x502: {  	v0 =	vld [tilespmem:$0x146E0];
	_ =	sdelay $0x4  }
0x503: {  	[tilespmem:s30+$0x0] =	vst.add.f32.msk $0xffff, v0  }
0x504: {  	v0 =	vld [tilespmem:$0x146F0];
	_ =	sdelay $0x4  }
0x505: {  	[tilespmem:s31+$0x0] =	vst.add.f32.msk $0xffff, v0  }
0x506: {  	v0 =	vld [tilespmem:$0x14700];
	_ =	sdelay $0x4  }
0x507: {  	[tilespmem:s17+$0x0] =	vst.add.f32.msk $0xffff, v0  }
0x508: {  	v0 =	vld [tilespmem:$0x14710];
	_ =	sdelay $0x4  }
0x509: {  	[tilespmem:s18+$0x0] =	vst.add.f32.msk $0xffff, v0  }
0x50a: {  	v0 =	vld [tilespmem:$0x14720];
	_ =	sdelay $0x4  }
0x50b: {  	[tilespmem:s15+$0x0] =	vst.add.f32.msk $0xffff, v0  }
0x50c: {  	v0 =	vld [tilespmem:$0x14730];
	_ =	sdelay $0x4  }
0x50d: {  	[tilespmem:s9+$0x0] =	vst.add.f32.msk $0xffff, v0  }
0x50e: {  	v0 =	vld [tilespmem:$0x14740];
	_ =	sdelay $0x4  }
0x50f: {  	[tilespmem:s16+$0x0] =	vst.add.f32.msk $0xffff, v0  }
0x510: {  	v0 =	vld [tilespmem:$0x14750];
	_ =	sdelay $0x4  }
0x511: {  	[tilespmem:s10+$0x0] =	vst.add.f32.msk $0xffff, v0  }
0x512: {  	v0 =	vld [tilespmem:$0x14760];
	_ =	sdelay $0x4  }
0x513: {  	[tilespmem:s11+$0x0] =	vst.add.f32.msk $0xffff, v0  }
0x514: {  	v0 =	vld [tilespmem:$0x14770];
	_ =	sdelay $0x4  }
0x515: {  	[tilespmem:s13+$0x0] =	vst.add.f32.msk $0xffff, v0  }
0x516: {  	v0 =	vld [tilespmem:$0x14780];
	_ =	sdelay $0x4  }
0x517: {  	[tilespmem:s14+$0x0] =	vst.add.f32.msk $0xffff, v0  }
0x518: {  	v0 =	vld [tilespmem:$0x14790];
	_ =	sdelay $0x4  }
0x519: {  	[tilespmem:s1+$0x0] =	vst.add.f32.msk $0xffff, v0  }
0x51a: {  	v0 =	vld [tilespmem:$0x147A0];
	_ =	sdelay $0x4  }
0x51b: {  	[tilespmem:s2+$0x0] =	vst.add.f32.msk $0xffff, v0  }
0x51c: {  	v0 =	vld [tilespmem:$0x147B0];
	_ =	sdelay $0x4  }
0x51d: {  	[tilespmem:s21+$0x0] =	vst.add.f32.msk $0xffff, v0  }
0x51e: {  	v0 =	vld [tilespmem:$0x147C0];
	_ =	sdelay $0x4  }
0x51f: {  	[tilespmem:s20+$0x0] =	vst.add.f32.msk $0xffff, v0  }
0x520: {  	v0 =	vld [tilespmem:$0x147D0];
	_ =	sdelay $0x4  }
0x521: {  	[tilespmem:s7+$0x0] =	vst.add.f32.msk $0xffff, v0  }
0x522: {  	v0 =	vld [tilespmem:$0x147E0];
	_ =	sdelay $0x4  }
0x523: {  	[tilespmem:s6+$0x0] =	vst.add.f32.msk $0xffff, v0  }
0x524: {  	p0 =	sne.s32 s0, $0xF0000;
	v0 =	vld [tilespmem:$0x147F0]  }
.Ltmp11:
0x525: {  	_ = 	snop;
	(pc) =	sbr.rel @p0 .LBB2_16-.Ltmp11, $2  }
0x526: {  	_ =	sdelay $0x2  }
0x527: {  	s0 =	sadd.s32 $0x10000, s0;
	[tilespmem:s8+$0x0] =	vst.add.f32.msk $0xffff, v0  }
0x528: {  	s0 =	sld [smem:$0x7F0];
	_ =	sdelay $0x1  }
0x529: {  	s4 =	simm.s32 $0x40;
	s22 =	simm.s32 $0x80  }
0x52a: {  	[hbm4b:s0+s4] =	stream.strided.scatter [tilespmem:s5], [sflag:$0x5], $0x400, s22, s4, $0x38;
	[tilespmem:$0x18C00] =	vst v63  }
0x52b: {  	_ =	swait.ge [sflag:s19], $0x400  }
0x52c: {  	s2 =	sld [smem:$0x7E7]  }
0x52d: {  	s30 =	sld [smem:$0x7F2];
	_ =	sdelay $0x1  }
0x52e: {  	s2 =	sadd.s32 $0x1, s2  }
0x52f: {  	p0 =	sne.s32 s2, s30  }
.Ltmp12:
0x530: {  	_ = 	snop;
	(pc) =	sbr.rel @p0 .LBB2_1-.Ltmp12, $4  }
0x531: {  	s5 =	sld [smem:$0x7FA]  }
0x532: {  	s7 =	sld [smem:$0x7FB]  }
0x533: {  	[sflag:s19] =	ssyncset.done $0x0;
	s6 =	sld [smem:$0x7FC]  }
0x534: {  	s1 =	simm.s32 $0x14800;
	s8 =	sld [smem:$0x7FD];
	[sflag:s19] =	ssyncadd.s32 $0xFFFFFC00  }
0x535: {  	_ =	sfence.sel $0x180000  }
0x536: {  	[bflag:$0x0] =	sbarrier.arrive $0xFFFF  }
0x537: {  	_ =	strace $0x90000047  }
0x538: {  	s0 =	stileid.u32;
	[bflag:$0x2] =	sbarrier.arrive $0xFFFF  }
0x539: {  	p0 =	sne.s32 s0, $0x0;
	s0 =	rddreg [dreg:$0x4]  }
0x53a: {  	s0 =	sadd.s32 @!p0 $0x100000, s0  }
0x53b: {  	[sflag:s0] =	ssyncadd.tile.s32 @!p0 $0x1;
	_ =	shalt  }
.Lfunc_end2:
_tile_overlayer_lowered:
.L_overlay_start_2:
0x53c: {  	(tag) =	ssettag $0x2  }
0x53d: {  	s0 =	rddreg [dreg:$0x0];
	s2 =	stileid.u32  }
0x53e: {  	s1 =	rddreg [dreg:$0x1];
	p0 =	sne.s32 s2, $0x0  }
0x53f: {  	s3 =	rddreg [dreg:$0x2];
	[bflag:$0x3] =	sbarrier.arrive $0xFFFF;
	s2 =	simm.s32 @!p0 $0x1C05  }
0x540: {  	[timem:s3], [sflag:s2] =	dma.local @!p0 [hbm:s0], s1  }
0x541: {  	s0 =	simm.s32 @!p0 $0x5  }
0x542: {  	_ =	swait.ge @!p0 [sflag:s0], s1  }
0x543: {  	s1 =	ssub.s32 @!p0 $0x0, s1;
	[sflag:s0] =	ssyncset.done @!p0 $0x0  }
0x544: {  	[sflag:s0] =	ssyncadd.s32 @!p0 s1  }
0x545: {  	[bflag:$0x3] =	sbarrier.arrive $0xFFFF  }
0x546: {  	_ =	shalt  }

</sc_bundles>
